<compile_context>
chip_gen: v7x
topology: tpu7x:2x2x1
jax: 0.10.2.dev20260603
libtpu: 0.0.44.dev20260713+nightly
codegen_flags: <defaults>
</compile_context>

<pallas_src>
import functools

import jax
import jax.numpy as jnp
from jax import lax
from jax.experimental import pallas as pl
from jax.experimental.pallas import tpu as pltpu
from jax.experimental.pallas import tpu_sc as plsc

NTOKEN = 1000000
EMB_DIM = 32
BATCH = 16384
HIST = 200

NC = 2
NS = 16
NW = NC * NS

CHUNK = 512
NBT = CHUNK // 128
N_CHUNKS = BATCH // CHUNK
XP = CHUNK * EMB_DIM
H_STRIDE = BATCH * EMB_DIM
DT_STRIDE = 8 * BATCH
OUT_ELEMS = BATCH * HIST * EMB_DIM


def _make_kernel():
    mesh = plsc.VectorSubcoreMesh(core_axis_name="c", subcore_axis_name="s")

    @functools.partial(
        pl.kernel,
        mesh=mesh,
        out_type=jax.ShapeDtypeStruct((OUT_ELEMS,), jnp.float32),
        scratch_types=[
            pltpu.VMEM((BATCH,), jnp.int32),
            pltpu.VMEM((CHUNK, EMB_DIM), jnp.float32),
            pltpu.VMEM((CHUNK, EMB_DIM), jnp.float32),
            pltpu.VMEM((XP,), jnp.float32),
            pltpu.VMEM((XP,), jnp.float32),
            pltpu.SemaphoreType.DMA,
            pltpu.SemaphoreType.DMA,
            pltpu.SemaphoreType.DMA,
            pltpu.SemaphoreType.DMA,
        ],
        compiler_params=pltpu.CompilerParams(
            use_tc_tiling_on_sc=False, needs_layout_passes=False),
    )
    def emb_kernel(idx_hbm, table_hbm, out_hbm, idx_v, rows0, rows1,
                   xp0, xp1, sem_g0, sem_g1, sem_s0, sem_s1):
        wid = lax.axis_index("s") * NC + lax.axis_index("c")
        n_h = jnp.where(wid < HIST % NW, HIST // NW + 1, HIST // NW)
        rows = (rows0, rows1)
        xp = (xp0, xp1)
        sg = (sem_g0, sem_g1)
        ss = (sem_s0, sem_s1)
        iota16 = lax.iota(jnp.int32, 16)

        def start_gather(c, k):
            return pltpu.async_copy(
                table_hbm.at[idx_v.at[pl.ds(c * CHUNK, CHUNK)]], rows[k], sg[k])

        def wait_gather(k):
            pltpu.make_async_copy(
                table_hbm.at[idx_v.at[pl.ds(0, CHUNK)]], rows[k], sg[k]).wait()

        SEG = NBT * 1024

        def start_stores(c, k, h_base):
            for dt in range(4):
                pltpu.async_copy(
                    xp[k].at[pl.ds(dt * SEG, SEG)],
                    out_hbm.at[pl.ds(h_base + dt * DT_STRIDE + c * SEG, SEG)],
                    ss[k])

        def wait_stores(k):
            for dt in range(4):
                pltpu.make_async_copy(
                    xp[k].at[pl.ds(dt * SEG, SEG)],
                    out_hbm.at[pl.ds(dt * SEG, SEG)],
                    ss[k]).wait()

        diag = [(iota16 + j) & 15 for j in range(16)]
        cols = [[d + (n * 16) for d in diag] for n in range(2)]
        wpat = [((diag[j] >> 3) << 12) + ((diag[j] & 7) << 7) + iota16
                for j in range(16)]

        def transpose(k):
            def i_body(i, carry):
                rowv = i * 16 + iota16
                base_w = (i // 8) * 1024 + (i % 8) * 16
                for n in range(2):
                    wb = jnp.broadcast_to(base_w + n * 8192, (16,))
                    vs = [plsc.load_gather(rows[k], [rowv, cols[n][j]])
                          for j in range(16)]
                    for j in range(16):
                        plsc.store_scatter(xp[k], [wb + wpat[j]], vs[j])
                return carry

            lax.fori_loop(0, CHUNK // 16, i_body, 0)

        def h_body(ih, carry):
            h = wid + NW * ih
            pltpu.sync_copy(idx_hbm.at[pl.ds(h * BATCH, BATCH)], idx_v)
            h_base = h * H_STRIDE
            start_gather(0, 0)

            def chunk_body(si, carry2):
                for kk in range(2):
                    c = si * 2 + kk
                    wait_gather(kk)

                    @pl.when(jnp.logical_or(si < N_CHUNKS // 2 - 1, kk == 0))
                    def _():
                        start_gather(c + 1, 1 - kk)

                    @pl.when(si > 0)
                    def _():
                        wait_stores(kk)

                    transpose(kk)
                    start_stores(c, kk, h_base)
                return carry2

            lax.fori_loop(0, N_CHUNKS // 2, chunk_body, 0)
            wait_stores(0)
            wait_stores(1)
            return carry

        lax.fori_loop(0, n_h, h_body, 0)

    return emb_kernel


_emb_kernel = _make_kernel()


@jax.jit
def kernel(x, emb_weight):
    idx_hs = x.T.reshape(-1).astype(jnp.int32)
    out_flat = _emb_kernel(idx_hs, emb_weight)
    out5 = out_flat.reshape(HIST, 4, 128, 8, 128)
    return jnp.transpose(out5, (2, 4, 0, 1, 3)).reshape(BATCH, HIST, EMB_DIM)

# --- scband reference (transcript-rebuilt; emitter-appended) ---
"""Pipeline reference for scband-word-embedding-88527865905728 (READ-ONLY COPY).

The authoritative reference and input builder live on the scoring server;
editing this copy changes nothing except your own understanding.
"""

import jax, jax.numpy as jnp
import numpy as np

NTOKEN = 1000000
EMB_DIM = 32
BATCH = 16384
HIST = 200

def setup_inputs(seed: int = 0) -> dict:
    key = jax.random.key(seed)
    k_idx, k_emb = jax.random.split(key)
    x = jax.random.randint(k_idx, (BATCH, HIST), 0, NTOKEN, dtype=jnp.int64)
    # nn.Embedding(ntoken + 1, emb_dim) -> table has NTOKEN+1 rows
    emb_weight = jax.random.normal(k_emb, (NTOKEN + 1, EMB_DIM), dtype=jnp.float32) * 0.02
    return {"x": x, "emb_weight": emb_weight}

def reference(x, emb_weight):
    # forward: emb = self.emb(x); output = self.dropout(emb)
    # Dropout is identity in eval mode (deterministic reference).
    emb = jnp.take(emb_weight, x, axis=0)
    output = emb
    return output

if __name__ == "__main__":
    import jax
    _d = setup_inputs()
    print(jax.jit(kernel)(*tuple(_d.values())))

</pallas_src>

<mosaic_0001>
#map = affine_map<(d0, d1) -> (0)>
#map1 = affine_map<(d0, d1) -> (0, 0)>
module attributes {stable_mosaic.version = 14 : i64} {
  func.func @emb_kernel(%arg0: i32, %arg1: i32, %arg2: memref<3276800xi32, #tpu.memory_space<hbm>>, %arg3: memref<1000001x32xf32, #tpu.memory_space<hbm>>, %arg4: memref<104857600xf32, #tpu.memory_space<hbm>>, %arg5: memref<16384xi32, #tpu.memory_space<vmem>>, %arg6: memref<512x32xf32, #tpu.memory_space<vmem>>, %arg7: memref<512x32xf32, #tpu.memory_space<vmem>>, %arg8: memref<16384xf32, #tpu.memory_space<vmem>>, %arg9: memref<16384xf32, #tpu.memory_space<vmem>>, %arg10: memref<!tpu.dma_semaphore, #tpu.memory_space<semaphore_mem>>, %arg11: memref<!tpu.dma_semaphore, #tpu.memory_space<semaphore_mem>>, %arg12: memref<!tpu.dma_semaphore, #tpu.memory_space<semaphore_mem>>, %arg13: memref<!tpu.dma_semaphore, #tpu.memory_space<semaphore_mem>>) attributes {dimension_semantics = [#tpu.dimension_semantics<core_parallel>, #tpu.dimension_semantics<subcore_parallel>], iteration_bounds = array<i64: 2, 16>, scalar_prefetch = 0 : i64, scratch_operands = 9 : i64, tpu.core_type = #tpu.core_type<sc_vector_subcore>, window_params = [{transform_indices = #map}, {transform_indices = #map1}, {transform_indices = #map}]} {
    %mul3A = arith.constant 2 : i32
    %mul3A_0 = arith.muli %arg1, %mul3A : i32
    %add3A = arith.addi %mul3A_0, %arg0 : i32
    %lt3A = arith.constant 8 : i32
    %lt3A_1 = arith.cmpi slt, %add3A, %lt3A : i32
    %jit3A = arith.constant 7 : i32
    %jit3A_2 = arith.constant 6 : i32
    %select_n3A = arith.select %lt3A_1, %jit3A, %jit3A_2 : i32
    %iota3A = tpu.iota {dimensions = array<i32: 0>} : vector<16xi32>
    %add3A_3 = arith.constant 0 : i32
    %add3A_4 = vector.broadcast %add3A_3 : i32 to vector<16xi32>
    %add3A_5 = arith.addi %iota3A, %add3A_4 : vector<16xi32>
    %and3A = arith.constant 15 : i32
    %and3A_6 = vector.broadcast %and3A : i32 to vector<16xi32>
    %and3A_7 = arith.andi %add3A_5, %and3A_6 : vector<16xi32>
    %add3A_8 = arith.constant 1 : i32
    %add3A_9 = vector.broadcast %add3A_8 : i32 to vector<16xi32>
    %add3A_10 = arith.addi %iota3A, %add3A_9 : vector<16xi32>
    %and3A_11 = arith.constant 15 : i32
    %and3A_12 = vector.broadcast %and3A_11 : i32 to vector<16xi32>
    %and3A_13 = arith.andi %add3A_10, %and3A_12 : vector<16xi32>
    %add3A_14 = arith.constant 2 : i32
    %add3A_15 = vector.broadcast %add3A_14 : i32 to vector<16xi32>
    %add3A_16 = arith.addi %iota3A, %add3A_15 : vector<16xi32>
    %and3A_17 = arith.constant 15 : i32
    %and3A_18 = vector.broadcast %and3A_17 : i32 to vector<16xi32>
    %and3A_19 = arith.andi %add3A_16, %and3A_18 : vector<16xi32>
    %add3A_20 = arith.constant 3 : i32
    %add3A_21 = vector.broadcast %add3A_20 : i32 to vector<16xi32>
    %add3A_22 = arith.addi %iota3A, %add3A_21 : vector<16xi32>
    %and3A_23 = arith.constant 15 : i32
    %and3A_24 = vector.broadcast %and3A_23 : i32 to vector<16xi32>
    %and3A_25 = arith.andi %add3A_22, %and3A_24 : vector<16xi32>
    %add3A_26 = arith.constant 4 : i32
    %add3A_27 = vector.broadcast %add3A_26 : i32 to vector<16xi32>
    %add3A_28 = arith.addi %iota3A, %add3A_27 : vector<16xi32>
    %and3A_29 = arith.constant 15 : i32
    %and3A_30 = vector.broadcast %and3A_29 : i32 to vector<16xi32>
    %and3A_31 = arith.andi %add3A_28, %and3A_30 : vector<16xi32>
    %add3A_32 = arith.constant 5 : i32
    %add3A_33 = vector.broadcast %add3A_32 : i32 to vector<16xi32>
    %add3A_34 = arith.addi %iota3A, %add3A_33 : vector<16xi32>
    %and3A_35 = arith.constant 15 : i32
    %and3A_36 = vector.broadcast %and3A_35 : i32 to vector<16xi32>
    %and3A_37 = arith.andi %add3A_34, %and3A_36 : vector<16xi32>
    %add3A_38 = arith.constant 6 : i32
    %add3A_39 = vector.broadcast %add3A_38 : i32 to vector<16xi32>
    %add3A_40 = arith.addi %iota3A, %add3A_39 : vector<16xi32>
    %and3A_41 = arith.constant 15 : i32
    %and3A_42 = vector.broadcast %and3A_41 : i32 to vector<16xi32>
    %and3A_43 = arith.andi %add3A_40, %and3A_42 : vector<16xi32>
    %add3A_44 = arith.constant 7 : i32
    %add3A_45 = vector.broadcast %add3A_44 : i32 to vector<16xi32>
    %add3A_46 = arith.addi %iota3A, %add3A_45 : vector<16xi32>
    %and3A_47 = arith.constant 15 : i32
    %and3A_48 = vector.broadcast %and3A_47 : i32 to vector<16xi32>
    %and3A_49 = arith.andi %add3A_46, %and3A_48 : vector<16xi32>
    %add3A_50 = arith.constant 8 : i32
    %add3A_51 = vector.broadcast %add3A_50 : i32 to vector<16xi32>
    %add3A_52 = arith.addi %iota3A, %add3A_51 : vector<16xi32>
    %and3A_53 = arith.constant 15 : i32
    %and3A_54 = vector.broadcast %and3A_53 : i32 to vector<16xi32>
    %and3A_55 = arith.andi %add3A_52, %and3A_54 : vector<16xi32>
    %add3A_56 = arith.constant 9 : i32
    %add3A_57 = vector.broadcast %add3A_56 : i32 to vector<16xi32>
    %add3A_58 = arith.addi %iota3A, %add3A_57 : vector<16xi32>
    %and3A_59 = arith.constant 15 : i32
    %and3A_60 = vector.broadcast %and3A_59 : i32 to vector<16xi32>
    %and3A_61 = arith.andi %add3A_58, %and3A_60 : vector<16xi32>
    %add3A_62 = arith.constant 10 : i32
    %add3A_63 = vector.broadcast %add3A_62 : i32 to vector<16xi32>
    %add3A_64 = arith.addi %iota3A, %add3A_63 : vector<16xi32>
    %and3A_65 = arith.constant 15 : i32
    %and3A_66 = vector.broadcast %and3A_65 : i32 to vector<16xi32>
    %and3A_67 = arith.andi %add3A_64, %and3A_66 : vector<16xi32>
    %add3A_68 = arith.constant 11 : i32
    %add3A_69 = vector.broadcast %add3A_68 : i32 to vector<16xi32>
    %add3A_70 = arith.addi %iota3A, %add3A_69 : vector<16xi32>
    %and3A_71 = arith.constant 15 : i32
    %and3A_72 = vector.broadcast %and3A_71 : i32 to vector<16xi32>
    %and3A_73 = arith.andi %add3A_70, %and3A_72 : vector<16xi32>
    %add3A_74 = arith.constant 12 : i32
    %add3A_75 = vector.broadcast %add3A_74 : i32 to vector<16xi32>
    %add3A_76 = arith.addi %iota3A, %add3A_75 : vector<16xi32>
    %and3A_77 = arith.constant 15 : i32
    %and3A_78 = vector.broadcast %and3A_77 : i32 to vector<16xi32>
    %and3A_79 = arith.andi %add3A_76, %and3A_78 : vector<16xi32>
    %add3A_80 = arith.constant 13 : i32
    %add3A_81 = vector.broadcast %add3A_80 : i32 to vector<16xi32>
    %add3A_82 = arith.addi %iota3A, %add3A_81 : vector<16xi32>
    %and3A_83 = arith.constant 15 : i32
    %and3A_84 = vector.broadcast %and3A_83 : i32 to vector<16xi32>
    %and3A_85 = arith.andi %add3A_82, %and3A_84 : vector<16xi32>
    %add3A_86 = arith.constant 14 : i32
    %add3A_87 = vector.broadcast %add3A_86 : i32 to vector<16xi32>
    %add3A_88 = arith.addi %iota3A, %add3A_87 : vector<16xi32>
    %and3A_89 = arith.constant 15 : i32
    %and3A_90 = vector.broadcast %and3A_89 : i32 to vector<16xi32>
    %and3A_91 = arith.andi %add3A_88, %and3A_90 : vector<16xi32>
    %add3A_92 = arith.constant 15 : i32
    %add3A_93 = vector.broadcast %add3A_92 : i32 to vector<16xi32>
    %add3A_94 = arith.addi %iota3A, %add3A_93 : vector<16xi32>
    %and3A_95 = arith.constant 15 : i32
    %and3A_96 = vector.broadcast %and3A_95 : i32 to vector<16xi32>
    %and3A_97 = arith.andi %add3A_94, %and3A_96 : vector<16xi32>
    %add3A_98 = arith.constant 0 : i32
    %add3A_99 = vector.broadcast %add3A_98 : i32 to vector<16xi32>
    %add3A_100 = arith.addi %and3A_7, %add3A_99 : vector<16xi32>
    %add3A_101 = arith.constant 0 : i32
    %add3A_102 = vector.broadcast %add3A_101 : i32 to vector<16xi32>
    %add3A_103 = arith.addi %and3A_13, %add3A_102 : vector<16xi32>
    %add3A_104 = arith.constant 0 : i32
    %add3A_105 = vector.broadcast %add3A_104 : i32 to vector<16xi32>
    %add3A_106 = arith.addi %and3A_19, %add3A_105 : vector<16xi32>
    %add3A_107 = arith.constant 0 : i32
    %add3A_108 = vector.broadcast %add3A_107 : i32 to vector<16xi32>
    %add3A_109 = arith.addi %and3A_25, %add3A_108 : vector<16xi32>
    %add3A_110 = arith.constant 0 : i32
    %add3A_111 = vector.broadcast %add3A_110 : i32 to vector<16xi32>
    %add3A_112 = arith.addi %and3A_31, %add3A_111 : vector<16xi32>
    %add3A_113 = arith.constant 0 : i32
    %add3A_114 = vector.broadcast %add3A_113 : i32 to vector<16xi32>
    %add3A_115 = arith.addi %and3A_37, %add3A_114 : vector<16xi32>
    %add3A_116 = arith.constant 0 : i32
    %add3A_117 = vector.broadcast %add3A_116 : i32 to vector<16xi32>
    %add3A_118 = arith.addi %and3A_43, %add3A_117 : vector<16xi32>
    %add3A_119 = arith.constant 0 : i32
    %add3A_120 = vector.broadcast %add3A_119 : i32 to vector<16xi32>
    %add3A_121 = arith.addi %and3A_49, %add3A_120 : vector<16xi32>
    %add3A_122 = arith.constant 0 : i32
    %add3A_123 = vector.broadcast %add3A_122 : i32 to vector<16xi32>
    %add3A_124 = arith.addi %and3A_55, %add3A_123 : vector<16xi32>
    %add3A_125 = arith.constant 0 : i32
    %add3A_126 = vector.broadcast %add3A_125 : i32 to vector<16xi32>
    %add3A_127 = arith.addi %and3A_61, %add3A_126 : vector<16xi32>
    %add3A_128 = arith.constant 0 : i32
    %add3A_129 = vector.broadcast %add3A_128 : i32 to vector<16xi32>
    %add3A_130 = arith.addi %and3A_67, %add3A_129 : vector<16xi32>
    %add3A_131 = arith.constant 0 : i32
    %add3A_132 = vector.broadcast %add3A_131 : i32 to vector<16xi32>
    %add3A_133 = arith.addi %and3A_73, %add3A_132 : vector<16xi32>
    %add3A_134 = arith.constant 0 : i32
    %add3A_135 = vector.broadcast %add3A_134 : i32 to vector<16xi32>
    %add3A_136 = arith.addi %and3A_79, %add3A_135 : vector<16xi32>
    %add3A_137 = arith.constant 0 : i32
    %add3A_138 = vector.broadcast %add3A_137 : i32 to vector<16xi32>
    %add3A_139 = arith.addi %and3A_85, %add3A_138 : vector<16xi32>
    %add3A_140 = arith.constant 0 : i32
    %add3A_141 = vector.broadcast %add3A_140 : i32 to vector<16xi32>
    %add3A_142 = arith.addi %and3A_91, %add3A_141 : vector<16xi32>
    %add3A_143 = arith.constant 0 : i32
    %add3A_144 = vector.broadcast %add3A_143 : i32 to vector<16xi32>
    %add3A_145 = arith.addi %and3A_97, %add3A_144 : vector<16xi32>
    %add3A_146 = arith.constant 16 : i32
    %add3A_147 = vector.broadcast %add3A_146 : i32 to vector<16xi32>
    %add3A_148 = arith.addi %and3A_7, %add3A_147 : vector<16xi32>
    %add3A_149 = arith.constant 16 : i32
    %add3A_150 = vector.broadcast %add3A_149 : i32 to vector<16xi32>
    %add3A_151 = arith.addi %and3A_13, %add3A_150 : vector<16xi32>
    %add3A_152 = arith.constant 16 : i32
    %add3A_153 = vector.broadcast %add3A_152 : i32 to vector<16xi32>
    %add3A_154 = arith.addi %and3A_19, %add3A_153 : vector<16xi32>
    %add3A_155 = arith.constant 16 : i32
    %add3A_156 = vector.broadcast %add3A_155 : i32 to vector<16xi32>
    %add3A_157 = arith.addi %and3A_25, %add3A_156 : vector<16xi32>
    %add3A_158 = arith.constant 16 : i32
    %add3A_159 = vector.broadcast %add3A_158 : i32 to vector<16xi32>
    %add3A_160 = arith.addi %and3A_31, %add3A_159 : vector<16xi32>
    %add3A_161 = arith.constant 16 : i32
    %add3A_162 = vector.broadcast %add3A_161 : i32 to vector<16xi32>
    %add3A_163 = arith.addi %and3A_37, %add3A_162 : vector<16xi32>
    %add3A_164 = arith.constant 16 : i32
    %add3A_165 = vector.broadcast %add3A_164 : i32 to vector<16xi32>
    %add3A_166 = arith.addi %and3A_43, %add3A_165 : vector<16xi32>
    %add3A_167 = arith.constant 16 : i32
    %add3A_168 = vector.broadcast %add3A_167 : i32 to vector<16xi32>
    %add3A_169 = arith.addi %and3A_49, %add3A_168 : vector<16xi32>
    %add3A_170 = arith.constant 16 : i32
    %add3A_171 = vector.broadcast %add3A_170 : i32 to vector<16xi32>
    %add3A_172 = arith.addi %and3A_55, %add3A_171 : vector<16xi32>
    %add3A_173 = arith.constant 16 : i32
    %add3A_174 = vector.broadcast %add3A_173 : i32 to vector<16xi32>
    %add3A_175 = arith.addi %and3A_61, %add3A_174 : vector<16xi32>
    %add3A_176 = arith.constant 16 : i32
    %add3A_177 = vector.broadcast %add3A_176 : i32 to vector<16xi32>
    %add3A_178 = arith.addi %and3A_67, %add3A_177 : vector<16xi32>
    %add3A_179 = arith.constant 16 : i32
    %add3A_180 = vector.broadcast %add3A_179 : i32 to vector<16xi32>
    %add3A_181 = arith.addi %and3A_73, %add3A_180 : vector<16xi32>
    %add3A_182 = arith.constant 16 : i32
    %add3A_183 = vector.broadcast %add3A_182 : i32 to vector<16xi32>
    %add3A_184 = arith.addi %and3A_79, %add3A_183 : vector<16xi32>
    %add3A_185 = arith.constant 16 : i32
    %add3A_186 = vector.broadcast %add3A_185 : i32 to vector<16xi32>
    %add3A_187 = arith.addi %and3A_85, %add3A_186 : vector<16xi32>
    %add3A_188 = arith.constant 16 : i32
    %add3A_189 = vector.broadcast %add3A_188 : i32 to vector<16xi32>
    %add3A_190 = arith.addi %and3A_91, %add3A_189 : vector<16xi32>
    %add3A_191 = arith.constant 16 : i32
    %add3A_192 = vector.broadcast %add3A_191 : i32 to vector<16xi32>
    %add3A_193 = arith.addi %and3A_97, %add3A_192 : vector<16xi32>
    %shift_right_arithmetic3A = arith.constant 3 : i32
    %shift_right_arithmetic3A_194 = vector.broadcast %shift_right_arithmetic3A : i32 to vector<16xi32>
    %shift_right_arithmetic3A_195 = arith.shrsi %and3A_7, %shift_right_arithmetic3A_194 : vector<16xi32>
    %shift_left3A = arith.constant 12 : i32
    %shift_left3A_196 = vector.broadcast %shift_left3A : i32 to vector<16xi32>
    %shift_left3A_197 = arith.shli %shift_right_arithmetic3A_195, %shift_left3A_196 : vector<16xi32>
    %and3A_198 = arith.constant 7 : i32
    %and3A_199 = vector.broadcast %and3A_198 : i32 to vector<16xi32>
    %and3A_200 = arith.andi %and3A_7, %and3A_199 : vector<16xi32>
    %shift_left3A_201 = arith.constant 7 : i32
    %shift_left3A_202 = vector.broadcast %shift_left3A_201 : i32 to vector<16xi32>
    %shift_left3A_203 = arith.shli %and3A_200, %shift_left3A_202 : vector<16xi32>
    %add3A_204 = arith.addi %shift_left3A_197, %shift_left3A_203 : vector<16xi32>
    %add3A_205 = arith.addi %add3A_204, %iota3A : vector<16xi32>
    %shift_right_arithmetic3A_206 = arith.constant 3 : i32
    %shift_right_arithmetic3A_207 = vector.broadcast %shift_right_arithmetic3A_206 : i32 to vector<16xi32>
    %shift_right_arithmetic3A_208 = arith.shrsi %and3A_13, %shift_right_arithmetic3A_207 : vector<16xi32>
    %shift_left3A_209 = arith.constant 12 : i32
    %shift_left3A_210 = vector.broadcast %shift_left3A_209 : i32 to vector<16xi32>
    %shift_left3A_211 = arith.shli %shift_right_arithmetic3A_208, %shift_left3A_210 : vector<16xi32>
    %and3A_212 = arith.constant 7 : i32
    %and3A_213 = vector.broadcast %and3A_212 : i32 to vector<16xi32>
    %and3A_214 = arith.andi %and3A_13, %and3A_213 : vector<16xi32>
    %shift_left3A_215 = arith.constant 7 : i32
    %shift_left3A_216 = vector.broadcast %shift_left3A_215 : i32 to vector<16xi32>
    %shift_left3A_217 = arith.shli %and3A_214, %shift_left3A_216 : vector<16xi32>
    %add3A_218 = arith.addi %shift_left3A_211, %shift_left3A_217 : vector<16xi32>
    %add3A_219 = arith.addi %add3A_218, %iota3A : vector<16xi32>
    %shift_right_arithmetic3A_220 = arith.constant 3 : i32
    %shift_right_arithmetic3A_221 = vector.broadcast %shift_right_arithmetic3A_220 : i32 to vector<16xi32>
    %shift_right_arithmetic3A_222 = arith.shrsi %and3A_19, %shift_right_arithmetic3A_221 : vector<16xi32>
    %shift_left3A_223 = arith.constant 12 : i32
    %shift_left3A_224 = vector.broadcast %shift_left3A_223 : i32 to vector<16xi32>
    %shift_left3A_225 = arith.shli %shift_right_arithmetic3A_222, %shift_left3A_224 : vector<16xi32>
    %and3A_226 = arith.constant 7 : i32
    %and3A_227 = vector.broadcast %and3A_226 : i32 to vector<16xi32>
    %and3A_228 = arith.andi %and3A_19, %and3A_227 : vector<16xi32>
    %shift_left3A_229 = arith.constant 7 : i32
    %shift_left3A_230 = vector.broadcast %shift_left3A_229 : i32 to vector<16xi32>
    %shift_left3A_231 = arith.shli %and3A_228, %shift_left3A_230 : vector<16xi32>
    %add3A_232 = arith.addi %shift_left3A_225, %shift_left3A_231 : vector<16xi32>
    %add3A_233 = arith.addi %add3A_232, %iota3A : vector<16xi32>
    %shift_right_arithmetic3A_234 = arith.constant 3 : i32
    %shift_right_arithmetic3A_235 = vector.broadcast %shift_right_arithmetic3A_234 : i32 to vector<16xi32>
    %shift_right_arithmetic3A_236 = arith.shrsi %and3A_25, %shift_right_arithmetic3A_235 : vector<16xi32>
    %shift_left3A_237 = arith.constant 12 : i32
    %shift_left3A_238 = vector.broadcast %shift_left3A_237 : i32 to vector<16xi32>
    %shift_left3A_239 = arith.shli %shift_right_arithmetic3A_236, %shift_left3A_238 : vector<16xi32>
    %and3A_240 = arith.constant 7 : i32
    %and3A_241 = vector.broadcast %and3A_240 : i32 to vector<16xi32>
    %and3A_242 = arith.andi %and3A_25, %and3A_241 : vector<16xi32>
    %shift_left3A_243 = arith.constant 7 : i32
    %shift_left3A_244 = vector.broadcast %shift_left3A_243 : i32 to vector<16xi32>
    %shift_left3A_245 = arith.shli %and3A_242, %shift_left3A_244 : vector<16xi32>
    %add3A_246 = arith.addi %shift_left3A_239, %shift_left3A_245 : vector<16xi32>
    %add3A_247 = arith.addi %add3A_246, %iota3A : vector<16xi32>
    %shift_right_arithmetic3A_248 = arith.constant 3 : i32
    %shift_right_arithmetic3A_249 = vector.broadcast %shift_right_arithmetic3A_248 : i32 to vector<16xi32>
    %shift_right_arithmetic3A_250 = arith.shrsi %and3A_31, %shift_right_arithmetic3A_249 : vector<16xi32>
    %shift_left3A_251 = arith.constant 12 : i32
    %shift_left3A_252 = vector.broadcast %shift_left3A_251 : i32 to vector<16xi32>
    %shift_left3A_253 = arith.shli %shift_right_arithmetic3A_250, %shift_left3A_252 : vector<16xi32>
    %and3A_254 = arith.constant 7 : i32
    %and3A_255 = vector.broadcast %and3A_254 : i32 to vector<16xi32>
    %and3A_256 = arith.andi %and3A_31, %and3A_255 : vector<16xi32>
    %shift_left3A_257 = arith.constant 7 : i32
    %shift_left3A_258 = vector.broadcast %shift_left3A_257 : i32 to vector<16xi32>
    %shift_left3A_259 = arith.shli %and3A_256, %shift_left3A_258 : vector<16xi32>
    %add3A_260 = arith.addi %shift_left3A_253, %shift_left3A_259 : vector<16xi32>
    %add3A_261 = arith.addi %add3A_260, %iota3A : vector<16xi32>
    %shift_right_arithmetic3A_262 = arith.constant 3 : i32
    %shift_right_arithmetic3A_263 = vector.broadcast %shift_right_arithmetic3A_262 : i32 to vector<16xi32>
    %shift_right_arithmetic3A_264 = arith.shrsi %and3A_37, %shift_right_arithmetic3A_263 : vector<16xi32>
    %shift_left3A_265 = arith.constant 12 : i32
    %shift_left3A_266 = vector.broadcast %shift_left3A_265 : i32 to vector<16xi32>
    %shift_left3A_267 = arith.shli %shift_right_arithmetic3A_264, %shift_left3A_266 : vector<16xi32>
    %and3A_268 = arith.constant 7 : i32
    %and3A_269 = vector.broadcast %and3A_268 : i32 to vector<16xi32>
    %and3A_270 = arith.andi %and3A_37, %and3A_269 : vector<16xi32>
    %shift_left3A_271 = arith.constant 7 : i32
    %shift_left3A_272 = vector.broadcast %shift_left3A_271 : i32 to vector<16xi32>
    %shift_left3A_273 = arith.shli %and3A_270, %shift_left3A_272 : vector<16xi32>
    %add3A_274 = arith.addi %shift_left3A_267, %shift_left3A_273 : vector<16xi32>
    %add3A_275 = arith.addi %add3A_274, %iota3A : vector<16xi32>
    %shift_right_arithmetic3A_276 = arith.constant 3 : i32
    %shift_right_arithmetic3A_277 = vector.broadcast %shift_right_arithmetic3A_276 : i32 to vector<16xi32>
    %shift_right_arithmetic3A_278 = arith.shrsi %and3A_43, %shift_right_arithmetic3A_277 : vector<16xi32>
    %shift_left3A_279 = arith.constant 12 : i32
    %shift_left3A_280 = vector.broadcast %shift_left3A_279 : i32 to vector<16xi32>
    %shift_left3A_281 = arith.shli %shift_right_arithmetic3A_278, %shift_left3A_280 : vector<16xi32>
    %and3A_282 = arith.constant 7 : i32
    %and3A_283 = vector.broadcast %and3A_282 : i32 to vector<16xi32>
    %and3A_284 = arith.andi %and3A_43, %and3A_283 : vector<16xi32>
    %shift_left3A_285 = arith.constant 7 : i32
    %shift_left3A_286 = vector.broadcast %shift_left3A_285 : i32 to vector<16xi32>
    %shift_left3A_287 = arith.shli %and3A_284, %shift_left3A_286 : vector<16xi32>
    %add3A_288 = arith.addi %shift_left3A_281, %shift_left3A_287 : vector<16xi32>
    %add3A_289 = arith.addi %add3A_288, %iota3A : vector<16xi32>
    %shift_right_arithmetic3A_290 = arith.constant 3 : i32
    %shift_right_arithmetic3A_291 = vector.broadcast %shift_right_arithmetic3A_290 : i32 to vector<16xi32>
    %shift_right_arithmetic3A_292 = arith.shrsi %and3A_49, %shift_right_arithmetic3A_291 : vector<16xi32>
    %shift_left3A_293 = arith.constant 12 : i32
    %shift_left3A_294 = vector.broadcast %shift_left3A_293 : i32 to vector<16xi32>
    %shift_left3A_295 = arith.shli %shift_right_arithmetic3A_292, %shift_left3A_294 : vector<16xi32>
    %and3A_296 = arith.constant 7 : i32
    %and3A_297 = vector.broadcast %and3A_296 : i32 to vector<16xi32>
    %and3A_298 = arith.andi %and3A_49, %and3A_297 : vector<16xi32>
    %shift_left3A_299 = arith.constant 7 : i32
    %shift_left3A_300 = vector.broadcast %shift_left3A_299 : i32 to vector<16xi32>
    %shift_left3A_301 = arith.shli %and3A_298, %shift_left3A_300 : vector<16xi32>
    %add3A_302 = arith.addi %shift_left3A_295, %shift_left3A_301 : vector<16xi32>
    %add3A_303 = arith.addi %add3A_302, %iota3A : vector<16xi32>
    %shift_right_arithmetic3A_304 = arith.constant 3 : i32
    %shift_right_arithmetic3A_305 = vector.broadcast %shift_right_arithmetic3A_304 : i32 to vector<16xi32>
    %shift_right_arithmetic3A_306 = arith.shrsi %and3A_55, %shift_right_arithmetic3A_305 : vector<16xi32>
    %shift_left3A_307 = arith.constant 12 : i32
    %shift_left3A_308 = vector.broadcast %shift_left3A_307 : i32 to vector<16xi32>
    %shift_left3A_309 = arith.shli %shift_right_arithmetic3A_306, %shift_left3A_308 : vector<16xi32>
    %and3A_310 = arith.constant 7 : i32
    %and3A_311 = vector.broadcast %and3A_310 : i32 to vector<16xi32>
    %and3A_312 = arith.andi %and3A_55, %and3A_311 : vector<16xi32>
    %shift_left3A_313 = arith.constant 7 : i32
    %shift_left3A_314 = vector.broadcast %shift_left3A_313 : i32 to vector<16xi32>
    %shift_left3A_315 = arith.shli %and3A_312, %shift_left3A_314 : vector<16xi32>
    %add3A_316 = arith.addi %shift_left3A_309, %shift_left3A_315 : vector<16xi32>
    %add3A_317 = arith.addi %add3A_316, %iota3A : vector<16xi32>
    %shift_right_arithmetic3A_318 = arith.constant 3 : i32
    %shift_right_arithmetic3A_319 = vector.broadcast %shift_right_arithmetic3A_318 : i32 to vector<16xi32>
    %shift_right_arithmetic3A_320 = arith.shrsi %and3A_61, %shift_right_arithmetic3A_319 : vector<16xi32>
    %shift_left3A_321 = arith.constant 12 : i32
    %shift_left3A_322 = vector.broadcast %shift_left3A_321 : i32 to vector<16xi32>
    %shift_left3A_323 = arith.shli %shift_right_arithmetic3A_320, %shift_left3A_322 : vector<16xi32>
    %and3A_324 = arith.constant 7 : i32
    %and3A_325 = vector.broadcast %and3A_324 : i32 to vector<16xi32>
    %and3A_326 = arith.andi %and3A_61, %and3A_325 : vector<16xi32>
    %shift_left3A_327 = arith.constant 7 : i32
    %shift_left3A_328 = vector.broadcast %shift_left3A_327 : i32 to vector<16xi32>
    %shift_left3A_329 = arith.shli %and3A_326, %shift_left3A_328 : vector<16xi32>
    %add3A_330 = arith.addi %shift_left3A_323, %shift_left3A_329 : vector<16xi32>
    %add3A_331 = arith.addi %add3A_330, %iota3A : vector<16xi32>
    %shift_right_arithmetic3A_332 = arith.constant 3 : i32
    %shift_right_arithmetic3A_333 = vector.broadcast %shift_right_arithmetic3A_332 : i32 to vector<16xi32>
    %shift_right_arithmetic3A_334 = arith.shrsi %and3A_67, %shift_right_arithmetic3A_333 : vector<16xi32>
    %shift_left3A_335 = arith.constant 12 : i32
    %shift_left3A_336 = vector.broadcast %shift_left3A_335 : i32 to vector<16xi32>
    %shift_left3A_337 = arith.shli %shift_right_arithmetic3A_334, %shift_left3A_336 : vector<16xi32>
    %and3A_338 = arith.constant 7 : i32
    %and3A_339 = vector.broadcast %and3A_338 : i32 to vector<16xi32>
    %and3A_340 = arith.andi %and3A_67, %and3A_339 : vector<16xi32>
    %shift_left3A_341 = arith.constant 7 : i32
    %shift_left3A_342 = vector.broadcast %shift_left3A_341 : i32 to vector<16xi32>
    %shift_left3A_343 = arith.shli %and3A_340, %shift_left3A_342 : vector<16xi32>
    %add3A_344 = arith.addi %shift_left3A_337, %shift_left3A_343 : vector<16xi32>
    %add3A_345 = arith.addi %add3A_344, %iota3A : vector<16xi32>
    %shift_right_arithmetic3A_346 = arith.constant 3 : i32
    %shift_right_arithmetic3A_347 = vector.broadcast %shift_right_arithmetic3A_346 : i32 to vector<16xi32>
    %shift_right_arithmetic3A_348 = arith.shrsi %and3A_73, %shift_right_arithmetic3A_347 : vector<16xi32>
    %shift_left3A_349 = arith.constant 12 : i32
    %shift_left3A_350 = vector.broadcast %shift_left3A_349 : i32 to vector<16xi32>
    %shift_left3A_351 = arith.shli %shift_right_arithmetic3A_348, %shift_left3A_350 : vector<16xi32>
    %and3A_352 = arith.constant 7 : i32
    %and3A_353 = vector.broadcast %and3A_352 : i32 to vector<16xi32>
    %and3A_354 = arith.andi %and3A_73, %and3A_353 : vector<16xi32>
    %shift_left3A_355 = arith.constant 7 : i32
    %shift_left3A_356 = vector.broadcast %shift_left3A_355 : i32 to vector<16xi32>
    %shift_left3A_357 = arith.shli %and3A_354, %shift_left3A_356 : vector<16xi32>
    %add3A_358 = arith.addi %shift_left3A_351, %shift_left3A_357 : vector<16xi32>
    %add3A_359 = arith.addi %add3A_358, %iota3A : vector<16xi32>
    %shift_right_arithmetic3A_360 = arith.constant 3 : i32
    %shift_right_arithmetic3A_361 = vector.broadcast %shift_right_arithmetic3A_360 : i32 to vector<16xi32>
    %shift_right_arithmetic3A_362 = arith.shrsi %and3A_79, %shift_right_arithmetic3A_361 : vector<16xi32>
    %shift_left3A_363 = arith.constant 12 : i32
    %shift_left3A_364 = vector.broadcast %shift_left3A_363 : i32 to vector<16xi32>
    %shift_left3A_365 = arith.shli %shift_right_arithmetic3A_362, %shift_left3A_364 : vector<16xi32>
    %and3A_366 = arith.constant 7 : i32
    %and3A_367 = vector.broadcast %and3A_366 : i32 to vector<16xi32>
    %and3A_368 = arith.andi %and3A_79, %and3A_367 : vector<16xi32>
    %shift_left3A_369 = arith.constant 7 : i32
    %shift_left3A_370 = vector.broadcast %shift_left3A_369 : i32 to vector<16xi32>
    %shift_left3A_371 = arith.shli %and3A_368, %shift_left3A_370 : vector<16xi32>
    %add3A_372 = arith.addi %shift_left3A_365, %shift_left3A_371 : vector<16xi32>
    %add3A_373 = arith.addi %add3A_372, %iota3A : vector<16xi32>
    %shift_right_arithmetic3A_374 = arith.constant 3 : i32
    %shift_right_arithmetic3A_375 = vector.broadcast %shift_right_arithmetic3A_374 : i32 to vector<16xi32>
    %shift_right_arithmetic3A_376 = arith.shrsi %and3A_85, %shift_right_arithmetic3A_375 : vector<16xi32>
    %shift_left3A_377 = arith.constant 12 : i32
    %shift_left3A_378 = vector.broadcast %shift_left3A_377 : i32 to vector<16xi32>
    %shift_left3A_379 = arith.shli %shift_right_arithmetic3A_376, %shift_left3A_378 : vector<16xi32>
    %and3A_380 = arith.constant 7 : i32
    %and3A_381 = vector.broadcast %and3A_380 : i32 to vector<16xi32>
    %and3A_382 = arith.andi %and3A_85, %and3A_381 : vector<16xi32>
    %shift_left3A_383 = arith.constant 7 : i32
    %shift_left3A_384 = vector.broadcast %shift_left3A_383 : i32 to vector<16xi32>
    %shift_left3A_385 = arith.shli %and3A_382, %shift_left3A_384 : vector<16xi32>
    %add3A_386 = arith.addi %shift_left3A_379, %shift_left3A_385 : vector<16xi32>
    %add3A_387 = arith.addi %add3A_386, %iota3A : vector<16xi32>
    %shift_right_arithmetic3A_388 = arith.constant 3 : i32
    %shift_right_arithmetic3A_389 = vector.broadcast %shift_right_arithmetic3A_388 : i32 to vector<16xi32>
    %shift_right_arithmetic3A_390 = arith.shrsi %and3A_91, %shift_right_arithmetic3A_389 : vector<16xi32>
    %shift_left3A_391 = arith.constant 12 : i32
    %shift_left3A_392 = vector.broadcast %shift_left3A_391 : i32 to vector<16xi32>
    %shift_left3A_393 = arith.shli %shift_right_arithmetic3A_390, %shift_left3A_392 : vector<16xi32>
    %and3A_394 = arith.constant 7 : i32
    %and3A_395 = vector.broadcast %and3A_394 : i32 to vector<16xi32>
    %and3A_396 = arith.andi %and3A_91, %and3A_395 : vector<16xi32>
    %shift_left3A_397 = arith.constant 7 : i32
    %shift_left3A_398 = vector.broadcast %shift_left3A_397 : i32 to vector<16xi32>
    %shift_left3A_399 = arith.shli %and3A_396, %shift_left3A_398 : vector<16xi32>
    %add3A_400 = arith.addi %shift_left3A_393, %shift_left3A_399 : vector<16xi32>
    %add3A_401 = arith.addi %add3A_400, %iota3A : vector<16xi32>
    %shift_right_arithmetic3A_402 = arith.constant 3 : i32
    %shift_right_arithmetic3A_403 = vector.broadcast %shift_right_arithmetic3A_402 : i32 to vector<16xi32>
    %shift_right_arithmetic3A_404 = arith.shrsi %and3A_97, %shift_right_arithmetic3A_403 : vector<16xi32>
    %shift_left3A_405 = arith.constant 12 : i32
    %shift_left3A_406 = vector.broadcast %shift_left3A_405 : i32 to vector<16xi32>
    %shift_left3A_407 = arith.shli %shift_right_arithmetic3A_404, %shift_left3A_406 : vector<16xi32>
    %and3A_408 = arith.constant 7 : i32
    %and3A_409 = vector.broadcast %and3A_408 : i32 to vector<16xi32>
    %and3A_410 = arith.andi %and3A_97, %and3A_409 : vector<16xi32>
    %shift_left3A_411 = arith.constant 7 : i32
    %shift_left3A_412 = vector.broadcast %shift_left3A_411 : i32 to vector<16xi32>
    %shift_left3A_413 = arith.shli %and3A_410, %shift_left3A_412 : vector<16xi32>
    %add3A_414 = arith.addi %shift_left3A_407, %shift_left3A_413 : vector<16xi32>
    %add3A_415 = arith.addi %add3A_414, %iota3A : vector<16xi32>
    %while3A = arith.constant 0 : i32
    %while3A_416 = arith.constant 0 : i32
    %while3A_417 = arith.subi %select_n3A, %while3A_416 : i32
    %while3A_418 = arith.addi %while3A_416, %while3A_417 : i32
    %while3A_419 = arith.constant 1 : i32
    %while3A_420 = arith.divsi %while3A_417, %while3A_419 : i32
    %while3A_421 = arith.muli %while3A_420, %while3A_419 : i32
    %while3A_422 = arith.addi %while3A_416, %while3A_421 : i32
    %while3A_423 = arith.constant 1 : i32
    scf.for %while3A_425 = %while3A_416 to %while3A_422 step %while3A_423  : i32 {
      %mul3A_426 = arith.constant 32 : i32
      %mul3A_427 = arith.muli %mul3A_426, %while3A_425 : i32
      %add3A_428 = arith.addi %add3A, %mul3A_427 : i32
      %mul3A_429 = arith.constant 16384 : i32
      %mul3A_430 = arith.muli %add3A_428, %mul3A_429 : i32
      "tpu.region"() ({
        %run_scoped3A = tpu.sem_alloc : memref<!tpu.dma_semaphore, #tpu.memory_space<semaphore_mem>>
        %dma_start3A_505 = tpu.memref_slice %arg2[%mul3A_430] : memref<3276800xi32, #tpu.memory_space<hbm>> -> memref<16384xi32, #tpu.memory_space<hbm>>
        %dma_start3A_506 = tpu.memref_slice %arg2[%mul3A_430] : memref<3276800xi32, #tpu.memory_space<hbm>> -> memref<16384xi32, #tpu.memory_space<hbm>>
        tpu.enqueue_dma source(%dma_start3A_506 : memref<16384xi32, #tpu.memory_space<hbm>>) target(%arg5 : memref<16384xi32, #tpu.memory_space<vmem>>) target_semaphore(%run_scoped3A : memref<!tpu.dma_semaphore, #tpu.memory_space<semaphore_mem>>)
        %dma_wait3A_507 = tpu.memref_slice %arg2[%mul3A_430] : memref<3276800xi32, #tpu.memory_space<hbm>> -> memref<16384xi32, #tpu.memory_space<hbm>>
        %dma_wait3A_508 = tpu.memref_slice %arg2[%mul3A_430] : memref<3276800xi32, #tpu.memory_space<hbm>> -> memref<16384xi32, #tpu.memory_space<hbm>>
        tpu.wait_dma2 semaphore(%run_scoped3A : memref<!tpu.dma_semaphore, #tpu.memory_space<semaphore_mem>>) src(%dma_wait3A_508 : memref<16384xi32, #tpu.memory_space<hbm>>) dst(%arg5 : memref<16384xi32, #tpu.memory_space<vmem>>)
        tpu.yield
      }) : () -> ()
      %mul3A_431 = arith.constant 524288 : i32
      %mul3A_432 = arith.muli %add3A_428, %mul3A_431 : i32
      %dma_start3A = arith.constant 0 : i32
      %dma_start3A_433 = tpu.memref_slice %arg5[%dma_start3A] : memref<16384xi32, #tpu.memory_space<vmem>> -> memref<512xi32, #tpu.memory_space<vmem>>
      %dma_start3A_434 = arith.constant 0 : i32
      %dma_start3A_435 = arith.constant 0 : i32
      %dma_start3A_436 = tpu.memref_slice %arg3[%dma_start3A_434, %dma_start3A_435] : memref<1000001x32xf32, #tpu.memory_space<hbm>> -> memref<1000001x32xf32, #tpu.memory_space<hbm>>
      tpu.enqueue_indirect_dma source(%dma_start3A_436 : memref<1000001x32xf32, #tpu.memory_space<hbm>>) target(%arg6 : memref<512x32xf32, #tpu.memory_space<vmem>>) offsets(%dma_start3A_433 : memref<512xi32, #tpu.memory_space<vmem>>) semaphore(%arg10 : memref<!tpu.dma_semaphore, #tpu.memory_space<semaphore_mem>>)
      %scan3A = arith.constant 0 : i32
      %scan3A_437 = arith.constant 0 : i32
      %scan3A_438 = arith.constant 16 : i32
      %scan3A_439 = arith.addi %scan3A_437, %scan3A_438 : i32
      %scan3A_440 = arith.constant 1 : i32
      scf.for %scan3A_505 = %scan3A_437 to %scan3A_439 step %scan3A_440  : i32 {
        %mul3A_506 = arith.constant 2 : i32
        %mul3A_507 = arith.muli %scan3A_505, %mul3A_506 : i32
        %add3A_508 = arith.constant 0 : i32
        %add3A_509 = arith.addi %mul3A_507, %add3A_508 : i32
        %dma_wait3A_510 = arith.constant 0 : i32
        %dma_wait3A_511 = tpu.memref_slice %arg5[%dma_wait3A_510] : memref<16384xi32, #tpu.memory_space<vmem>> -> memref<512xi32, #tpu.memory_space<vmem>>
        %dma_wait3A_512 = arith.constant 0 : i32
        %dma_wait3A_513 = arith.constant 0 : i32
        %dma_wait3A_514 = tpu.memref_slice %arg3[%dma_wait3A_512, %dma_wait3A_513] : memref<1000001x32xf32, #tpu.memory_space<hbm>> -> memref<1000001x32xf32, #tpu.memory_space<hbm>>
        tpu.wait_indirect_dma semaphore(%arg10 : memref<!tpu.dma_semaphore, #tpu.memory_space<semaphore_mem>>) src(%dma_wait3A_514 : memref<1000001x32xf32, #tpu.memory_space<hbm>>) dst(%arg6 : memref<512x32xf32, #tpu.memory_space<vmem>>)
        %lt3A_515 = arith.constant 15 : i32
        %lt3A_516 = arith.cmpi slt, %scan3A_505, %lt3A_515 : i32
        %or3A = arith.constant true
        %or3A_517 = arith.ori %lt3A_516, %or3A : i1
        %convert_element_type3A = arith.extui %or3A_517 : i1 to i32
        %cond3A = arith.constant 0 : i32
        %cond3A_518 = arith.cmpi ne, %convert_element_type3A, %cond3A : i32
        scf.if %cond3A_518 {
          %add3A_644 = arith.constant 1 : i32
          %add3A_645 = arith.addi %add3A_509, %add3A_644 : i32
          %mul3A_646 = arith.constant 512 : i32
          %mul3A_647 = arith.muli %add3A_645, %mul3A_646 : i32
          %dma_start3A_648 = tpu.memref_slice %arg5[%mul3A_647] : memref<16384xi32, #tpu.memory_space<vmem>> -> memref<512xi32, #tpu.memory_space<vmem>>
          %dma_start3A_649 = arith.constant 0 : i32
          %dma_start3A_650 = arith.constant 0 : i32
          %dma_start3A_651 = tpu.memref_slice %arg3[%dma_start3A_649, %dma_start3A_650] : memref<1000001x32xf32, #tpu.memory_space<hbm>> -> memref<1000001x32xf32, #tpu.memory_space<hbm>>
          tpu.enqueue_indirect_dma source(%dma_start3A_651 : memref<1000001x32xf32, #tpu.memory_space<hbm>>) target(%arg7 : memref<512x32xf32, #tpu.memory_space<vmem>>) offsets(%dma_start3A_648 : memref<512xi32, #tpu.memory_space<vmem>>) semaphore(%arg11 : memref<!tpu.dma_semaphore, #tpu.memory_space<semaphore_mem>>)
        } else {
        }
        %gt3A = arith.constant 0 : i32
        %gt3A_519 = arith.cmpi sgt, %scan3A_505, %gt3A : i32
        %convert_element_type3A_520 = arith.extui %gt3A_519 : i1 to i32
        %cond3A_521 = arith.constant 0 : i32
        %cond3A_522 = arith.cmpi ne, %convert_element_type3A_520, %cond3A_521 : i32
        scf.if %cond3A_522 {
          %dma_wait3A_644 = arith.constant 0 : i32
          %dma_wait3A_645 = tpu.memref_slice %arg8[%dma_wait3A_644] : memref<16384xf32, #tpu.memory_space<vmem>> -> memref<4096xf32, #tpu.memory_space<vmem>>
          %dma_wait3A_646 = arith.constant 0 : i32
          %dma_wait3A_647 = tpu.memref_slice %arg4[%dma_wait3A_646] : memref<104857600xf32, #tpu.memory_space<hbm>> -> memref<4096xf32, #tpu.memory_space<hbm>>
          %dma_wait3A_648 = arith.constant 0 : i32
          %dma_wait3A_649 = tpu.memref_slice %arg4[%dma_wait3A_648] : memref<104857600xf32, #tpu.memory_space<hbm>> -> memref<4096xf32, #tpu.memory_space<hbm>>
          %dma_wait3A_650 = arith.constant 0 : i32
          %dma_wait3A_651 = tpu.memref_slice %arg8[%dma_wait3A_650] : memref<16384xf32, #tpu.memory_space<vmem>> -> memref<4096xf32, #tpu.memory_space<vmem>>
          tpu.wait_dma2 semaphore(%arg12 : memref<!tpu.dma_semaphore, #tpu.memory_space<semaphore_mem>>) src(%dma_wait3A_651 : memref<4096xf32, #tpu.memory_space<vmem>>) dst(%dma_wait3A_649 : memref<4096xf32, #tpu.memory_space<hbm>>)
          %dma_wait3A_652 = arith.constant 4096 : i32
          %dma_wait3A_653 = tpu.memref_slice %arg8[%dma_wait3A_652] : memref<16384xf32, #tpu.memory_space<vmem>> -> memref<4096xf32, #tpu.memory_space<vmem>>
          %dma_wait3A_654 = arith.constant 4096 : i32
          %dma_wait3A_655 = tpu.memref_slice %arg4[%dma_wait3A_654] : memref<104857600xf32, #tpu.memory_space<hbm>> -> memref<4096xf32, #tpu.memory_space<hbm>>
          %dma_wait3A_656 = arith.constant 4096 : i32
          %dma_wait3A_657 = tpu.memref_slice %arg4[%dma_wait3A_656] : memref<104857600xf32, #tpu.memory_space<hbm>> -> memref<4096xf32, #tpu.memory_space<hbm>>
          %dma_wait3A_658 = arith.constant 4096 : i32
          %dma_wait3A_659 = tpu.memref_slice %arg8[%dma_wait3A_658] : memref<16384xf32, #tpu.memory_space<vmem>> -> memref<4096xf32, #tpu.memory_space<vmem>>
          tpu.wait_dma2 semaphore(%arg12 : memref<!tpu.dma_semaphore, #tpu.memory_space<semaphore_mem>>) src(%dma_wait3A_659 : memref<4096xf32, #tpu.memory_space<vmem>>) dst(%dma_wait3A_657 : memref<4096xf32, #tpu.memory_space<hbm>>)
          %dma_wait3A_660 = arith.constant 8192 : i32
          %dma_wait3A_661 = tpu.memref_slice %arg8[%dma_wait3A_660] : memref<16384xf32, #tpu.memory_space<vmem>> -> memref<4096xf32, #tpu.memory_space<vmem>>
          %dma_wait3A_662 = arith.constant 8192 : i32
          %dma_wait3A_663 = tpu.memref_slice %arg4[%dma_wait3A_662] : memref<104857600xf32, #tpu.memory_space<hbm>> -> memref<4096xf32, #tpu.memory_space<hbm>>
          %dma_wait3A_664 = arith.constant 8192 : i32
          %dma_wait3A_665 = tpu.memref_slice %arg4[%dma_wait3A_664] : memref<104857600xf32, #tpu.memory_space<hbm>> -> memref<4096xf32, #tpu.memory_space<hbm>>
          %dma_wait3A_666 = arith.constant 8192 : i32
          %dma_wait3A_667 = tpu.memref_slice %arg8[%dma_wait3A_666] : memref<16384xf32, #tpu.memory_space<vmem>> -> memref<4096xf32, #tpu.memory_space<vmem>>
          tpu.wait_dma2 semaphore(%arg12 : memref<!tpu.dma_semaphore, #tpu.memory_space<semaphore_mem>>) src(%dma_wait3A_667 : memref<4096xf32, #tpu.memory_space<vmem>>) dst(%dma_wait3A_665 : memref<4096xf32, #tpu.memory_space<hbm>>)
          %dma_wait3A_668 = arith.constant 12288 : i32
          %dma_wait3A_669 = tpu.memref_slice %arg8[%dma_wait3A_668] : memref<16384xf32, #tpu.memory_space<vmem>> -> memref<4096xf32, #tpu.memory_space<vmem>>
          %dma_wait3A_670 = arith.constant 12288 : i32
          %dma_wait3A_671 = tpu.memref_slice %arg4[%dma_wait3A_670] : memref<104857600xf32, #tpu.memory_space<hbm>> -> memref<4096xf32, #tpu.memory_space<hbm>>
          %dma_wait3A_672 = arith.constant 12288 : i32
          %dma_wait3A_673 = tpu.memref_slice %arg4[%dma_wait3A_672] : memref<104857600xf32, #tpu.memory_space<hbm>> -> memref<4096xf32, #tpu.memory_space<hbm>>
          %dma_wait3A_674 = arith.constant 12288 : i32
          %dma_wait3A_675 = tpu.memref_slice %arg8[%dma_wait3A_674] : memref<16384xf32, #tpu.memory_space<vmem>> -> memref<4096xf32, #tpu.memory_space<vmem>>
          tpu.wait_dma2 semaphore(%arg12 : memref<!tpu.dma_semaphore, #tpu.memory_space<semaphore_mem>>) src(%dma_wait3A_675 : memref<4096xf32, #tpu.memory_space<vmem>>) dst(%dma_wait3A_673 : memref<4096xf32, #tpu.memory_space<hbm>>)
        } else {
        }
        %scan3A_523 = arith.constant 0 : i32
        %scan3A_524 = arith.constant 0 : i32
        %scan3A_525 = arith.constant 32 : i32
        %scan3A_526 = arith.addi %scan3A_524, %scan3A_525 : i32
        %scan3A_527 = arith.constant 1 : i32
        scf.for %scan3A_644 = %scan3A_524 to %scan3A_526 step %scan3A_527  : i32 {
          %mul3A_645 = arith.constant 16 : i32
          %mul3A_646 = arith.muli %scan3A_644, %mul3A_645 : i32
          %add3A_647 = vector.broadcast %mul3A_646 : i32 to vector<16xi32>
          %add3A_648 = arith.addi %add3A_647, %iota3A : vector<16xi32>
          %jit3A_649 = arith.constant 8 : i32
          %div3A = arith.divsi %scan3A_644, %jit3A_649 : i32
          %sign3A = arith.constant 0 : i32
          %sign3A_650 = arith.cmpi sgt, %scan3A_644, %sign3A : i32
          %sign3A_651 = arith.extui %sign3A_650 : i1 to i32
          %sign3A_652 = arith.constant 0 : i32
          %sign3A_653 = arith.cmpi slt, %scan3A_644, %sign3A_652 : i32
          %sign3A_654 = arith.extui %sign3A_653 : i1 to i32
          %sign3A_655 = arith.subi %sign3A_651, %sign3A_654 : i32
          %sign3A_656 = arith.constant 0 : i32
          %sign3A_657 = arith.cmpi sgt, %jit3A_649, %sign3A_656 : i32
          %sign3A_658 = arith.extui %sign3A_657 : i1 to i32
          %sign3A_659 = arith.constant 0 : i32
          %sign3A_660 = arith.cmpi slt, %jit3A_649, %sign3A_659 : i32
          %sign3A_661 = arith.extui %sign3A_660 : i1 to i32
          %sign3A_662 = arith.subi %sign3A_658, %sign3A_661 : i32
          %ne3A = arith.cmpi ne, %sign3A_655, %sign3A_662 : i32
          %rem3A = arith.remsi %scan3A_644, %jit3A_649 : i32
          %ne3A_663 = arith.constant 0 : i32
          %ne3A_664 = arith.cmpi ne, %rem3A, %ne3A_663 : i32
          %and3A_665 = arith.andi %ne3A, %ne3A_664 : i1
          %sub3A = arith.constant 1 : i32
          %sub3A_666 = arith.subi %div3A, %sub3A : i32
          %select_n3A_667 = arith.select %and3A_665, %sub3A_666, %div3A : i32
          %mul3A_668 = arith.constant 1024 : i32
          %mul3A_669 = arith.muli %select_n3A_667, %mul3A_668 : i32
          %jit3A_670 = arith.constant 8 : i32
          %eq3A = arith.constant 0 : i32
          %eq3A_671 = arith.cmpi eq, %jit3A_670, %eq3A : i32
          %jit3A_672 = arith.constant 1 : i32
          %select_n3A_673 = arith.select %eq3A_671, %jit3A_672, %jit3A_670 : i32
          %rem3A_674 = arith.remsi %scan3A_644, %select_n3A_673 : i32
          %ne3A_675 = arith.constant 0 : i32
          %ne3A_676 = arith.cmpi ne, %rem3A_674, %ne3A_675 : i32
          %lt3A_677 = arith.constant 0 : i32
          %lt3A_678 = arith.cmpi slt, %rem3A_674, %lt3A_677 : i32
          %lt3A_679 = arith.constant 0 : i32
          %lt3A_680 = arith.cmpi slt, %select_n3A_673, %lt3A_679 : i32
          %ne3A_681 = arith.xori %lt3A_678, %lt3A_680 : i1
          %and3A_682 = arith.andi %ne3A_681, %ne3A_676 : i1
          %add3A_683 = arith.addi %rem3A_674, %select_n3A_673 : i32
          %select_n3A_684 = arith.select %and3A_682, %add3A_683, %rem3A_674 : i32
          %mul3A_685 = arith.constant 16 : i32
          %mul3A_686 = arith.muli %select_n3A_684, %mul3A_685 : i32
          %add3A_687 = arith.addi %mul3A_669, %mul3A_686 : i32
          %add3A_688 = arith.constant 0 : i32
          %add3A_689 = arith.addi %add3A_687, %add3A_688 : i32
          %broadcast_in_dim3A = vector.broadcast %add3A_689 : i32 to vector<16xi32>
          %gather3A = tpu.vector_load_idx %arg6[%add3A_648, %add3A_100] : memref<512x32xf32, #tpu.memory_space<vmem>>[vector<16xi32>, vector<16xi32>], vector<16xf32>,
          %gather3A_690 = tpu.vector_load_idx %arg6[%add3A_648, %add3A_103] : memref<512x32xf32, #tpu.memory_space<vmem>>[vector<16xi32>, vector<16xi32>], vector<16xf32>,
          %gather3A_691 = tpu.vector_load_idx %arg6[%add3A_648, %add3A_106] : memref<512x32xf32, #tpu.memory_space<vmem>>[vector<16xi32>, vector<16xi32>], vector<16xf32>,
          %gather3A_692 = tpu.vector_load_idx %arg6[%add3A_648, %add3A_109] : memref<512x32xf32, #tpu.memory_space<vmem>>[vector<16xi32>, vector<16xi32>], vector<16xf32>,
          %gather3A_693 = tpu.vector_load_idx %arg6[%add3A_648, %add3A_112] : memref<512x32xf32, #tpu.memory_space<vmem>>[vector<16xi32>, vector<16xi32>], vector<16xf32>,
          %gather3A_694 = tpu.vector_load_idx %arg6[%add3A_648, %add3A_115] : memref<512x32xf32, #tpu.memory_space<vmem>>[vector<16xi32>, vector<16xi32>], vector<16xf32>,
          %gather3A_695 = tpu.vector_load_idx %arg6[%add3A_648, %add3A_118] : memref<512x32xf32, #tpu.memory_space<vmem>>[vector<16xi32>, vector<16xi32>], vector<16xf32>,
          %gather3A_696 = tpu.vector_load_idx %arg6[%add3A_648, %add3A_121] : memref<512x32xf32, #tpu.memory_space<vmem>>[vector<16xi32>, vector<16xi32>], vector<16xf32>,
          %gather3A_697 = tpu.vector_load_idx %arg6[%add3A_648, %add3A_124] : memref<512x32xf32, #tpu.memory_space<vmem>>[vector<16xi32>, vector<16xi32>], vector<16xf32>,
          %gather3A_698 = tpu.vector_load_idx %arg6[%add3A_648, %add3A_127] : memref<512x32xf32, #tpu.memory_space<vmem>>[vector<16xi32>, vector<16xi32>], vector<16xf32>,
          %gather3A_699 = tpu.vector_load_idx %arg6[%add3A_648, %add3A_130] : memref<512x32xf32, #tpu.memory_space<vmem>>[vector<16xi32>, vector<16xi32>], vector<16xf32>,
          %gather3A_700 = tpu.vector_load_idx %arg6[%add3A_648, %add3A_133] : memref<512x32xf32, #tpu.memory_space<vmem>>[vector<16xi32>, vector<16xi32>], vector<16xf32>,
          %gather3A_701 = tpu.vector_load_idx %arg6[%add3A_648, %add3A_136] : memref<512x32xf32, #tpu.memory_space<vmem>>[vector<16xi32>, vector<16xi32>], vector<16xf32>,
          %gather3A_702 = tpu.vector_load_idx %arg6[%add3A_648, %add3A_139] : memref<512x32xf32, #tpu.memory_space<vmem>>[vector<16xi32>, vector<16xi32>], vector<16xf32>,
          %gather3A_703 = tpu.vector_load_idx %arg6[%add3A_648, %add3A_142] : memref<512x32xf32, #tpu.memory_space<vmem>>[vector<16xi32>, vector<16xi32>], vector<16xf32>,
          %gather3A_704 = tpu.vector_load_idx %arg6[%add3A_648, %add3A_145] : memref<512x32xf32, #tpu.memory_space<vmem>>[vector<16xi32>, vector<16xi32>], vector<16xf32>,
          %add3A_705 = arith.addi %broadcast_in_dim3A, %add3A_205 : vector<16xi32>
          tpu.vector_store_idx %arg8[%add3A_705], %gather3A : memref<16384xf32, #tpu.memory_space<vmem>>[vector<16xi32>], vector<16xf32>,
          %add3A_706 = arith.addi %broadcast_in_dim3A, %add3A_219 : vector<16xi32>
          tpu.vector_store_idx %arg8[%add3A_706], %gather3A_690 : memref<16384xf32, #tpu.memory_space<vmem>>[vector<16xi32>], vector<16xf32>,
          %add3A_707 = arith.addi %broadcast_in_dim3A, %add3A_233 : vector<16xi32>
          tpu.vector_store_idx %arg8[%add3A_707], %gather3A_691 : memref<16384xf32, #tpu.memory_space<vmem>>[vector<16xi32>], vector<16xf32>,
          %add3A_708 = arith.addi %broadcast_in_dim3A, %add3A_247 : vector<16xi32>
          tpu.vector_store_idx %arg8[%add3A_708], %gather3A_692 : memref<16384xf32, #tpu.memory_space<vmem>>[vector<16xi32>], vector<16xf32>,
          %add3A_709 = arith.addi %broadcast_in_dim3A, %add3A_261 : vector<16xi32>
          tpu.vector_store_idx %arg8[%add3A_709], %gather3A_693 : memref<16384xf32, #tpu.memory_space<vmem>>[vector<16xi32>], vector<16xf32>,
          %add3A_710 = arith.addi %broadcast_in_dim3A, %add3A_275 : vector<16xi32>
          tpu.vector_store_idx %arg8[%add3A_710], %gather3A_694 : memref<16384xf32, #tpu.memory_space<vmem>>[vector<16xi32>], vector<16xf32>,
          %add3A_711 = arith.addi %broadcast_in_dim3A, %add3A_289 : vector<16xi32>
          tpu.vector_store_idx %arg8[%add3A_711], %gather3A_695 : memref<16384xf32, #tpu.memory_space<vmem>>[vector<16xi32>], vector<16xf32>,
          %add3A_712 = arith.addi %broadcast_in_dim3A, %add3A_303 : vector<16xi32>
          tpu.vector_store_idx %arg8[%add3A_712], %gather3A_696 : memref<16384xf32, #tpu.memory_space<vmem>>[vector<16xi32>], vector<16xf32>,
          %add3A_713 = arith.addi %broadcast_in_dim3A, %add3A_317 : vector<16xi32>
          tpu.vector_store_idx %arg8[%add3A_713], %gather3A_697 : memref<16384xf32, #tpu.memory_space<vmem>>[vector<16xi32>], vector<16xf32>,
          %add3A_714 = arith.addi %broadcast_in_dim3A, %add3A_331 : vector<16xi32>
          tpu.vector_store_idx %arg8[%add3A_714], %gather3A_698 : memref<16384xf32, #tpu.memory_space<vmem>>[vector<16xi32>], vector<16xf32>,
          %add3A_715 = arith.addi %broadcast_in_dim3A, %add3A_345 : vector<16xi32>
          tpu.vector_store_idx %arg8[%add3A_715], %gather3A_699 : memref<16384xf32, #tpu.memory_space<vmem>>[vector<16xi32>], vector<16xf32>,
          %add3A_716 = arith.addi %broadcast_in_dim3A, %add3A_359 : vector<16xi32>
          tpu.vector_store_idx %arg8[%add3A_716], %gather3A_700 : memref<16384xf32, #tpu.memory_space<vmem>>[vector<16xi32>], vector<16xf32>,
          %add3A_717 = arith.addi %broadcast_in_dim3A, %add3A_373 : vector<16xi32>
          tpu.vector_store_idx %arg8[%add3A_717], %gather3A_701 : memref<16384xf32, #tpu.memory_space<vmem>>[vector<16xi32>], vector<16xf32>,
          %add3A_718 = arith.addi %broadcast_in_dim3A, %add3A_387 : vector<16xi32>
          tpu.vector_store_idx %arg8[%add3A_718], %gather3A_702 : memref<16384xf32, #tpu.memory_space<vmem>>[vector<16xi32>], vector<16xf32>,
          %add3A_719 = arith.addi %broadcast_in_dim3A, %add3A_401 : vector<16xi32>
          tpu.vector_store_idx %arg8[%add3A_719], %gather3A_703 : memref<16384xf32, #tpu.memory_space<vmem>>[vector<16xi32>], vector<16xf32>,
          %add3A_720 = arith.addi %broadcast_in_dim3A, %add3A_415 : vector<16xi32>
          tpu.vector_store_idx %arg8[%add3A_720], %gather3A_704 : memref<16384xf32, #tpu.memory_space<vmem>>[vector<16xi32>], vector<16xf32>,
          %add3A_721 = arith.constant 8192 : i32
          %add3A_722 = arith.addi %add3A_687, %add3A_721 : i32
          %broadcast_in_dim3A_723 = vector.broadcast %add3A_722 : i32 to vector<16xi32>
          %gather3A_724 = tpu.vector_load_idx %arg6[%add3A_648, %add3A_148] : memref<512x32xf32, #tpu.memory_space<vmem>>[vector<16xi32>, vector<16xi32>], vector<16xf32>,
          %gather3A_725 = tpu.vector_load_idx %arg6[%add3A_648, %add3A_151] : memref<512x32xf32, #tpu.memory_space<vmem>>[vector<16xi32>, vector<16xi32>], vector<16xf32>,
          %gather3A_726 = tpu.vector_load_idx %arg6[%add3A_648, %add3A_154] : memref<512x32xf32, #tpu.memory_space<vmem>>[vector<16xi32>, vector<16xi32>], vector<16xf32>,
          %gather3A_727 = tpu.vector_load_idx %arg6[%add3A_648, %add3A_157] : memref<512x32xf32, #tpu.memory_space<vmem>>[vector<16xi32>, vector<16xi32>], vector<16xf32>,
          %gather3A_728 = tpu.vector_load_idx %arg6[%add3A_648, %add3A_160] : memref<512x32xf32, #tpu.memory_space<vmem>>[vector<16xi32>, vector<16xi32>], vector<16xf32>,
          %gather3A_729 = tpu.vector_load_idx %arg6[%add3A_648, %add3A_163] : memref<512x32xf32, #tpu.memory_space<vmem>>[vector<16xi32>, vector<16xi32>], vector<16xf32>,
          %gather3A_730 = tpu.vector_load_idx %arg6[%add3A_648, %add3A_166] : memref<512x32xf32, #tpu.memory_space<vmem>>[vector<16xi32>, vector<16xi32>], vector<16xf32>,
          %gather3A_731 = tpu.vector_load_idx %arg6[%add3A_648, %add3A_169] : memref<512x32xf32, #tpu.memory_space<vmem>>[vector<16xi32>, vector<16xi32>], vector<16xf32>,
          %gather3A_732 = tpu.vector_load_idx %arg6[%add3A_648, %add3A_172] : memref<512x32xf32, #tpu.memory_space<vmem>>[vector<16xi32>, vector<16xi32>], vector<16xf32>,
          %gather3A_733 = tpu.vector_load_idx %arg6[%add3A_648, %add3A_175] : memref<512x32xf32, #tpu.memory_space<vmem>>[vector<16xi32>, vector<16xi32>], vector<16xf32>,
          %gather3A_734 = tpu.vector_load_idx %arg6[%add3A_648, %add3A_178] : memref<512x32xf32, #tpu.memory_space<vmem>>[vector<16xi32>, vector<16xi32>], vector<16xf32>,
          %gather3A_735 = tpu.vector_load_idx %arg6[%add3A_648, %add3A_181] : memref<512x32xf32, #tpu.memory_space<vmem>>[vector<16xi32>, vector<16xi32>], vector<16xf32>,
          %gather3A_736 = tpu.vector_load_idx %arg6[%add3A_648, %add3A_184] : memref<512x32xf32, #tpu.memory_space<vmem>>[vector<16xi32>, vector<16xi32>], vector<16xf32>,
          %gather3A_737 = tpu.vector_load_idx %arg6[%add3A_648, %add3A_187] : memref<512x32xf32, #tpu.memory_space<vmem>>[vector<16xi32>, vector<16xi32>], vector<16xf32>,
          %gather3A_738 = tpu.vector_load_idx %arg6[%add3A_648, %add3A_190] : memref<512x32xf32, #tpu.memory_space<vmem>>[vector<16xi32>, vector<16xi32>], vector<16xf32>,
          %gather3A_739 = tpu.vector_load_idx %arg6[%add3A_648, %add3A_193] : memref<512x32xf32, #tpu.memory_space<vmem>>[vector<16xi32>, vector<16xi32>], vector<16xf32>,
          %add3A_740 = arith.addi %broadcast_in_dim3A_723, %add3A_205 : vector<16xi32>
          tpu.vector_store_idx %arg8[%add3A_740], %gather3A_724 : memref<16384xf32, #tpu.memory_space<vmem>>[vector<16xi32>], vector<16xf32>,
          %add3A_741 = arith.addi %broadcast_in_dim3A_723, %add3A_219 : vector<16xi32>
          tpu.vector_store_idx %arg8[%add3A_741], %gather3A_725 : memref<16384xf32, #tpu.memory_space<vmem>>[vector<16xi32>], vector<16xf32>,
          %add3A_742 = arith.addi %broadcast_in_dim3A_723, %add3A_233 : vector<16xi32>
          tpu.vector_store_idx %arg8[%add3A_742], %gather3A_726 : memref<16384xf32, #tpu.memory_space<vmem>>[vector<16xi32>], vector<16xf32>,
          %add3A_743 = arith.addi %broadcast_in_dim3A_723, %add3A_247 : vector<16xi32>
          tpu.vector_store_idx %arg8[%add3A_743], %gather3A_727 : memref<16384xf32, #tpu.memory_space<vmem>>[vector<16xi32>], vector<16xf32>,
          %add3A_744 = arith.addi %broadcast_in_dim3A_723, %add3A_261 : vector<16xi32>
          tpu.vector_store_idx %arg8[%add3A_744], %gather3A_728 : memref<16384xf32, #tpu.memory_space<vmem>>[vector<16xi32>], vector<16xf32>,
          %add3A_745 = arith.addi %broadcast_in_dim3A_723, %add3A_275 : vector<16xi32>
          tpu.vector_store_idx %arg8[%add3A_745], %gather3A_729 : memref<16384xf32, #tpu.memory_space<vmem>>[vector<16xi32>], vector<16xf32>,
          %add3A_746 = arith.addi %broadcast_in_dim3A_723, %add3A_289 : vector<16xi32>
          tpu.vector_store_idx %arg8[%add3A_746], %gather3A_730 : memref<16384xf32, #tpu.memory_space<vmem>>[vector<16xi32>], vector<16xf32>,
          %add3A_747 = arith.addi %broadcast_in_dim3A_723, %add3A_303 : vector<16xi32>
          tpu.vector_store_idx %arg8[%add3A_747], %gather3A_731 : memref<16384xf32, #tpu.memory_space<vmem>>[vector<16xi32>], vector<16xf32>,
          %add3A_748 = arith.addi %broadcast_in_dim3A_723, %add3A_317 : vector<16xi32>
          tpu.vector_store_idx %arg8[%add3A_748], %gather3A_732 : memref<16384xf32, #tpu.memory_space<vmem>>[vector<16xi32>], vector<16xf32>,
          %add3A_749 = arith.addi %broadcast_in_dim3A_723, %add3A_331 : vector<16xi32>
          tpu.vector_store_idx %arg8[%add3A_749], %gather3A_733 : memref<16384xf32, #tpu.memory_space<vmem>>[vector<16xi32>], vector<16xf32>,
          %add3A_750 = arith.addi %broadcast_in_dim3A_723, %add3A_345 : vector<16xi32>
          tpu.vector_store_idx %arg8[%add3A_750], %gather3A_734 : memref<16384xf32, #tpu.memory_space<vmem>>[vector<16xi32>], vector<16xf32>,
          %add3A_751 = arith.addi %broadcast_in_dim3A_723, %add3A_359 : vector<16xi32>
          tpu.vector_store_idx %arg8[%add3A_751], %gather3A_735 : memref<16384xf32, #tpu.memory_space<vmem>>[vector<16xi32>], vector<16xf32>,
          %add3A_752 = arith.addi %broadcast_in_dim3A_723, %add3A_373 : vector<16xi32>
          tpu.vector_store_idx %arg8[%add3A_752], %gather3A_736 : memref<16384xf32, #tpu.memory_space<vmem>>[vector<16xi32>], vector<16xf32>,
          %add3A_753 = arith.addi %broadcast_in_dim3A_723, %add3A_387 : vector<16xi32>
          tpu.vector_store_idx %arg8[%add3A_753], %gather3A_737 : memref<16384xf32, #tpu.memory_space<vmem>>[vector<16xi32>], vector<16xf32>,
          %add3A_754 = arith.addi %broadcast_in_dim3A_723, %add3A_401 : vector<16xi32>
          tpu.vector_store_idx %arg8[%add3A_754], %gather3A_738 : memref<16384xf32, #tpu.memory_space<vmem>>[vector<16xi32>], vector<16xf32>,
          %add3A_755 = arith.addi %broadcast_in_dim3A_723, %add3A_415 : vector<16xi32>
          tpu.vector_store_idx %arg8[%add3A_755], %gather3A_739 : memref<16384xf32, #tpu.memory_space<vmem>>[vector<16xi32>], vector<16xf32>,
        }
        %scan3A_528 = arith.constant 32 : i32
        %add3A_529 = arith.constant 0 : i32
        %add3A_530 = arith.addi %mul3A_432, %add3A_529 : i32
        %mul3A_531 = arith.constant 4096 : i32
        %mul3A_532 = arith.muli %add3A_509, %mul3A_531 : i32
        %add3A_533 = arith.addi %add3A_530, %mul3A_532 : i32
        %dma_start3A_534 = arith.constant 0 : i32
        %dma_start3A_535 = tpu.memref_slice %arg8[%dma_start3A_534] : memref<16384xf32, #tpu.memory_space<vmem>> -> memref<4096xf32, #tpu.memory_space<vmem>>
        %dma_start3A_536 = tpu.memref_slice %arg4[%add3A_533] : memref<104857600xf32, #tpu.memory_space<hbm>> -> memref<4096xf32, #tpu.memory_space<hbm>>
        %dma_start3A_537 = tpu.memref_slice %arg4[%add3A_533] : memref<104857600xf32, #tpu.memory_space<hbm>> -> memref<4096xf32, #tpu.memory_space<hbm>>
        %dma_start3A_538 = arith.constant 0 : i32
        %dma_start3A_539 = tpu.memref_slice %arg8[%dma_start3A_538] : memref<16384xf32, #tpu.memory_space<vmem>> -> memref<4096xf32, #tpu.memory_space<vmem>>
        tpu.enqueue_dma source(%dma_start3A_539 : memref<4096xf32, #tpu.memory_space<vmem>>) target(%dma_start3A_537 : memref<4096xf32, #tpu.memory_space<hbm>>) target_semaphore(%arg12 : memref<!tpu.dma_semaphore, #tpu.memory_space<semaphore_mem>>)
        %add3A_540 = arith.constant 131072 : i32
        %add3A_541 = arith.addi %mul3A_432, %add3A_540 : i32
        %mul3A_542 = arith.constant 4096 : i32
        %mul3A_543 = arith.muli %add3A_509, %mul3A_542 : i32
        %add3A_544 = arith.addi %add3A_541, %mul3A_543 : i32
        %dma_start3A_545 = arith.constant 4096 : i32
        %dma_start3A_546 = tpu.memref_slice %arg8[%dma_start3A_545] : memref<16384xf32, #tpu.memory_space<vmem>> -> memref<4096xf32, #tpu.memory_space<vmem>>
        %dma_start3A_547 = tpu.memref_slice %arg4[%add3A_544] : memref<104857600xf32, #tpu.memory_space<hbm>> -> memref<4096xf32, #tpu.memory_space<hbm>>
        %dma_start3A_548 = tpu.memref_slice %arg4[%add3A_544] : memref<104857600xf32, #tpu.memory_space<hbm>> -> memref<4096xf32, #tpu.memory_space<hbm>>
        %dma_start3A_549 = arith.constant 4096 : i32
        %dma_start3A_550 = tpu.memref_slice %arg8[%dma_start3A_549] : memref<16384xf32, #tpu.memory_space<vmem>> -> memref<4096xf32, #tpu.memory_space<vmem>>
        tpu.enqueue_dma source(%dma_start3A_550 : memref<4096xf32, #tpu.memory_space<vmem>>) target(%dma_start3A_548 : memref<4096xf32, #tpu.memory_space<hbm>>) target_semaphore(%arg12 : memref<!tpu.dma_semaphore, #tpu.memory_space<semaphore_mem>>)
        %add3A_551 = arith.constant 262144 : i32
        %add3A_552 = arith.addi %mul3A_432, %add3A_551 : i32
        %mul3A_553 = arith.constant 4096 : i32
        %mul3A_554 = arith.muli %add3A_509, %mul3A_553 : i32
        %add3A_555 = arith.addi %add3A_552, %mul3A_554 : i32
        %dma_start3A_556 = arith.constant 8192 : i32
        %dma_start3A_557 = tpu.memref_slice %arg8[%dma_start3A_556] : memref<16384xf32, #tpu.memory_space<vmem>> -> memref<4096xf32, #tpu.memory_space<vmem>>
        %dma_start3A_558 = tpu.memref_slice %arg4[%add3A_555] : memref<104857600xf32, #tpu.memory_space<hbm>> -> memref<4096xf32, #tpu.memory_space<hbm>>
        %dma_start3A_559 = tpu.memref_slice %arg4[%add3A_555] : memref<104857600xf32, #tpu.memory_space<hbm>> -> memref<4096xf32, #tpu.memory_space<hbm>>
        %dma_start3A_560 = arith.constant 8192 : i32
        %dma_start3A_561 = tpu.memref_slice %arg8[%dma_start3A_560] : memref<16384xf32, #tpu.memory_space<vmem>> -> memref<4096xf32, #tpu.memory_space<vmem>>
        tpu.enqueue_dma source(%dma_start3A_561 : memref<4096xf32, #tpu.memory_space<vmem>>) target(%dma_start3A_559 : memref<4096xf32, #tpu.memory_space<hbm>>) target_semaphore(%arg12 : memref<!tpu.dma_semaphore, #tpu.memory_space<semaphore_mem>>)
        %add3A_562 = arith.constant 393216 : i32
        %add3A_563 = arith.addi %mul3A_432, %add3A_562 : i32
        %mul3A_564 = arith.constant 4096 : i32
        %mul3A_565 = arith.muli %add3A_509, %mul3A_564 : i32
        %add3A_566 = arith.addi %add3A_563, %mul3A_565 : i32
        %dma_start3A_567 = arith.constant 12288 : i32
        %dma_start3A_568 = tpu.memref_slice %arg8[%dma_start3A_567] : memref<16384xf32, #tpu.memory_space<vmem>> -> memref<4096xf32, #tpu.memory_space<vmem>>
        %dma_start3A_569 = tpu.memref_slice %arg4[%add3A_566] : memref<104857600xf32, #tpu.memory_space<hbm>> -> memref<4096xf32, #tpu.memory_space<hbm>>
        %dma_start3A_570 = tpu.memref_slice %arg4[%add3A_566] : memref<104857600xf32, #tpu.memory_space<hbm>> -> memref<4096xf32, #tpu.memory_space<hbm>>
        %dma_start3A_571 = arith.constant 12288 : i32
        %dma_start3A_572 = tpu.memref_slice %arg8[%dma_start3A_571] : memref<16384xf32, #tpu.memory_space<vmem>> -> memref<4096xf32, #tpu.memory_space<vmem>>
        tpu.enqueue_dma source(%dma_start3A_572 : memref<4096xf32, #tpu.memory_space<vmem>>) target(%dma_start3A_570 : memref<4096xf32, #tpu.memory_space<hbm>>) target_semaphore(%arg12 : memref<!tpu.dma_semaphore, #tpu.memory_space<semaphore_mem>>)
        %mul3A_573 = arith.constant 2 : i32
        %mul3A_574 = arith.muli %scan3A_505, %mul3A_573 : i32
        %add3A_575 = arith.constant 1 : i32
        %add3A_576 = arith.addi %mul3A_574, %add3A_575 : i32
        %dma_wait3A_577 = arith.constant 0 : i32
        %dma_wait3A_578 = tpu.memref_slice %arg5[%dma_wait3A_577] : memref<16384xi32, #tpu.memory_space<vmem>> -> memref<512xi32, #tpu.memory_space<vmem>>
        %dma_wait3A_579 = arith.constant 0 : i32
        %dma_wait3A_580 = arith.constant 0 : i32
        %dma_wait3A_581 = tpu.memref_slice %arg3[%dma_wait3A_579, %dma_wait3A_580] : memref<1000001x32xf32, #tpu.memory_space<hbm>> -> memref<1000001x32xf32, #tpu.memory_space<hbm>>
        tpu.wait_indirect_dma semaphore(%arg11 : memref<!tpu.dma_semaphore, #tpu.memory_space<semaphore_mem>>) src(%dma_wait3A_581 : memref<1000001x32xf32, #tpu.memory_space<hbm>>) dst(%arg7 : memref<512x32xf32, #tpu.memory_space<vmem>>)
        %lt3A_582 = arith.constant 15 : i32
        %lt3A_583 = arith.cmpi slt, %scan3A_505, %lt3A_582 : i32
        %or3A_584 = arith.constant false
        %or3A_585 = arith.ori %lt3A_583, %or3A_584 : i1
        %convert_element_type3A_586 = arith.extui %or3A_585 : i1 to i32
        %cond3A_587 = arith.constant 0 : i32
        %cond3A_588 = arith.cmpi ne, %convert_element_type3A_586, %cond3A_587 : i32
        scf.if %cond3A_588 {
          %add3A_644 = arith.constant 1 : i32
          %add3A_645 = arith.addi %add3A_576, %add3A_644 : i32
          %mul3A_646 = arith.constant 512 : i32
          %mul3A_647 = arith.muli %add3A_645, %mul3A_646 : i32
          %dma_start3A_648 = tpu.memref_slice %arg5[%mul3A_647] : memref<16384xi32, #tpu.memory_space<vmem>> -> memref<512xi32, #tpu.memory_space<vmem>>
          %dma_start3A_649 = arith.constant 0 : i32
          %dma_start3A_650 = arith.constant 0 : i32
          %dma_start3A_651 = tpu.memref_slice %arg3[%dma_start3A_649, %dma_start3A_650] : memref<1000001x32xf32, #tpu.memory_space<hbm>> -> memref<1000001x32xf32, #tpu.memory_space<hbm>>
          tpu.enqueue_indirect_dma source(%dma_start3A_651 : memref<1000001x32xf32, #tpu.memory_space<hbm>>) target(%arg6 : memref<512x32xf32, #tpu.memory_space<vmem>>) offsets(%dma_start3A_648 : memref<512xi32, #tpu.memory_space<vmem>>) semaphore(%arg10 : memref<!tpu.dma_semaphore, #tpu.memory_space<semaphore_mem>>)
        } else {
        }
        %gt3A_589 = arith.constant 0 : i32
        %gt3A_590 = arith.cmpi sgt, %scan3A_505, %gt3A_589 : i32
        %convert_element_type3A_591 = arith.extui %gt3A_590 : i1 to i32
        %cond3A_592 = arith.constant 0 : i32
        %cond3A_593 = arith.cmpi ne, %convert_element_type3A_591, %cond3A_592 : i32
        scf.if %cond3A_593 {
          %dma_wait3A_644 = arith.constant 0 : i32
          %dma_wait3A_645 = tpu.memref_slice %arg9[%dma_wait3A_644] : memref<16384xf32, #tpu.memory_space<vmem>> -> memref<4096xf32, #tpu.memory_space<vmem>>
          %dma_wait3A_646 = arith.constant 0 : i32
          %dma_wait3A_647 = tpu.memref_slice %arg4[%dma_wait3A_646] : memref<104857600xf32, #tpu.memory_space<hbm>> -> memref<4096xf32, #tpu.memory_space<hbm>>
          %dma_wait3A_648 = arith.constant 0 : i32
          %dma_wait3A_649 = tpu.memref_slice %arg4[%dma_wait3A_648] : memref<104857600xf32, #tpu.memory_space<hbm>> -> memref<4096xf32, #tpu.memory_space<hbm>>
          %dma_wait3A_650 = arith.constant 0 : i32
          %dma_wait3A_651 = tpu.memref_slice %arg9[%dma_wait3A_650] : memref<16384xf32, #tpu.memory_space<vmem>> -> memref<4096xf32, #tpu.memory_space<vmem>>
          tpu.wait_dma2 semaphore(%arg13 : memref<!tpu.dma_semaphore, #tpu.memory_space<semaphore_mem>>) src(%dma_wait3A_651 : memref<4096xf32, #tpu.memory_space<vmem>>) dst(%dma_wait3A_649 : memref<4096xf32, #tpu.memory_space<hbm>>)
          %dma_wait3A_652 = arith.constant 4096 : i32
          %dma_wait3A_653 = tpu.memref_slice %arg9[%dma_wait3A_652] : memref<16384xf32, #tpu.memory_space<vmem>> -> memref<4096xf32, #tpu.memory_space<vmem>>
          %dma_wait3A_654 = arith.constant 4096 : i32
          %dma_wait3A_655 = tpu.memref_slice %arg4[%dma_wait3A_654] : memref<104857600xf32, #tpu.memory_space<hbm>> -> memref<4096xf32, #tpu.memory_space<hbm>>
          %dma_wait3A_656 = arith.constant 4096 : i32
          %dma_wait3A_657 = tpu.memref_slice %arg4[%dma_wait3A_656] : memref<104857600xf32, #tpu.memory_space<hbm>> -> memref<4096xf32, #tpu.memory_space<hbm>>
          %dma_wait3A_658 = arith.constant 4096 : i32
          %dma_wait3A_659 = tpu.memref_slice %arg9[%dma_wait3A_658] : memref<16384xf32, #tpu.memory_space<vmem>> -> memref<4096xf32, #tpu.memory_space<vmem>>
          tpu.wait_dma2 semaphore(%arg13 : memref<!tpu.dma_semaphore, #tpu.memory_space<semaphore_mem>>) src(%dma_wait3A_659 : memref<4096xf32, #tpu.memory_space<vmem>>) dst(%dma_wait3A_657 : memref<4096xf32, #tpu.memory_space<hbm>>)
          %dma_wait3A_660 = arith.constant 8192 : i32
          %dma_wait3A_661 = tpu.memref_slice %arg9[%dma_wait3A_660] : memref<16384xf32, #tpu.memory_space<vmem>> -> memref<4096xf32, #tpu.memory_space<vmem>>
          %dma_wait3A_662 = arith.constant 8192 : i32
          %dma_wait3A_663 = tpu.memref_slice %arg4[%dma_wait3A_662] : memref<104857600xf32, #tpu.memory_space<hbm>> -> memref<4096xf32, #tpu.memory_space<hbm>>
          %dma_wait3A_664 = arith.constant 8192 : i32
          %dma_wait3A_665 = tpu.memref_slice %arg4[%dma_wait3A_664] : memref<104857600xf32, #tpu.memory_space<hbm>> -> memref<4096xf32, #tpu.memory_space<hbm>>
          %dma_wait3A_666 = arith.constant 8192 : i32
          %dma_wait3A_667 = tpu.memref_slice %arg9[%dma_wait3A_666] : memref<16384xf32, #tpu.memory_space<vmem>> -> memref<4096xf32, #tpu.memory_space<vmem>>
          tpu.wait_dma2 semaphore(%arg13 : memref<!tpu.dma_semaphore, #tpu.memory_space<semaphore_mem>>) src(%dma_wait3A_667 : memref<4096xf32, #tpu.memory_space<vmem>>) dst(%dma_wait3A_665 : memref<4096xf32, #tpu.memory_space<hbm>>)
          %dma_wait3A_668 = arith.constant 12288 : i32
          %dma_wait3A_669 = tpu.memref_slice %arg9[%dma_wait3A_668] : memref<16384xf32, #tpu.memory_space<vmem>> -> memref<4096xf32, #tpu.memory_space<vmem>>
          %dma_wait3A_670 = arith.constant 12288 : i32
          %dma_wait3A_671 = tpu.memref_slice %arg4[%dma_wait3A_670] : memref<104857600xf32, #tpu.memory_space<hbm>> -> memref<4096xf32, #tpu.memory_space<hbm>>
          %dma_wait3A_672 = arith.constant 12288 : i32
          %dma_wait3A_673 = tpu.memref_slice %arg4[%dma_wait3A_672] : memref<104857600xf32, #tpu.memory_space<hbm>> -> memref<4096xf32, #tpu.memory_space<hbm>>
          %dma_wait3A_674 = arith.constant 12288 : i32
          %dma_wait3A_675 = tpu.memref_slice %arg9[%dma_wait3A_674] : memref<16384xf32, #tpu.memory_space<vmem>> -> memref<4096xf32, #tpu.memory_space<vmem>>
          tpu.wait_dma2 semaphore(%arg13 : memref<!tpu.dma_semaphore, #tpu.memory_space<semaphore_mem>>) src(%dma_wait3A_675 : memref<4096xf32, #tpu.memory_space<vmem>>) dst(%dma_wait3A_673 : memref<4096xf32, #tpu.memory_space<hbm>>)
        } else {
        }
        %scan3A_594 = arith.constant 0 : i32
        %scan3A_595 = arith.constant 0 : i32
        %scan3A_596 = arith.constant 32 : i32
        %scan3A_597 = arith.addi %scan3A_595, %scan3A_596 : i32
        %scan3A_598 = arith.constant 1 : i32
        scf.for %scan3A_644 = %scan3A_595 to %scan3A_597 step %scan3A_598  : i32 {
          %mul3A_645 = arith.constant 16 : i32
          %mul3A_646 = arith.muli %scan3A_644, %mul3A_645 : i32
          %add3A_647 = vector.broadcast %mul3A_646 : i32 to vector<16xi32>
          %add3A_648 = arith.addi %add3A_647, %iota3A : vector<16xi32>
          %jit3A_649 = arith.constant 8 : i32
          %div3A = arith.divsi %scan3A_644, %jit3A_649 : i32
          %sign3A = arith.constant 0 : i32
          %sign3A_650 = arith.cmpi sgt, %scan3A_644, %sign3A : i32
          %sign3A_651 = arith.extui %sign3A_650 : i1 to i32
          %sign3A_652 = arith.constant 0 : i32
          %sign3A_653 = arith.cmpi slt, %scan3A_644, %sign3A_652 : i32
          %sign3A_654 = arith.extui %sign3A_653 : i1 to i32
          %sign3A_655 = arith.subi %sign3A_651, %sign3A_654 : i32
          %sign3A_656 = arith.constant 0 : i32
          %sign3A_657 = arith.cmpi sgt, %jit3A_649, %sign3A_656 : i32
          %sign3A_658 = arith.extui %sign3A_657 : i1 to i32
          %sign3A_659 = arith.constant 0 : i32
          %sign3A_660 = arith.cmpi slt, %jit3A_649, %sign3A_659 : i32
          %sign3A_661 = arith.extui %sign3A_660 : i1 to i32
          %sign3A_662 = arith.subi %sign3A_658, %sign3A_661 : i32
          %ne3A = arith.cmpi ne, %sign3A_655, %sign3A_662 : i32
          %rem3A = arith.remsi %scan3A_644, %jit3A_649 : i32
          %ne3A_663 = arith.constant 0 : i32
          %ne3A_664 = arith.cmpi ne, %rem3A, %ne3A_663 : i32
          %and3A_665 = arith.andi %ne3A, %ne3A_664 : i1
          %sub3A = arith.constant 1 : i32
          %sub3A_666 = arith.subi %div3A, %sub3A : i32
          %select_n3A_667 = arith.select %and3A_665, %sub3A_666, %div3A : i32
          %mul3A_668 = arith.constant 1024 : i32
          %mul3A_669 = arith.muli %select_n3A_667, %mul3A_668 : i32
          %jit3A_670 = arith.constant 8 : i32
          %eq3A = arith.constant 0 : i32
          %eq3A_671 = arith.cmpi eq, %jit3A_670, %eq3A : i32
          %jit3A_672 = arith.constant 1 : i32
          %select_n3A_673 = arith.select %eq3A_671, %jit3A_672, %jit3A_670 : i32
          %rem3A_674 = arith.remsi %scan3A_644, %select_n3A_673 : i32
          %ne3A_675 = arith.constant 0 : i32
          %ne3A_676 = arith.cmpi ne, %rem3A_674, %ne3A_675 : i32
          %lt3A_677 = arith.constant 0 : i32
          %lt3A_678 = arith.cmpi slt, %rem3A_674, %lt3A_677 : i32
          %lt3A_679 = arith.constant 0 : i32
          %lt3A_680 = arith.cmpi slt, %select_n3A_673, %lt3A_679 : i32
          %ne3A_681 = arith.xori %lt3A_678, %lt3A_680 : i1
          %and3A_682 = arith.andi %ne3A_681, %ne3A_676 : i1
          %add3A_683 = arith.addi %rem3A_674, %select_n3A_673 : i32
          %select_n3A_684 = arith.select %and3A_682, %add3A_683, %rem3A_674 : i32
          %mul3A_685 = arith.constant 16 : i32
          %mul3A_686 = arith.muli %select_n3A_684, %mul3A_685 : i32
          %add3A_687 = arith.addi %mul3A_669, %mul3A_686 : i32
          %add3A_688 = arith.constant 0 : i32
          %add3A_689 = arith.addi %add3A_687, %add3A_688 : i32
          %broadcast_in_dim3A = vector.broadcast %add3A_689 : i32 to vector<16xi32>
          %gather3A = tpu.vector_load_idx %arg7[%add3A_648, %add3A_100] : memref<512x32xf32, #tpu.memory_space<vmem>>[vector<16xi32>, vector<16xi32>], vector<16xf32>,
          %gather3A_690 = tpu.vector_load_idx %arg7[%add3A_648, %add3A_103] : memref<512x32xf32, #tpu.memory_space<vmem>>[vector<16xi32>, vector<16xi32>], vector<16xf32>,
          %gather3A_691 = tpu.vector_load_idx %arg7[%add3A_648, %add3A_106] : memref<512x32xf32, #tpu.memory_space<vmem>>[vector<16xi32>, vector<16xi32>], vector<16xf32>,
          %gather3A_692 = tpu.vector_load_idx %arg7[%add3A_648, %add3A_109] : memref<512x32xf32, #tpu.memory_space<vmem>>[vector<16xi32>, vector<16xi32>], vector<16xf32>,
          %gather3A_693 = tpu.vector_load_idx %arg7[%add3A_648, %add3A_112] : memref<512x32xf32, #tpu.memory_space<vmem>>[vector<16xi32>, vector<16xi32>], vector<16xf32>,
          %gather3A_694 = tpu.vector_load_idx %arg7[%add3A_648, %add3A_115] : memref<512x32xf32, #tpu.memory_space<vmem>>[vector<16xi32>, vector<16xi32>], vector<16xf32>,
          %gather3A_695 = tpu.vector_load_idx %arg7[%add3A_648, %add3A_118] : memref<512x32xf32, #tpu.memory_space<vmem>>[vector<16xi32>, vector<16xi32>], vector<16xf32>,
          %gather3A_696 = tpu.vector_load_idx %arg7[%add3A_648, %add3A_121] : memref<512x32xf32, #tpu.memory_space<vmem>>[vector<16xi32>, vector<16xi32>], vector<16xf32>,
          %gather3A_697 = tpu.vector_load_idx %arg7[%add3A_648, %add3A_124] : memref<512x32xf32, #tpu.memory_space<vmem>>[vector<16xi32>, vector<16xi32>], vector<16xf32>,
          %gather3A_698 = tpu.vector_load_idx %arg7[%add3A_648, %add3A_127] : memref<512x32xf32, #tpu.memory_space<vmem>>[vector<16xi32>, vector<16xi32>], vector<16xf32>,
          %gather3A_699 = tpu.vector_load_idx %arg7[%add3A_648, %add3A_130] : memref<512x32xf32, #tpu.memory_space<vmem>>[vector<16xi32>, vector<16xi32>], vector<16xf32>,
          %gather3A_700 = tpu.vector_load_idx %arg7[%add3A_648, %add3A_133] : memref<512x32xf32, #tpu.memory_space<vmem>>[vector<16xi32>, vector<16xi32>], vector<16xf32>,
          %gather3A_701 = tpu.vector_load_idx %arg7[%add3A_648, %add3A_136] : memref<512x32xf32, #tpu.memory_space<vmem>>[vector<16xi32>, vector<16xi32>], vector<16xf32>,
          %gather3A_702 = tpu.vector_load_idx %arg7[%add3A_648, %add3A_139] : memref<512x32xf32, #tpu.memory_space<vmem>>[vector<16xi32>, vector<16xi32>], vector<16xf32>,
          %gather3A_703 = tpu.vector_load_idx %arg7[%add3A_648, %add3A_142] : memref<512x32xf32, #tpu.memory_space<vmem>>[vector<16xi32>, vector<16xi32>], vector<16xf32>,
          %gather3A_704 = tpu.vector_load_idx %arg7[%add3A_648, %add3A_145] : memref<512x32xf32, #tpu.memory_space<vmem>>[vector<16xi32>, vector<16xi32>], vector<16xf32>,
          %add3A_705 = arith.addi %broadcast_in_dim3A, %add3A_205 : vector<16xi32>
          tpu.vector_store_idx %arg9[%add3A_705], %gather3A : memref<16384xf32, #tpu.memory_space<vmem>>[vector<16xi32>], vector<16xf32>,
          %add3A_706 = arith.addi %broadcast_in_dim3A, %add3A_219 : vector<16xi32>
          tpu.vector_store_idx %arg9[%add3A_706], %gather3A_690 : memref<16384xf32, #tpu.memory_space<vmem>>[vector<16xi32>], vector<16xf32>,
          %add3A_707 = arith.addi %broadcast_in_dim3A, %add3A_233 : vector<16xi32>
          tpu.vector_store_idx %arg9[%add3A_707], %gather3A_691 : memref<16384xf32, #tpu.memory_space<vmem>>[vector<16xi32>], vector<16xf32>,
          %add3A_708 = arith.addi %broadcast_in_dim3A, %add3A_247 : vector<16xi32>
          tpu.vector_store_idx %arg9[%add3A_708], %gather3A_692 : memref<16384xf32, #tpu.memory_space<vmem>>[vector<16xi32>], vector<16xf32>,
          %add3A_709 = arith.addi %broadcast_in_dim3A, %add3A_261 : vector<16xi32>
          tpu.vector_store_idx %arg9[%add3A_709], %gather3A_693 : memref<16384xf32, #tpu.memory_space<vmem>>[vector<16xi32>], vector<16xf32>,
          %add3A_710 = arith.addi %broadcast_in_dim3A, %add3A_275 : vector<16xi32>
          tpu.vector_store_idx %arg9[%add3A_710], %gather3A_694 : memref<16384xf32, #tpu.memory_space<vmem>>[vector<16xi32>], vector<16xf32>,
          %add3A_711 = arith.addi %broadcast_in_dim3A, %add3A_289 : vector<16xi32>
          tpu.vector_store_idx %arg9[%add3A_711], %gather3A_695 : memref<16384xf32, #tpu.memory_space<vmem>>[vector<16xi32>], vector<16xf32>,
          %add3A_712 = arith.addi %broadcast_in_dim3A, %add3A_303 : vector<16xi32>
          tpu.vector_store_idx %arg9[%add3A_712], %gather3A_696 : memref<16384xf32, #tpu.memory_space<vmem>>[vector<16xi32>], vector<16xf32>,
          %add3A_713 = arith.addi %broadcast_in_dim3A, %add3A_317 : vector<16xi32>
          tpu.vector_store_idx %arg9[%add3A_713], %gather3A_697 : memref<16384xf32, #tpu.memory_space<vmem>>[vector<16xi32>], vector<16xf32>,
          %add3A_714 = arith.addi %broadcast_in_dim3A, %add3A_331 : vector<16xi32>
          tpu.vector_store_idx %arg9[%add3A_714], %gather3A_698 : memref<16384xf32, #tpu.memory_space<vmem>>[vector<16xi32>], vector<16xf32>,
          %add3A_715 = arith.addi %broadcast_in_dim3A, %add3A_345 : vector<16xi32>
          tpu.vector_store_idx %arg9[%add3A_715], %gather3A_699 : memref<16384xf32, #tpu.memory_space<vmem>>[vector<16xi32>], vector<16xf32>,
          %add3A_716 = arith.addi %broadcast_in_dim3A, %add3A_359 : vector<16xi32>
          tpu.vector_store_idx %arg9[%add3A_716], %gather3A_700 : memref<16384xf32, #tpu.memory_space<vmem>>[vector<16xi32>], vector<16xf32>,
          %add3A_717 = arith.addi %broadcast_in_dim3A, %add3A_373 : vector<16xi32>
          tpu.vector_store_idx %arg9[%add3A_717], %gather3A_701 : memref<16384xf32, #tpu.memory_space<vmem>>[vector<16xi32>], vector<16xf32>,
          %add3A_718 = arith.addi %broadcast_in_dim3A, %add3A_387 : vector<16xi32>
          tpu.vector_store_idx %arg9[%add3A_718], %gather3A_702 : memref<16384xf32, #tpu.memory_space<vmem>>[vector<16xi32>], vector<16xf32>,
          %add3A_719 = arith.addi %broadcast_in_dim3A, %add3A_401 : vector<16xi32>
          tpu.vector_store_idx %arg9[%add3A_719], %gather3A_703 : memref<16384xf32, #tpu.memory_space<vmem>>[vector<16xi32>], vector<16xf32>,
          %add3A_720 = arith.addi %broadcast_in_dim3A, %add3A_415 : vector<16xi32>
          tpu.vector_store_idx %arg9[%add3A_720], %gather3A_704 : memref<16384xf32, #tpu.memory_space<vmem>>[vector<16xi32>], vector<16xf32>,
          %add3A_721 = arith.constant 8192 : i32
          %add3A_722 = arith.addi %add3A_687, %add3A_721 : i32
          %broadcast_in_dim3A_723 = vector.broadcast %add3A_722 : i32 to vector<16xi32>
          %gather3A_724 = tpu.vector_load_idx %arg7[%add3A_648, %add3A_148] : memref<512x32xf32, #tpu.memory_space<vmem>>[vector<16xi32>, vector<16xi32>], vector<16xf32>,
          %gather3A_725 = tpu.vector_load_idx %arg7[%add3A_648, %add3A_151] : memref<512x32xf32, #tpu.memory_space<vmem>>[vector<16xi32>, vector<16xi32>], vector<16xf32>,
          %gather3A_726 = tpu.vector_load_idx %arg7[%add3A_648, %add3A_154] : memref<512x32xf32, #tpu.memory_space<vmem>>[vector<16xi32>, vector<16xi32>], vector<16xf32>,
          %gather3A_727 = tpu.vector_load_idx %arg7[%add3A_648, %add3A_157] : memref<512x32xf32, #tpu.memory_space<vmem>>[vector<16xi32>, vector<16xi32>], vector<16xf32>,
          %gather3A_728 = tpu.vector_load_idx %arg7[%add3A_648, %add3A_160] : memref<512x32xf32, #tpu.memory_space<vmem>>[vector<16xi32>, vector<16xi32>], vector<16xf32>,
          %gather3A_729 = tpu.vector_load_idx %arg7[%add3A_648, %add3A_163] : memref<512x32xf32, #tpu.memory_space<vmem>>[vector<16xi32>, vector<16xi32>], vector<16xf32>,
          %gather3A_730 = tpu.vector_load_idx %arg7[%add3A_648, %add3A_166] : memref<512x32xf32, #tpu.memory_space<vmem>>[vector<16xi32>, vector<16xi32>], vector<16xf32>,
          %gather3A_731 = tpu.vector_load_idx %arg7[%add3A_648, %add3A_169] : memref<512x32xf32, #tpu.memory_space<vmem>>[vector<16xi32>, vector<16xi32>], vector<16xf32>,
          %gather3A_732 = tpu.vector_load_idx %arg7[%add3A_648, %add3A_172] : memref<512x32xf32, #tpu.memory_space<vmem>>[vector<16xi32>, vector<16xi32>], vector<16xf32>,
          %gather3A_733 = tpu.vector_load_idx %arg7[%add3A_648, %add3A_175] : memref<512x32xf32, #tpu.memory_space<vmem>>[vector<16xi32>, vector<16xi32>], vector<16xf32>,
          %gather3A_734 = tpu.vector_load_idx %arg7[%add3A_648, %add3A_178] : memref<512x32xf32, #tpu.memory_space<vmem>>[vector<16xi32>, vector<16xi32>], vector<16xf32>,
          %gather3A_735 = tpu.vector_load_idx %arg7[%add3A_648, %add3A_181] : memref<512x32xf32, #tpu.memory_space<vmem>>[vector<16xi32>, vector<16xi32>], vector<16xf32>,
          %gather3A_736 = tpu.vector_load_idx %arg7[%add3A_648, %add3A_184] : memref<512x32xf32, #tpu.memory_space<vmem>>[vector<16xi32>, vector<16xi32>], vector<16xf32>,
          %gather3A_737 = tpu.vector_load_idx %arg7[%add3A_648, %add3A_187] : memref<512x32xf32, #tpu.memory_space<vmem>>[vector<16xi32>, vector<16xi32>], vector<16xf32>,
          %gather3A_738 = tpu.vector_load_idx %arg7[%add3A_648, %add3A_190] : memref<512x32xf32, #tpu.memory_space<vmem>>[vector<16xi32>, vector<16xi32>], vector<16xf32>,
          %gather3A_739 = tpu.vector_load_idx %arg7[%add3A_648, %add3A_193] : memref<512x32xf32, #tpu.memory_space<vmem>>[vector<16xi32>, vector<16xi32>], vector<16xf32>,
          %add3A_740 = arith.addi %broadcast_in_dim3A_723, %add3A_205 : vector<16xi32>
          tpu.vector_store_idx %arg9[%add3A_740], %gather3A_724 : memref<16384xf32, #tpu.memory_space<vmem>>[vector<16xi32>], vector<16xf32>,
          %add3A_741 = arith.addi %broadcast_in_dim3A_723, %add3A_219 : vector<16xi32>
          tpu.vector_store_idx %arg9[%add3A_741], %gather3A_725 : memref<16384xf32, #tpu.memory_space<vmem>>[vector<16xi32>], vector<16xf32>,
          %add3A_742 = arith.addi %broadcast_in_dim3A_723, %add3A_233 : vector<16xi32>
          tpu.vector_store_idx %arg9[%add3A_742], %gather3A_726 : memref<16384xf32, #tpu.memory_space<vmem>>[vector<16xi32>], vector<16xf32>,
          %add3A_743 = arith.addi %broadcast_in_dim3A_723, %add3A_247 : vector<16xi32>
          tpu.vector_store_idx %arg9[%add3A_743], %gather3A_727 : memref<16384xf32, #tpu.memory_space<vmem>>[vector<16xi32>], vector<16xf32>,
          %add3A_744 = arith.addi %broadcast_in_dim3A_723, %add3A_261 : vector<16xi32>
          tpu.vector_store_idx %arg9[%add3A_744], %gather3A_728 : memref<16384xf32, #tpu.memory_space<vmem>>[vector<16xi32>], vector<16xf32>,
          %add3A_745 = arith.addi %broadcast_in_dim3A_723, %add3A_275 : vector<16xi32>
          tpu.vector_store_idx %arg9[%add3A_745], %gather3A_729 : memref<16384xf32, #tpu.memory_space<vmem>>[vector<16xi32>], vector<16xf32>,
          %add3A_746 = arith.addi %broadcast_in_dim3A_723, %add3A_289 : vector<16xi32>
          tpu.vector_store_idx %arg9[%add3A_746], %gather3A_730 : memref<16384xf32, #tpu.memory_space<vmem>>[vector<16xi32>], vector<16xf32>,
          %add3A_747 = arith.addi %broadcast_in_dim3A_723, %add3A_303 : vector<16xi32>
          tpu.vector_store_idx %arg9[%add3A_747], %gather3A_731 : memref<16384xf32, #tpu.memory_space<vmem>>[vector<16xi32>], vector<16xf32>,
          %add3A_748 = arith.addi %broadcast_in_dim3A_723, %add3A_317 : vector<16xi32>
          tpu.vector_store_idx %arg9[%add3A_748], %gather3A_732 : memref<16384xf32, #tpu.memory_space<vmem>>[vector<16xi32>], vector<16xf32>,
          %add3A_749 = arith.addi %broadcast_in_dim3A_723, %add3A_331 : vector<16xi32>
          tpu.vector_store_idx %arg9[%add3A_749], %gather3A_733 : memref<16384xf32, #tpu.memory_space<vmem>>[vector<16xi32>], vector<16xf32>,
          %add3A_750 = arith.addi %broadcast_in_dim3A_723, %add3A_345 : vector<16xi32>
          tpu.vector_store_idx %arg9[%add3A_750], %gather3A_734 : memref<16384xf32, #tpu.memory_space<vmem>>[vector<16xi32>], vector<16xf32>,
          %add3A_751 = arith.addi %broadcast_in_dim3A_723, %add3A_359 : vector<16xi32>
          tpu.vector_store_idx %arg9[%add3A_751], %gather3A_735 : memref<16384xf32, #tpu.memory_space<vmem>>[vector<16xi32>], vector<16xf32>,
          %add3A_752 = arith.addi %broadcast_in_dim3A_723, %add3A_373 : vector<16xi32>
          tpu.vector_store_idx %arg9[%add3A_752], %gather3A_736 : memref<16384xf32, #tpu.memory_space<vmem>>[vector<16xi32>], vector<16xf32>,
          %add3A_753 = arith.addi %broadcast_in_dim3A_723, %add3A_387 : vector<16xi32>
          tpu.vector_store_idx %arg9[%add3A_753], %gather3A_737 : memref<16384xf32, #tpu.memory_space<vmem>>[vector<16xi32>], vector<16xf32>,
          %add3A_754 = arith.addi %broadcast_in_dim3A_723, %add3A_401 : vector<16xi32>
          tpu.vector_store_idx %arg9[%add3A_754], %gather3A_738 : memref<16384xf32, #tpu.memory_space<vmem>>[vector<16xi32>], vector<16xf32>,
          %add3A_755 = arith.addi %broadcast_in_dim3A_723, %add3A_415 : vector<16xi32>
          tpu.vector_store_idx %arg9[%add3A_755], %gather3A_739 : memref<16384xf32, #tpu.memory_space<vmem>>[vector<16xi32>], vector<16xf32>,
        }
        %scan3A_599 = arith.constant 32 : i32
        %add3A_600 = arith.constant 0 : i32
        %add3A_601 = arith.addi %mul3A_432, %add3A_600 : i32
        %mul3A_602 = arith.constant 4096 : i32
        %mul3A_603 = arith.muli %add3A_576, %mul3A_602 : i32
        %add3A_604 = arith.addi %add3A_601, %mul3A_603 : i32
        %dma_start3A_605 = arith.constant 0 : i32
        %dma_start3A_606 = tpu.memref_slice %arg9[%dma_start3A_605] : memref<16384xf32, #tpu.memory_space<vmem>> -> memref<4096xf32, #tpu.memory_space<vmem>>
        %dma_start3A_607 = tpu.memref_slice %arg4[%add3A_604] : memref<104857600xf32, #tpu.memory_space<hbm>> -> memref<4096xf32, #tpu.memory_space<hbm>>
        %dma_start3A_608 = tpu.memref_slice %arg4[%add3A_604] : memref<104857600xf32, #tpu.memory_space<hbm>> -> memref<4096xf32, #tpu.memory_space<hbm>>
        %dma_start3A_609 = arith.constant 0 : i32
        %dma_start3A_610 = tpu.memref_slice %arg9[%dma_start3A_609] : memref<16384xf32, #tpu.memory_space<vmem>> -> memref<4096xf32, #tpu.memory_space<vmem>>
        tpu.enqueue_dma source(%dma_start3A_610 : memref<4096xf32, #tpu.memory_space<vmem>>) target(%dma_start3A_608 : memref<4096xf32, #tpu.memory_space<hbm>>) target_semaphore(%arg13 : memref<!tpu.dma_semaphore, #tpu.memory_space<semaphore_mem>>)
        %add3A_611 = arith.constant 131072 : i32
        %add3A_612 = arith.addi %mul3A_432, %add3A_611 : i32
        %mul3A_613 = arith.constant 4096 : i32
        %mul3A_614 = arith.muli %add3A_576, %mul3A_613 : i32
        %add3A_615 = arith.addi %add3A_612, %mul3A_614 : i32
        %dma_start3A_616 = arith.constant 4096 : i32
        %dma_start3A_617 = tpu.memref_slice %arg9[%dma_start3A_616] : memref<16384xf32, #tpu.memory_space<vmem>> -> memref<4096xf32, #tpu.memory_space<vmem>>
        %dma_start3A_618 = tpu.memref_slice %arg4[%add3A_615] : memref<104857600xf32, #tpu.memory_space<hbm>> -> memref<4096xf32, #tpu.memory_space<hbm>>
        %dma_start3A_619 = tpu.memref_slice %arg4[%add3A_615] : memref<104857600xf32, #tpu.memory_space<hbm>> -> memref<4096xf32, #tpu.memory_space<hbm>>
        %dma_start3A_620 = arith.constant 4096 : i32
        %dma_start3A_621 = tpu.memref_slice %arg9[%dma_start3A_620] : memref<16384xf32, #tpu.memory_space<vmem>> -> memref<4096xf32, #tpu.memory_space<vmem>>
        tpu.enqueue_dma source(%dma_start3A_621 : memref<4096xf32, #tpu.memory_space<vmem>>) target(%dma_start3A_619 : memref<4096xf32, #tpu.memory_space<hbm>>) target_semaphore(%arg13 : memref<!tpu.dma_semaphore, #tpu.memory_space<semaphore_mem>>)
        %add3A_622 = arith.constant 262144 : i32
        %add3A_623 = arith.addi %mul3A_432, %add3A_622 : i32
        %mul3A_624 = arith.constant 4096 : i32
        %mul3A_625 = arith.muli %add3A_576, %mul3A_624 : i32
        %add3A_626 = arith.addi %add3A_623, %mul3A_625 : i32
        %dma_start3A_627 = arith.constant 8192 : i32
        %dma_start3A_628 = tpu.memref_slice %arg9[%dma_start3A_627] : memref<16384xf32, #tpu.memory_space<vmem>> -> memref<4096xf32, #tpu.memory_space<vmem>>
        %dma_start3A_629 = tpu.memref_slice %arg4[%add3A_626] : memref<104857600xf32, #tpu.memory_space<hbm>> -> memref<4096xf32, #tpu.memory_space<hbm>>
        %dma_start3A_630 = tpu.memref_slice %arg4[%add3A_626] : memref<104857600xf32, #tpu.memory_space<hbm>> -> memref<4096xf32, #tpu.memory_space<hbm>>
        %dma_start3A_631 = arith.constant 8192 : i32
        %dma_start3A_632 = tpu.memref_slice %arg9[%dma_start3A_631] : memref<16384xf32, #tpu.memory_space<vmem>> -> memref<4096xf32, #tpu.memory_space<vmem>>
        tpu.enqueue_dma source(%dma_start3A_632 : memref<4096xf32, #tpu.memory_space<vmem>>) target(%dma_start3A_630 : memref<4096xf32, #tpu.memory_space<hbm>>) target_semaphore(%arg13 : memref<!tpu.dma_semaphore, #tpu.memory_space<semaphore_mem>>)
        %add3A_633 = arith.constant 393216 : i32
        %add3A_634 = arith.addi %mul3A_432, %add3A_633 : i32
        %mul3A_635 = arith.constant 4096 : i32
        %mul3A_636 = arith.muli %add3A_576, %mul3A_635 : i32
        %add3A_637 = arith.addi %add3A_634, %mul3A_636 : i32
        %dma_start3A_638 = arith.constant 12288 : i32
        %dma_start3A_639 = tpu.memref_slice %arg9[%dma_start3A_638] : memref<16384xf32, #tpu.memory_space<vmem>> -> memref<4096xf32, #tpu.memory_space<vmem>>
        %dma_start3A_640 = tpu.memref_slice %arg4[%add3A_637] : memref<104857600xf32, #tpu.memory_space<hbm>> -> memref<4096xf32, #tpu.memory_space<hbm>>
        %dma_start3A_641 = tpu.memref_slice %arg4[%add3A_637] : memref<104857600xf32, #tpu.memory_space<hbm>> -> memref<4096xf32, #tpu.memory_space<hbm>>
        %dma_start3A_642 = arith.constant 12288 : i32
        %dma_start3A_643 = tpu.memref_slice %arg9[%dma_start3A_642] : memref<16384xf32, #tpu.memory_space<vmem>> -> memref<4096xf32, #tpu.memory_space<vmem>>
        tpu.enqueue_dma source(%dma_start3A_643 : memref<4096xf32, #tpu.memory_space<vmem>>) target(%dma_start3A_641 : memref<4096xf32, #tpu.memory_space<hbm>>) target_semaphore(%arg13 : memref<!tpu.dma_semaphore, #tpu.memory_space<semaphore_mem>>)
      }
      %scan3A_441 = arith.constant 16 : i32
      %dma_wait3A = arith.constant 0 : i32
      %dma_wait3A_442 = tpu.memref_slice %arg8[%dma_wait3A] : memref<16384xf32, #tpu.memory_space<vmem>> -> memref<4096xf32, #tpu.memory_space<vmem>>
      %dma_wait3A_443 = arith.constant 0 : i32
      %dma_wait3A_444 = tpu.memref_slice %arg4[%dma_wait3A_443] : memref<104857600xf32, #tpu.memory_space<hbm>> -> memref<4096xf32, #tpu.memory_space<hbm>>
      %dma_wait3A_445 = arith.constant 0 : i32
      %dma_wait3A_446 = tpu.memref_slice %arg4[%dma_wait3A_445] : memref<104857600xf32, #tpu.memory_space<hbm>> -> memref<4096xf32, #tpu.memory_space<hbm>>
      %dma_wait3A_447 = arith.constant 0 : i32
      %dma_wait3A_448 = tpu.memref_slice %arg8[%dma_wait3A_447] : memref<16384xf32, #tpu.memory_space<vmem>> -> memref<4096xf32, #tpu.memory_space<vmem>>
      tpu.wait_dma2 semaphore(%arg12 : memref<!tpu.dma_semaphore, #tpu.memory_space<semaphore_mem>>) src(%dma_wait3A_448 : memref<4096xf32, #tpu.memory_space<vmem>>) dst(%dma_wait3A_446 : memref<4096xf32, #tpu.memory_space<hbm>>)
      %dma_wait3A_449 = arith.constant 4096 : i32
      %dma_wait3A_450 = tpu.memref_slice %arg8[%dma_wait3A_449] : memref<16384xf32, #tpu.memory_space<vmem>> -> memref<4096xf32, #tpu.memory_space<vmem>>
      %dma_wait3A_451 = arith.constant 4096 : i32
      %dma_wait3A_452 = tpu.memref_slice %arg4[%dma_wait3A_451] : memref<104857600xf32, #tpu.memory_space<hbm>> -> memref<4096xf32, #tpu.memory_space<hbm>>
      %dma_wait3A_453 = arith.constant 4096 : i32
      %dma_wait3A_454 = tpu.memref_slice %arg4[%dma_wait3A_453] : memref<104857600xf32, #tpu.memory_space<hbm>> -> memref<4096xf32, #tpu.memory_space<hbm>>
      %dma_wait3A_455 = arith.constant 4096 : i32
      %dma_wait3A_456 = tpu.memref_slice %arg8[%dma_wait3A_455] : memref<16384xf32, #tpu.memory_space<vmem>> -> memref<4096xf32, #tpu.memory_space<vmem>>
      tpu.wait_dma2 semaphore(%arg12 : memref<!tpu.dma_semaphore, #tpu.memory_space<semaphore_mem>>) src(%dma_wait3A_456 : memref<4096xf32, #tpu.memory_space<vmem>>) dst(%dma_wait3A_454 : memref<4096xf32, #tpu.memory_space<hbm>>)
      %dma_wait3A_457 = arith.constant 8192 : i32
      %dma_wait3A_458 = tpu.memref_slice %arg8[%dma_wait3A_457] : memref<16384xf32, #tpu.memory_space<vmem>> -> memref<4096xf32, #tpu.memory_space<vmem>>
      %dma_wait3A_459 = arith.constant 8192 : i32
      %dma_wait3A_460 = tpu.memref_slice %arg4[%dma_wait3A_459] : memref<104857600xf32, #tpu.memory_space<hbm>> -> memref<4096xf32, #tpu.memory_space<hbm>>
      %dma_wait3A_461 = arith.constant 8192 : i32
      %dma_wait3A_462 = tpu.memref_slice %arg4[%dma_wait3A_461] : memref<104857600xf32, #tpu.memory_space<hbm>> -> memref<4096xf32, #tpu.memory_space<hbm>>
      %dma_wait3A_463 = arith.constant 8192 : i32
      %dma_wait3A_464 = tpu.memref_slice %arg8[%dma_wait3A_463] : memref<16384xf32, #tpu.memory_space<vmem>> -> memref<4096xf32, #tpu.memory_space<vmem>>
      tpu.wait_dma2 semaphore(%arg12 : memref<!tpu.dma_semaphore, #tpu.memory_space<semaphore_mem>>) src(%dma_wait3A_464 : memref<4096xf32, #tpu.memory_space<vmem>>) dst(%dma_wait3A_462 : memref<4096xf32, #tpu.memory_space<hbm>>)
      %dma_wait3A_465 = arith.constant 12288 : i32
      %dma_wait3A_466 = tpu.memref_slice %arg8[%dma_wait3A_465] : memref<16384xf32, #tpu.memory_space<vmem>> -> memref<4096xf32, #tpu.memory_space<vmem>>
      %dma_wait3A_467 = arith.constant 12288 : i32
      %dma_wait3A_468 = tpu.memref_slice %arg4[%dma_wait3A_467] : memref<104857600xf32, #tpu.memory_space<hbm>> -> memref<4096xf32, #tpu.memory_space<hbm>>
      %dma_wait3A_469 = arith.constant 12288 : i32
      %dma_wait3A_470 = tpu.memref_slice %arg4[%dma_wait3A_469] : memref<104857600xf32, #tpu.memory_space<hbm>> -> memref<4096xf32, #tpu.memory_space<hbm>>
      %dma_wait3A_471 = arith.constant 12288 : i32
      %dma_wait3A_472 = tpu.memref_slice %arg8[%dma_wait3A_471] : memref<16384xf32, #tpu.memory_space<vmem>> -> memref<4096xf32, #tpu.memory_space<vmem>>
      tpu.wait_dma2 semaphore(%arg12 : memref<!tpu.dma_semaphore, #tpu.memory_space<semaphore_mem>>) src(%dma_wait3A_472 : memref<4096xf32, #tpu.memory_space<vmem>>) dst(%dma_wait3A_470 : memref<4096xf32, #tpu.memory_space<hbm>>)
      %dma_wait3A_473 = arith.constant 0 : i32
      %dma_wait3A_474 = tpu.memref_slice %arg9[%dma_wait3A_473] : memref<16384xf32, #tpu.memory_space<vmem>> -> memref<4096xf32, #tpu.memory_space<vmem>>
      %dma_wait3A_475 = arith.constant 0 : i32
      %dma_wait3A_476 = tpu.memref_slice %arg4[%dma_wait3A_475] : memref<104857600xf32, #tpu.memory_space<hbm>> -> memref<4096xf32, #tpu.memory_space<hbm>>
      %dma_wait3A_477 = arith.constant 0 : i32
      %dma_wait3A_478 = tpu.memref_slice %arg4[%dma_wait3A_477] : memref<104857600xf32, #tpu.memory_space<hbm>> -> memref<4096xf32, #tpu.memory_space<hbm>>
      %dma_wait3A_479 = arith.constant 0 : i32
      %dma_wait3A_480 = tpu.memref_slice %arg9[%dma_wait3A_479] : memref<16384xf32, #tpu.memory_space<vmem>> -> memref<4096xf32, #tpu.memory_space<vmem>>
      tpu.wait_dma2 semaphore(%arg13 : memref<!tpu.dma_semaphore, #tpu.memory_space<semaphore_mem>>) src(%dma_wait3A_480 : memref<4096xf32, #tpu.memory_space<vmem>>) dst(%dma_wait3A_478 : memref<4096xf32, #tpu.memory_space<hbm>>)
      %dma_wait3A_481 = arith.constant 4096 : i32
      %dma_wait3A_482 = tpu.memref_slice %arg9[%dma_wait3A_481] : memref<16384xf32, #tpu.memory_space<vmem>> -> memref<4096xf32, #tpu.memory_space<vmem>>
      %dma_wait3A_483 = arith.constant 4096 : i32
      %dma_wait3A_484 = tpu.memref_slice %arg4[%dma_wait3A_483] : memref<104857600xf32, #tpu.memory_space<hbm>> -> memref<4096xf32, #tpu.memory_space<hbm>>
      %dma_wait3A_485 = arith.constant 4096 : i32
      %dma_wait3A_486 = tpu.memref_slice %arg4[%dma_wait3A_485] : memref<104857600xf32, #tpu.memory_space<hbm>> -> memref<4096xf32, #tpu.memory_space<hbm>>
      %dma_wait3A_487 = arith.constant 4096 : i32
      %dma_wait3A_488 = tpu.memref_slice %arg9[%dma_wait3A_487] : memref<16384xf32, #tpu.memory_space<vmem>> -> memref<4096xf32, #tpu.memory_space<vmem>>
      tpu.wait_dma2 semaphore(%arg13 : memref<!tpu.dma_semaphore, #tpu.memory_space<semaphore_mem>>) src(%dma_wait3A_488 : memref<4096xf32, #tpu.memory_space<vmem>>) dst(%dma_wait3A_486 : memref<4096xf32, #tpu.memory_space<hbm>>)
      %dma_wait3A_489 = arith.constant 8192 : i32
      %dma_wait3A_490 = tpu.memref_slice %arg9[%dma_wait3A_489] : memref<16384xf32, #tpu.memory_space<vmem>> -> memref<4096xf32, #tpu.memory_space<vmem>>
      %dma_wait3A_491 = arith.constant 8192 : i32
      %dma_wait3A_492 = tpu.memref_slice %arg4[%dma_wait3A_491] : memref<104857600xf32, #tpu.memory_space<hbm>> -> memref<4096xf32, #tpu.memory_space<hbm>>
      %dma_wait3A_493 = arith.constant 8192 : i32
      %dma_wait3A_494 = tpu.memref_slice %arg4[%dma_wait3A_493] : memref<104857600xf32, #tpu.memory_space<hbm>> -> memref<4096xf32, #tpu.memory_space<hbm>>
      %dma_wait3A_495 = arith.constant 8192 : i32
      %dma_wait3A_496 = tpu.memref_slice %arg9[%dma_wait3A_495] : memref<16384xf32, #tpu.memory_space<vmem>> -> memref<4096xf32, #tpu.memory_space<vmem>>
      tpu.wait_dma2 semaphore(%arg13 : memref<!tpu.dma_semaphore, #tpu.memory_space<semaphore_mem>>) src(%dma_wait3A_496 : memref<4096xf32, #tpu.memory_space<vmem>>) dst(%dma_wait3A_494 : memref<4096xf32, #tpu.memory_space<hbm>>)
      %dma_wait3A_497 = arith.constant 12288 : i32
      %dma_wait3A_498 = tpu.memref_slice %arg9[%dma_wait3A_497] : memref<16384xf32, #tpu.memory_space<vmem>> -> memref<4096xf32, #tpu.memory_space<vmem>>
      %dma_wait3A_499 = arith.constant 12288 : i32
      %dma_wait3A_500 = tpu.memref_slice %arg4[%dma_wait3A_499] : memref<104857600xf32, #tpu.memory_space<hbm>> -> memref<4096xf32, #tpu.memory_space<hbm>>
      %dma_wait3A_501 = arith.constant 12288 : i32
      %dma_wait3A_502 = tpu.memref_slice %arg4[%dma_wait3A_501] : memref<104857600xf32, #tpu.memory_space<hbm>> -> memref<4096xf32, #tpu.memory_space<hbm>>
      %dma_wait3A_503 = arith.constant 12288 : i32
      %dma_wait3A_504 = tpu.memref_slice %arg9[%dma_wait3A_503] : memref<16384xf32, #tpu.memory_space<vmem>> -> memref<4096xf32, #tpu.memory_space<vmem>>
      tpu.wait_dma2 semaphore(%arg13 : memref<!tpu.dma_semaphore, #tpu.memory_space<semaphore_mem>>) src(%dma_wait3A_504 : memref<4096xf32, #tpu.memory_space<vmem>>) dst(%dma_wait3A_502 : memref<4096xf32, #tpu.memory_space<hbm>>)
    }
    %while3A_424 = arith.constant 1 : i32
    scf.for %while3A_425 = %while3A_422 to %while3A_418 step %while3A_424  : i32 {
      %mul3A_426 = arith.constant 32 : i32
      %mul3A_427 = arith.muli %mul3A_426, %while3A_425 : i32
      %add3A_428 = arith.addi %add3A, %mul3A_427 : i32
      %mul3A_429 = arith.constant 16384 : i32
      %mul3A_430 = arith.muli %add3A_428, %mul3A_429 : i32
      "tpu.region"() ({
        %run_scoped3A = tpu.sem_alloc : memref<!tpu.dma_semaphore, #tpu.memory_space<semaphore_mem>>
        %dma_start3A_505 = tpu.memref_slice %arg2[%mul3A_430] : memref<3276800xi32, #tpu.memory_space<hbm>> -> memref<16384xi32, #tpu.memory_space<hbm>>
        %dma_start3A_506 = tpu.memref_slice %arg2[%mul3A_430] : memref<3276800xi32, #tpu.memory_space<hbm>> -> memref<16384xi32, #tpu.memory_space<hbm>>
        tpu.enqueue_dma source(%dma_start3A_506 : memref<16384xi32, #tpu.memory_space<hbm>>) target(%arg5 : memref<16384xi32, #tpu.memory_space<vmem>>) target_semaphore(%run_scoped3A : memref<!tpu.dma_semaphore, #tpu.memory_space<semaphore_mem>>)
        %dma_wait3A_507 = tpu.memref_slice %arg2[%mul3A_430] : memref<3276800xi32, #tpu.memory_space<hbm>> -> memref<16384xi32, #tpu.memory_space<hbm>>
        %dma_wait3A_508 = tpu.memref_slice %arg2[%mul3A_430] : memref<3276800xi32, #tpu.memory_space<hbm>> -> memref<16384xi32, #tpu.memory_space<hbm>>
        tpu.wait_dma2 semaphore(%run_scoped3A : memref<!tpu.dma_semaphore, #tpu.memory_space<semaphore_mem>>) src(%dma_wait3A_508 : memref<16384xi32, #tpu.memory_space<hbm>>) dst(%arg5 : memref<16384xi32, #tpu.memory_space<vmem>>)
        tpu.yield
      }) : () -> ()
      %mul3A_431 = arith.constant 524288 : i32
      %mul3A_432 = arith.muli %add3A_428, %mul3A_431 : i32
      %dma_start3A = arith.constant 0 : i32
      %dma_start3A_433 = tpu.memref_slice %arg5[%dma_start3A] : memref<16384xi32, #tpu.memory_space<vmem>> -> memref<512xi32, #tpu.memory_space<vmem>>
      %dma_start3A_434 = arith.constant 0 : i32
      %dma_start3A_435 = arith.constant 0 : i32
      %dma_start3A_436 = tpu.memref_slice %arg3[%dma_start3A_434, %dma_start3A_435] : memref<1000001x32xf32, #tpu.memory_space<hbm>> -> memref<1000001x32xf32, #tpu.memory_space<hbm>>
      tpu.enqueue_indirect_dma source(%dma_start3A_436 : memref<1000001x32xf32, #tpu.memory_space<hbm>>) target(%arg6 : memref<512x32xf32, #tpu.memory_space<vmem>>) offsets(%dma_start3A_433 : memref<512xi32, #tpu.memory_space<vmem>>) semaphore(%arg10 : memref<!tpu.dma_semaphore, #tpu.memory_space<semaphore_mem>>)
      %scan3A = arith.constant 0 : i32
      %scan3A_437 = arith.constant 0 : i32
      %scan3A_438 = arith.constant 16 : i32
      %scan3A_439 = arith.addi %scan3A_437, %scan3A_438 : i32
      %scan3A_440 = arith.constant 1 : i32
      scf.for %scan3A_505 = %scan3A_437 to %scan3A_439 step %scan3A_440  : i32 {
        %mul3A_506 = arith.constant 2 : i32
        %mul3A_507 = arith.muli %scan3A_505, %mul3A_506 : i32
        %add3A_508 = arith.constant 0 : i32
        %add3A_509 = arith.addi %mul3A_507, %add3A_508 : i32
        %dma_wait3A_510 = arith.constant 0 : i32
        %dma_wait3A_511 = tpu.memref_slice %arg5[%dma_wait3A_510] : memref<16384xi32, #tpu.memory_space<vmem>> -> memref<512xi32, #tpu.memory_space<vmem>>
        %dma_wait3A_512 = arith.constant 0 : i32
        %dma_wait3A_513 = arith.constant 0 : i32
        %dma_wait3A_514 = tpu.memref_slice %arg3[%dma_wait3A_512, %dma_wait3A_513] : memref<1000001x32xf32, #tpu.memory_space<hbm>> -> memref<1000001x32xf32, #tpu.memory_space<hbm>>
        tpu.wait_indirect_dma semaphore(%arg10 : memref<!tpu.dma_semaphore, #tpu.memory_space<semaphore_mem>>) src(%dma_wait3A_514 : memref<1000001x32xf32, #tpu.memory_space<hbm>>) dst(%arg6 : memref<512x32xf32, #tpu.memory_space<vmem>>)
        %lt3A_515 = arith.constant 15 : i32
        %lt3A_516 = arith.cmpi slt, %scan3A_505, %lt3A_515 : i32
        %or3A = arith.constant true
        %or3A_517 = arith.ori %lt3A_516, %or3A : i1
        %convert_element_type3A = arith.extui %or3A_517 : i1 to i32
        %cond3A = arith.constant 0 : i32
        %cond3A_518 = arith.cmpi ne, %convert_element_type3A, %cond3A : i32
        scf.if %cond3A_518 {
          %add3A_644 = arith.constant 1 : i32
          %add3A_645 = arith.addi %add3A_509, %add3A_644 : i32
          %mul3A_646 = arith.constant 512 : i32
          %mul3A_647 = arith.muli %add3A_645, %mul3A_646 : i32
          %dma_start3A_648 = tpu.memref_slice %arg5[%mul3A_647] : memref<16384xi32, #tpu.memory_space<vmem>> -> memref<512xi32, #tpu.memory_space<vmem>>
          %dma_start3A_649 = arith.constant 0 : i32
          %dma_start3A_650 = arith.constant 0 : i32
          %dma_start3A_651 = tpu.memref_slice %arg3[%dma_start3A_649, %dma_start3A_650] : memref<1000001x32xf32, #tpu.memory_space<hbm>> -> memref<1000001x32xf32, #tpu.memory_space<hbm>>
          tpu.enqueue_indirect_dma source(%dma_start3A_651 : memref<1000001x32xf32, #tpu.memory_space<hbm>>) target(%arg7 : memref<512x32xf32, #tpu.memory_space<vmem>>) offsets(%dma_start3A_648 : memref<512xi32, #tpu.memory_space<vmem>>) semaphore(%arg11 : memref<!tpu.dma_semaphore, #tpu.memory_space<semaphore_mem>>)
        } else {
        }
        %gt3A = arith.constant 0 : i32
        %gt3A_519 = arith.cmpi sgt, %scan3A_505, %gt3A : i32
        %convert_element_type3A_520 = arith.extui %gt3A_519 : i1 to i32
        %cond3A_521 = arith.constant 0 : i32
        %cond3A_522 = arith.cmpi ne, %convert_element_type3A_520, %cond3A_521 : i32
        scf.if %cond3A_522 {
          %dma_wait3A_644 = arith.constant 0 : i32
          %dma_wait3A_645 = tpu.memref_slice %arg8[%dma_wait3A_644] : memref<16384xf32, #tpu.memory_space<vmem>> -> memref<4096xf32, #tpu.memory_space<vmem>>
          %dma_wait3A_646 = arith.constant 0 : i32
          %dma_wait3A_647 = tpu.memref_slice %arg4[%dma_wait3A_646] : memref<104857600xf32, #tpu.memory_space<hbm>> -> memref<4096xf32, #tpu.memory_space<hbm>>
          %dma_wait3A_648 = arith.constant 0 : i32
          %dma_wait3A_649 = tpu.memref_slice %arg4[%dma_wait3A_648] : memref<104857600xf32, #tpu.memory_space<hbm>> -> memref<4096xf32, #tpu.memory_space<hbm>>
          %dma_wait3A_650 = arith.constant 0 : i32
          %dma_wait3A_651 = tpu.memref_slice %arg8[%dma_wait3A_650] : memref<16384xf32, #tpu.memory_space<vmem>> -> memref<4096xf32, #tpu.memory_space<vmem>>
          tpu.wait_dma2 semaphore(%arg12 : memref<!tpu.dma_semaphore, #tpu.memory_space<semaphore_mem>>) src(%dma_wait3A_651 : memref<4096xf32, #tpu.memory_space<vmem>>) dst(%dma_wait3A_649 : memref<4096xf32, #tpu.memory_space<hbm>>)
          %dma_wait3A_652 = arith.constant 4096 : i32
          %dma_wait3A_653 = tpu.memref_slice %arg8[%dma_wait3A_652] : memref<16384xf32, #tpu.memory_space<vmem>> -> memref<4096xf32, #tpu.memory_space<vmem>>
          %dma_wait3A_654 = arith.constant 4096 : i32
          %dma_wait3A_655 = tpu.memref_slice %arg4[%dma_wait3A_654] : memref<104857600xf32, #tpu.memory_space<hbm>> -> memref<4096xf32, #tpu.memory_space<hbm>>
          %dma_wait3A_656 = arith.constant 4096 : i32
          %dma_wait3A_657 = tpu.memref_slice %arg4[%dma_wait3A_656] : memref<104857600xf32, #tpu.memory_space<hbm>> -> memref<4096xf32, #tpu.memory_space<hbm>>
          %dma_wait3A_658 = arith.constant 4096 : i32
          %dma_wait3A_659 = tpu.memref_slice %arg8[%dma_wait3A_658] : memref<16384xf32, #tpu.memory_space<vmem>> -> memref<4096xf32, #tpu.memory_space<vmem>>
          tpu.wait_dma2 semaphore(%arg12 : memref<!tpu.dma_semaphore, #tpu.memory_space<semaphore_mem>>) src(%dma_wait3A_659 : memref<4096xf32, #tpu.memory_space<vmem>>) dst(%dma_wait3A_657 : memref<4096xf32, #tpu.memory_space<hbm>>)
          %dma_wait3A_660 = arith.constant 8192 : i32
          %dma_wait3A_661 = tpu.memref_slice %arg8[%dma_wait3A_660] : memref<16384xf32, #tpu.memory_space<vmem>> -> memref<4096xf32, #tpu.memory_space<vmem>>
          %dma_wait3A_662 = arith.constant 8192 : i32
          %dma_wait3A_663 = tpu.memref_slice %arg4[%dma_wait3A_662] : memref<104857600xf32, #tpu.memory_space<hbm>> -> memref<4096xf32, #tpu.memory_space<hbm>>
          %dma_wait3A_664 = arith.constant 8192 : i32
          %dma_wait3A_665 = tpu.memref_slice %arg4[%dma_wait3A_664] : memref<104857600xf32, #tpu.memory_space<hbm>> -> memref<4096xf32, #tpu.memory_space<hbm>>
          %dma_wait3A_666 = arith.constant 8192 : i32
          %dma_wait3A_667 = tpu.memref_slice %arg8[%dma_wait3A_666] : memref<16384xf32, #tpu.memory_space<vmem>> -> memref<4096xf32, #tpu.memory_space<vmem>>
          tpu.wait_dma2 semaphore(%arg12 : memref<!tpu.dma_semaphore, #tpu.memory_space<semaphore_mem>>) src(%dma_wait3A_667 : memref<4096xf32, #tpu.memory_space<vmem>>) dst(%dma_wait3A_665 : memref<4096xf32, #tpu.memory_space<hbm>>)
          %dma_wait3A_668 = arith.constant 12288 : i32
          %dma_wait3A_669 = tpu.memref_slice %arg8[%dma_wait3A_668] : memref<16384xf32, #tpu.memory_space<vmem>> -> memref<4096xf32, #tpu.memory_space<vmem>>
          %dma_wait3A_670 = arith.constant 12288 : i32
          %dma_wait3A_671 = tpu.memref_slice %arg4[%dma_wait3A_670] : memref<104857600xf32, #tpu.memory_space<hbm>> -> memref<4096xf32, #tpu.memory_space<hbm>>
          %dma_wait3A_672 = arith.constant 12288 : i32
          %dma_wait3A_673 = tpu.memref_slice %arg4[%dma_wait3A_672] : memref<104857600xf32, #tpu.memory_space<hbm>> -> memref<4096xf32, #tpu.memory_space<hbm>>
          %dma_wait3A_674 = arith.constant 12288 : i32
          %dma_wait3A_675 = tpu.memref_slice %arg8[%dma_wait3A_674] : memref<16384xf32, #tpu.memory_space<vmem>> -> memref<4096xf32, #tpu.memory_space<vmem>>
          tpu.wait_dma2 semaphore(%arg12 : memref<!tpu.dma_semaphore, #tpu.memory_space<semaphore_mem>>) src(%dma_wait3A_675 : memref<4096xf32, #tpu.memory_space<vmem>>) dst(%dma_wait3A_673 : memref<4096xf32, #tpu.memory_space<hbm>>)
        } else {
        }
        %scan3A_523 = arith.constant 0 : i32
        %scan3A_524 = arith.constant 0 : i32
        %scan3A_525 = arith.constant 32 : i32
        %scan3A_526 = arith.addi %scan3A_524, %scan3A_525 : i32
        %scan3A_527 = arith.constant 1 : i32
        scf.for %scan3A_644 = %scan3A_524 to %scan3A_526 step %scan3A_527  : i32 {
          %mul3A_645 = arith.constant 16 : i32
          %mul3A_646 = arith.muli %scan3A_644, %mul3A_645 : i32
          %add3A_647 = vector.broadcast %mul3A_646 : i32 to vector<16xi32>
          %add3A_648 = arith.addi %add3A_647, %iota3A : vector<16xi32>
          %jit3A_649 = arith.constant 8 : i32
          %div3A = arith.divsi %scan3A_644, %jit3A_649 : i32
          %sign3A = arith.constant 0 : i32
          %sign3A_650 = arith.cmpi sgt, %scan3A_644, %sign3A : i32
          %sign3A_651 = arith.extui %sign3A_650 : i1 to i32
          %sign3A_652 = arith.constant 0 : i32
          %sign3A_653 = arith.cmpi slt, %scan3A_644, %sign3A_652 : i32
          %sign3A_654 = arith.extui %sign3A_653 : i1 to i32
          %sign3A_655 = arith.subi %sign3A_651, %sign3A_654 : i32
          %sign3A_656 = arith.constant 0 : i32
          %sign3A_657 = arith.cmpi sgt, %jit3A_649, %sign3A_656 : i32
          %sign3A_658 = arith.extui %sign3A_657 : i1 to i32
          %sign3A_659 = arith.constant 0 : i32
          %sign3A_660 = arith.cmpi slt, %jit3A_649, %sign3A_659 : i32
          %sign3A_661 = arith.extui %sign3A_660 : i1 to i32
          %sign3A_662 = arith.subi %sign3A_658, %sign3A_661 : i32
          %ne3A = arith.cmpi ne, %sign3A_655, %sign3A_662 : i32
          %rem3A = arith.remsi %scan3A_644, %jit3A_649 : i32
          %ne3A_663 = arith.constant 0 : i32
          %ne3A_664 = arith.cmpi ne, %rem3A, %ne3A_663 : i32
          %and3A_665 = arith.andi %ne3A, %ne3A_664 : i1
          %sub3A = arith.constant 1 : i32
          %sub3A_666 = arith.subi %div3A, %sub3A : i32
          %select_n3A_667 = arith.select %and3A_665, %sub3A_666, %div3A : i32
          %mul3A_668 = arith.constant 1024 : i32
          %mul3A_669 = arith.muli %select_n3A_667, %mul3A_668 : i32
          %jit3A_670 = arith.constant 8 : i32
          %eq3A = arith.constant 0 : i32
          %eq3A_671 = arith.cmpi eq, %jit3A_670, %eq3A : i32
          %jit3A_672 = arith.constant 1 : i32
          %select_n3A_673 = arith.select %eq3A_671, %jit3A_672, %jit3A_670 : i32
          %rem3A_674 = arith.remsi %scan3A_644, %select_n3A_673 : i32
          %ne3A_675 = arith.constant 0 : i32
          %ne3A_676 = arith.cmpi ne, %rem3A_674, %ne3A_675 : i32
          %lt3A_677 = arith.constant 0 : i32
          %lt3A_678 = arith.cmpi slt, %rem3A_674, %lt3A_677 : i32
          %lt3A_679 = arith.constant 0 : i32
          %lt3A_680 = arith.cmpi slt, %select_n3A_673, %lt3A_679 : i32
          %ne3A_681 = arith.xori %lt3A_678, %lt3A_680 : i1
          %and3A_682 = arith.andi %ne3A_681, %ne3A_676 : i1
          %add3A_683 = arith.addi %rem3A_674, %select_n3A_673 : i32
          %select_n3A_684 = arith.select %and3A_682, %add3A_683, %rem3A_674 : i32
          %mul3A_685 = arith.constant 16 : i32
          %mul3A_686 = arith.muli %select_n3A_684, %mul3A_685 : i32
          %add3A_687 = arith.addi %mul3A_669, %mul3A_686 : i32
          %add3A_688 = arith.constant 0 : i32
          %add3A_689 = arith.addi %add3A_687, %add3A_688 : i32
          %broadcast_in_dim3A = vector.broadcast %add3A_689 : i32 to vector<16xi32>
          %gather3A = tpu.vector_load_idx %arg6[%add3A_648, %add3A_100] : memref<512x32xf32, #tpu.memory_space<vmem>>[vector<16xi32>, vector<16xi32>], vector<16xf32>,
          %gather3A_690 = tpu.vector_load_idx %arg6[%add3A_648, %add3A_103] : memref<512x32xf32, #tpu.memory_space<vmem>>[vector<16xi32>, vector<16xi32>], vector<16xf32>,
          %gather3A_691 = tpu.vector_load_idx %arg6[%add3A_648, %add3A_106] : memref<512x32xf32, #tpu.memory_space<vmem>>[vector<16xi32>, vector<16xi32>], vector<16xf32>,
          %gather3A_692 = tpu.vector_load_idx %arg6[%add3A_648, %add3A_109] : memref<512x32xf32, #tpu.memory_space<vmem>>[vector<16xi32>, vector<16xi32>], vector<16xf32>,
          %gather3A_693 = tpu.vector_load_idx %arg6[%add3A_648, %add3A_112] : memref<512x32xf32, #tpu.memory_space<vmem>>[vector<16xi32>, vector<16xi32>], vector<16xf32>,
          %gather3A_694 = tpu.vector_load_idx %arg6[%add3A_648, %add3A_115] : memref<512x32xf32, #tpu.memory_space<vmem>>[vector<16xi32>, vector<16xi32>], vector<16xf32>,
          %gather3A_695 = tpu.vector_load_idx %arg6[%add3A_648, %add3A_118] : memref<512x32xf32, #tpu.memory_space<vmem>>[vector<16xi32>, vector<16xi32>], vector<16xf32>,
          %gather3A_696 = tpu.vector_load_idx %arg6[%add3A_648, %add3A_121] : memref<512x32xf32, #tpu.memory_space<vmem>>[vector<16xi32>, vector<16xi32>], vector<16xf32>,
          %gather3A_697 = tpu.vector_load_idx %arg6[%add3A_648, %add3A_124] : memref<512x32xf32, #tpu.memory_space<vmem>>[vector<16xi32>, vector<16xi32>], vector<16xf32>,
          %gather3A_698 = tpu.vector_load_idx %arg6[%add3A_648, %add3A_127] : memref<512x32xf32, #tpu.memory_space<vmem>>[vector<16xi32>, vector<16xi32>], vector<16xf32>,
          %gather3A_699 = tpu.vector_load_idx %arg6[%add3A_648, %add3A_130] : memref<512x32xf32, #tpu.memory_space<vmem>>[vector<16xi32>, vector<16xi32>], vector<16xf32>,
          %gather3A_700 = tpu.vector_load_idx %arg6[%add3A_648, %add3A_133] : memref<512x32xf32, #tpu.memory_space<vmem>>[vector<16xi32>, vector<16xi32>], vector<16xf32>,
          %gather3A_701 = tpu.vector_load_idx %arg6[%add3A_648, %add3A_136] : memref<512x32xf32, #tpu.memory_space<vmem>>[vector<16xi32>, vector<16xi32>], vector<16xf32>,
          %gather3A_702 = tpu.vector_load_idx %arg6[%add3A_648, %add3A_139] : memref<512x32xf32, #tpu.memory_space<vmem>>[vector<16xi32>, vector<16xi32>], vector<16xf32>,
          %gather3A_703 = tpu.vector_load_idx %arg6[%add3A_648, %add3A_142] : memref<512x32xf32, #tpu.memory_space<vmem>>[vector<16xi32>, vector<16xi32>], vector<16xf32>,
          %gather3A_704 = tpu.vector_load_idx %arg6[%add3A_648, %add3A_145] : memref<512x32xf32, #tpu.memory_space<vmem>>[vector<16xi32>, vector<16xi32>], vector<16xf32>,
          %add3A_705 = arith.addi %broadcast_in_dim3A, %add3A_205 : vector<16xi32>
          tpu.vector_store_idx %arg8[%add3A_705], %gather3A : memref<16384xf32, #tpu.memory_space<vmem>>[vector<16xi32>], vector<16xf32>,
          %add3A_706 = arith.addi %broadcast_in_dim3A, %add3A_219 : vector<16xi32>
          tpu.vector_store_idx %arg8[%add3A_706], %gather3A_690 : memref<16384xf32, #tpu.memory_space<vmem>>[vector<16xi32>], vector<16xf32>,
          %add3A_707 = arith.addi %broadcast_in_dim3A, %add3A_233 : vector<16xi32>
          tpu.vector_store_idx %arg8[%add3A_707], %gather3A_691 : memref<16384xf32, #tpu.memory_space<vmem>>[vector<16xi32>], vector<16xf32>,
          %add3A_708 = arith.addi %broadcast_in_dim3A, %add3A_247 : vector<16xi32>
          tpu.vector_store_idx %arg8[%add3A_708], %gather3A_692 : memref<16384xf32, #tpu.memory_space<vmem>>[vector<16xi32>], vector<16xf32>,
          %add3A_709 = arith.addi %broadcast_in_dim3A, %add3A_261 : vector<16xi32>
          tpu.vector_store_idx %arg8[%add3A_709], %gather3A_693 : memref<16384xf32, #tpu.memory_space<vmem>>[vector<16xi32>], vector<16xf32>,
          %add3A_710 = arith.addi %broadcast_in_dim3A, %add3A_275 : vector<16xi32>
          tpu.vector_store_idx %arg8[%add3A_710], %gather3A_694 : memref<16384xf32, #tpu.memory_space<vmem>>[vector<16xi32>], vector<16xf32>,
          %add3A_711 = arith.addi %broadcast_in_dim3A, %add3A_289 : vector<16xi32>
          tpu.vector_store_idx %arg8[%add3A_711], %gather3A_695 : memref<16384xf32, #tpu.memory_space<vmem>>[vector<16xi32>], vector<16xf32>,
          %add3A_712 = arith.addi %broadcast_in_dim3A, %add3A_303 : vector<16xi32>
          tpu.vector_store_idx %arg8[%add3A_712], %gather3A_696 : memref<16384xf32, #tpu.memory_space<vmem>>[vector<16xi32>], vector<16xf32>,
          %add3A_713 = arith.addi %broadcast_in_dim3A, %add3A_317 : vector<16xi32>
          tpu.vector_store_idx %arg8[%add3A_713], %gather3A_697 : memref<16384xf32, #tpu.memory_space<vmem>>[vector<16xi32>], vector<16xf32>,
          %add3A_714 = arith.addi %broadcast_in_dim3A, %add3A_331 : vector<16xi32>
          tpu.vector_store_idx %arg8[%add3A_714], %gather3A_698 : memref<16384xf32, #tpu.memory_space<vmem>>[vector<16xi32>], vector<16xf32>,
          %add3A_715 = arith.addi %broadcast_in_dim3A, %add3A_345 : vector<16xi32>
          tpu.vector_store_idx %arg8[%add3A_715], %gather3A_699 : memref<16384xf32, #tpu.memory_space<vmem>>[vector<16xi32>], vector<16xf32>,
          %add3A_716 = arith.addi %broadcast_in_dim3A, %add3A_359 : vector<16xi32>
          tpu.vector_store_idx %arg8[%add3A_716], %gather3A_700 : memref<16384xf32, #tpu.memory_space<vmem>>[vector<16xi32>], vector<16xf32>,
          %add3A_717 = arith.addi %broadcast_in_dim3A, %add3A_373 : vector<16xi32>
          tpu.vector_store_idx %arg8[%add3A_717], %gather3A_701 : memref<16384xf32, #tpu.memory_space<vmem>>[vector<16xi32>], vector<16xf32>,
          %add3A_718 = arith.addi %broadcast_in_dim3A, %add3A_387 : vector<16xi32>
          tpu.vector_store_idx %arg8[%add3A_718], %gather3A_702 : memref<16384xf32, #tpu.memory_space<vmem>>[vector<16xi32>], vector<16xf32>,
          %add3A_719 = arith.addi %broadcast_in_dim3A, %add3A_401 : vector<16xi32>
          tpu.vector_store_idx %arg8[%add3A_719], %gather3A_703 : memref<16384xf32, #tpu.memory_space<vmem>>[vector<16xi32>], vector<16xf32>,
          %add3A_720 = arith.addi %broadcast_in_dim3A, %add3A_415 : vector<16xi32>
          tpu.vector_store_idx %arg8[%add3A_720], %gather3A_704 : memref<16384xf32, #tpu.memory_space<vmem>>[vector<16xi32>], vector<16xf32>,
          %add3A_721 = arith.constant 8192 : i32
          %add3A_722 = arith.addi %add3A_687, %add3A_721 : i32
          %broadcast_in_dim3A_723 = vector.broadcast %add3A_722 : i32 to vector<16xi32>
          %gather3A_724 = tpu.vector_load_idx %arg6[%add3A_648, %add3A_148] : memref<512x32xf32, #tpu.memory_space<vmem>>[vector<16xi32>, vector<16xi32>], vector<16xf32>,
          %gather3A_725 = tpu.vector_load_idx %arg6[%add3A_648, %add3A_151] : memref<512x32xf32, #tpu.memory_space<vmem>>[vector<16xi32>, vector<16xi32>], vector<16xf32>,
          %gather3A_726 = tpu.vector_load_idx %arg6[%add3A_648, %add3A_154] : memref<512x32xf32, #tpu.memory_space<vmem>>[vector<16xi32>, vector<16xi32>], vector<16xf32>,
          %gather3A_727 = tpu.vector_load_idx %arg6[%add3A_648, %add3A_157] : memref<512x32xf32, #tpu.memory_space<vmem>>[vector<16xi32>, vector<16xi32>], vector<16xf32>,
          %gather3A_728 = tpu.vector_load_idx %arg6[%add3A_648, %add3A_160] : memref<512x32xf32, #tpu.memory_space<vmem>>[vector<16xi32>, vector<16xi32>], vector<16xf32>,
          %gather3A_729 = tpu.vector_load_idx %arg6[%add3A_648, %add3A_163] : memref<512x32xf32, #tpu.memory_space<vmem>>[vector<16xi32>, vector<16xi32>], vector<16xf32>,
          %gather3A_730 = tpu.vector_load_idx %arg6[%add3A_648, %add3A_166] : memref<512x32xf32, #tpu.memory_space<vmem>>[vector<16xi32>, vector<16xi32>], vector<16xf32>,
          %gather3A_731 = tpu.vector_load_idx %arg6[%add3A_648, %add3A_169] : memref<512x32xf32, #tpu.memory_space<vmem>>[vector<16xi32>, vector<16xi32>], vector<16xf32>,
          %gather3A_732 = tpu.vector_load_idx %arg6[%add3A_648, %add3A_172] : memref<512x32xf32, #tpu.memory_space<vmem>>[vector<16xi32>, vector<16xi32>], vector<16xf32>,
          %gather3A_733 = tpu.vector_load_idx %arg6[%add3A_648, %add3A_175] : memref<512x32xf32, #tpu.memory_space<vmem>>[vector<16xi32>, vector<16xi32>], vector<16xf32>,
          %gather3A_734 = tpu.vector_load_idx %arg6[%add3A_648, %add3A_178] : memref<512x32xf32, #tpu.memory_space<vmem>>[vector<16xi32>, vector<16xi32>], vector<16xf32>,
          %gather3A_735 = tpu.vector_load_idx %arg6[%add3A_648, %add3A_181] : memref<512x32xf32, #tpu.memory_space<vmem>>[vector<16xi32>, vector<16xi32>], vector<16xf32>,
          %gather3A_736 = tpu.vector_load_idx %arg6[%add3A_648, %add3A_184] : memref<512x32xf32, #tpu.memory_space<vmem>>[vector<16xi32>, vector<16xi32>], vector<16xf32>,
          %gather3A_737 = tpu.vector_load_idx %arg6[%add3A_648, %add3A_187] : memref<512x32xf32, #tpu.memory_space<vmem>>[vector<16xi32>, vector<16xi32>], vector<16xf32>,
          %gather3A_738 = tpu.vector_load_idx %arg6[%add3A_648, %add3A_190] : memref<512x32xf32, #tpu.memory_space<vmem>>[vector<16xi32>, vector<16xi32>], vector<16xf32>,
          %gather3A_739 = tpu.vector_load_idx %arg6[%add3A_648, %add3A_193] : memref<512x32xf32, #tpu.memory_space<vmem>>[vector<16xi32>, vector<16xi32>], vector<16xf32>,
          %add3A_740 = arith.addi %broadcast_in_dim3A_723, %add3A_205 : vector<16xi32>
          tpu.vector_store_idx %arg8[%add3A_740], %gather3A_724 : memref<16384xf32, #tpu.memory_space<vmem>>[vector<16xi32>], vector<16xf32>,
          %add3A_741 = arith.addi %broadcast_in_dim3A_723, %add3A_219 : vector<16xi32>
          tpu.vector_store_idx %arg8[%add3A_741], %gather3A_725 : memref<16384xf32, #tpu.memory_space<vmem>>[vector<16xi32>], vector<16xf32>,
          %add3A_742 = arith.addi %broadcast_in_dim3A_723, %add3A_233 : vector<16xi32>
          tpu.vector_store_idx %arg8[%add3A_742], %gather3A_726 : memref<16384xf32, #tpu.memory_space<vmem>>[vector<16xi32>], vector<16xf32>,
          %add3A_743 = arith.addi %broadcast_in_dim3A_723, %add3A_247 : vector<16xi32>
          tpu.vector_store_idx %arg8[%add3A_743], %gather3A_727 : memref<16384xf32, #tpu.memory_space<vmem>>[vector<16xi32>], vector<16xf32>,
          %add3A_744 = arith.addi %broadcast_in_dim3A_723, %add3A_261 : vector<16xi32>
          tpu.vector_store_idx %arg8[%add3A_744], %gather3A_728 : memref<16384xf32, #tpu.memory_space<vmem>>[vector<16xi32>], vector<16xf32>,
          %add3A_745 = arith.addi %broadcast_in_dim3A_723, %add3A_275 : vector<16xi32>
          tpu.vector_store_idx %arg8[%add3A_745], %gather3A_729 : memref<16384xf32, #tpu.memory_space<vmem>>[vector<16xi32>], vector<16xf32>,
          %add3A_746 = arith.addi %broadcast_in_dim3A_723, %add3A_289 : vector<16xi32>
          tpu.vector_store_idx %arg8[%add3A_746], %gather3A_730 : memref<16384xf32, #tpu.memory_space<vmem>>[vector<16xi32>], vector<16xf32>,
          %add3A_747 = arith.addi %broadcast_in_dim3A_723, %add3A_303 : vector<16xi32>
          tpu.vector_store_idx %arg8[%add3A_747], %gather3A_731 : memref<16384xf32, #tpu.memory_space<vmem>>[vector<16xi32>], vector<16xf32>,
          %add3A_748 = arith.addi %broadcast_in_dim3A_723, %add3A_317 : vector<16xi32>
          tpu.vector_store_idx %arg8[%add3A_748], %gather3A_732 : memref<16384xf32, #tpu.memory_space<vmem>>[vector<16xi32>], vector<16xf32>,
          %add3A_749 = arith.addi %broadcast_in_dim3A_723, %add3A_331 : vector<16xi32>
          tpu.vector_store_idx %arg8[%add3A_749], %gather3A_733 : memref<16384xf32, #tpu.memory_space<vmem>>[vector<16xi32>], vector<16xf32>,
          %add3A_750 = arith.addi %broadcast_in_dim3A_723, %add3A_345 : vector<16xi32>
          tpu.vector_store_idx %arg8[%add3A_750], %gather3A_734 : memref<16384xf32, #tpu.memory_space<vmem>>[vector<16xi32>], vector<16xf32>,
          %add3A_751 = arith.addi %broadcast_in_dim3A_723, %add3A_359 : vector<16xi32>
          tpu.vector_store_idx %arg8[%add3A_751], %gather3A_735 : memref<16384xf32, #tpu.memory_space<vmem>>[vector<16xi32>], vector<16xf32>,
          %add3A_752 = arith.addi %broadcast_in_dim3A_723, %add3A_373 : vector<16xi32>
          tpu.vector_store_idx %arg8[%add3A_752], %gather3A_736 : memref<16384xf32, #tpu.memory_space<vmem>>[vector<16xi32>], vector<16xf32>,
          %add3A_753 = arith.addi %broadcast_in_dim3A_723, %add3A_387 : vector<16xi32>
          tpu.vector_store_idx %arg8[%add3A_753], %gather3A_737 : memref<16384xf32, #tpu.memory_space<vmem>>[vector<16xi32>], vector<16xf32>,
          %add3A_754 = arith.addi %broadcast_in_dim3A_723, %add3A_401 : vector<16xi32>
          tpu.vector_store_idx %arg8[%add3A_754], %gather3A_738 : memref<16384xf32, #tpu.memory_space<vmem>>[vector<16xi32>], vector<16xf32>,
          %add3A_755 = arith.addi %broadcast_in_dim3A_723, %add3A_415 : vector<16xi32>
          tpu.vector_store_idx %arg8[%add3A_755], %gather3A_739 : memref<16384xf32, #tpu.memory_space<vmem>>[vector<16xi32>], vector<16xf32>,
        }
        %scan3A_528 = arith.constant 32 : i32
        %add3A_529 = arith.constant 0 : i32
        %add3A_530 = arith.addi %mul3A_432, %add3A_529 : i32
        %mul3A_531 = arith.constant 4096 : i32
        %mul3A_532 = arith.muli %add3A_509, %mul3A_531 : i32
        %add3A_533 = arith.addi %add3A_530, %mul3A_532 : i32
        %dma_start3A_534 = arith.constant 0 : i32
        %dma_start3A_535 = tpu.memref_slice %arg8[%dma_start3A_534] : memref<16384xf32, #tpu.memory_space<vmem>> -> memref<4096xf32, #tpu.memory_space<vmem>>
        %dma_start3A_536 = tpu.memref_slice %arg4[%add3A_533] : memref<104857600xf32, #tpu.memory_space<hbm>> -> memref<4096xf32, #tpu.memory_space<hbm>>
        %dma_start3A_537 = tpu.memref_slice %arg4[%add3A_533] : memref<104857600xf32, #tpu.memory_space<hbm>> -> memref<4096xf32, #tpu.memory_space<hbm>>
        %dma_start3A_538 = arith.constant 0 : i32
        %dma_start3A_539 = tpu.memref_slice %arg8[%dma_start3A_538] : memref<16384xf32, #tpu.memory_space<vmem>> -> memref<4096xf32, #tpu.memory_space<vmem>>
        tpu.enqueue_dma source(%dma_start3A_539 : memref<4096xf32, #tpu.memory_space<vmem>>) target(%dma_start3A_537 : memref<4096xf32, #tpu.memory_space<hbm>>) target_semaphore(%arg12 : memref<!tpu.dma_semaphore, #tpu.memory_space<semaphore_mem>>)
        %add3A_540 = arith.constant 131072 : i32
        %add3A_541 = arith.addi %mul3A_432, %add3A_540 : i32
        %mul3A_542 = arith.constant 4096 : i32
        %mul3A_543 = arith.muli %add3A_509, %mul3A_542 : i32
        %add3A_544 = arith.addi %add3A_541, %mul3A_543 : i32
        %dma_start3A_545 = arith.constant 4096 : i32
        %dma_start3A_546 = tpu.memref_slice %arg8[%dma_start3A_545] : memref<16384xf32, #tpu.memory_space<vmem>> -> memref<4096xf32, #tpu.memory_space<vmem>>
        %dma_start3A_547 = tpu.memref_slice %arg4[%add3A_544] : memref<104857600xf32, #tpu.memory_space<hbm>> -> memref<4096xf32, #tpu.memory_space<hbm>>
        %dma_start3A_548 = tpu.memref_slice %arg4[%add3A_544] : memref<104857600xf32, #tpu.memory_space<hbm>> -> memref<4096xf32, #tpu.memory_space<hbm>>
        %dma_start3A_549 = arith.constant 4096 : i32
        %dma_start3A_550 = tpu.memref_slice %arg8[%dma_start3A_549] : memref<16384xf32, #tpu.memory_space<vmem>> -> memref<4096xf32, #tpu.memory_space<vmem>>
        tpu.enqueue_dma source(%dma_start3A_550 : memref<4096xf32, #tpu.memory_space<vmem>>) target(%dma_start3A_548 : memref<4096xf32, #tpu.memory_space<hbm>>) target_semaphore(%arg12 : memref<!tpu.dma_semaphore, #tpu.memory_space<semaphore_mem>>)
        %add3A_551 = arith.constant 262144 : i32
        %add3A_552 = arith.addi %mul3A_432, %add3A_551 : i32
        %mul3A_553 = arith.constant 4096 : i32
        %mul3A_554 = arith.muli %add3A_509, %mul3A_553 : i32
        %add3A_555 = arith.addi %add3A_552, %mul3A_554 : i32
        %dma_start3A_556 = arith.constant 8192 : i32
        %dma_start3A_557 = tpu.memref_slice %arg8[%dma_start3A_556] : memref<16384xf32, #tpu.memory_space<vmem>> -> memref<4096xf32, #tpu.memory_space<vmem>>
        %dma_start3A_558 = tpu.memref_slice %arg4[%add3A_555] : memref<104857600xf32, #tpu.memory_space<hbm>> -> memref<4096xf32, #tpu.memory_space<hbm>>
        %dma_start3A_559 = tpu.memref_slice %arg4[%add3A_555] : memref<104857600xf32, #tpu.memory_space<hbm>> -> memref<4096xf32, #tpu.memory_space<hbm>>
        %dma_start3A_560 = arith.constant 8192 : i32
        %dma_start3A_561 = tpu.memref_slice %arg8[%dma_start3A_560] : memref<16384xf32, #tpu.memory_space<vmem>> -> memref<4096xf32, #tpu.memory_space<vmem>>
        tpu.enqueue_dma source(%dma_start3A_561 : memref<4096xf32, #tpu.memory_space<vmem>>) target(%dma_start3A_559 : memref<4096xf32, #tpu.memory_space<hbm>>) target_semaphore(%arg12 : memref<!tpu.dma_semaphore, #tpu.memory_space<semaphore_mem>>)
        %add3A_562 = arith.constant 393216 : i32
        %add3A_563 = arith.addi %mul3A_432, %add3A_562 : i32
        %mul3A_564 = arith.constant 4096 : i32
        %mul3A_565 = arith.muli %add3A_509, %mul3A_564 : i32
        %add3A_566 = arith.addi %add3A_563, %mul3A_565 : i32
        %dma_start3A_567 = arith.constant 12288 : i32
        %dma_start3A_568 = tpu.memref_slice %arg8[%dma_start3A_567] : memref<16384xf32, #tpu.memory_space<vmem>> -> memref<4096xf32, #tpu.memory_space<vmem>>
        %dma_start3A_569 = tpu.memref_slice %arg4[%add3A_566] : memref<104857600xf32, #tpu.memory_space<hbm>> -> memref<4096xf32, #tpu.memory_space<hbm>>
        %dma_start3A_570 = tpu.memref_slice %arg4[%add3A_566] : memref<104857600xf32, #tpu.memory_space<hbm>> -> memref<4096xf32, #tpu.memory_space<hbm>>
        %dma_start3A_571 = arith.constant 12288 : i32
        %dma_start3A_572 = tpu.memref_slice %arg8[%dma_start3A_571] : memref<16384xf32, #tpu.memory_space<vmem>> -> memref<4096xf32, #tpu.memory_space<vmem>>
        tpu.enqueue_dma source(%dma_start3A_572 : memref<4096xf32, #tpu.memory_space<vmem>>) target(%dma_start3A_570 : memref<4096xf32, #tpu.memory_space<hbm>>) target_semaphore(%arg12 : memref<!tpu.dma_semaphore, #tpu.memory_space<semaphore_mem>>)
        %mul3A_573 = arith.constant 2 : i32
        %mul3A_574 = arith.muli %scan3A_505, %mul3A_573 : i32
        %add3A_575 = arith.constant 1 : i32
        %add3A_576 = arith.addi %mul3A_574, %add3A_575 : i32
        %dma_wait3A_577 = arith.constant 0 : i32
        %dma_wait3A_578 = tpu.memref_slice %arg5[%dma_wait3A_577] : memref<16384xi32, #tpu.memory_space<vmem>> -> memref<512xi32, #tpu.memory_space<vmem>>
        %dma_wait3A_579 = arith.constant 0 : i32
        %dma_wait3A_580 = arith.constant 0 : i32
        %dma_wait3A_581 = tpu.memref_slice %arg3[%dma_wait3A_579, %dma_wait3A_580] : memref<1000001x32xf32, #tpu.memory_space<hbm>> -> memref<1000001x32xf32, #tpu.memory_space<hbm>>
        tpu.wait_indirect_dma semaphore(%arg11 : memref<!tpu.dma_semaphore, #tpu.memory_space<semaphore_mem>>) src(%dma_wait3A_581 : memref<1000001x32xf32, #tpu.memory_space<hbm>>) dst(%arg7 : memref<512x32xf32, #tpu.memory_space<vmem>>)
        %lt3A_582 = arith.constant 15 : i32
        %lt3A_583 = arith.cmpi slt, %scan3A_505, %lt3A_582 : i32
        %or3A_584 = arith.constant false
        %or3A_585 = arith.ori %lt3A_583, %or3A_584 : i1
        %convert_element_type3A_586 = arith.extui %or3A_585 : i1 to i32
        %cond3A_587 = arith.constant 0 : i32
        %cond3A_588 = arith.cmpi ne, %convert_element_type3A_586, %cond3A_587 : i32
        scf.if %cond3A_588 {
          %add3A_644 = arith.constant 1 : i32
          %add3A_645 = arith.addi %add3A_576, %add3A_644 : i32
          %mul3A_646 = arith.constant 512 : i32
          %mul3A_647 = arith.muli %add3A_645, %mul3A_646 : i32
          %dma_start3A_648 = tpu.memref_slice %arg5[%mul3A_647] : memref<16384xi32, #tpu.memory_space<vmem>> -> memref<512xi32, #tpu.memory_space<vmem>>
          %dma_start3A_649 = arith.constant 0 : i32
          %dma_start3A_650 = arith.constant 0 : i32
          %dma_start3A_651 = tpu.memref_slice %arg3[%dma_start3A_649, %dma_start3A_650] : memref<1000001x32xf32, #tpu.memory_space<hbm>> -> memref<1000001x32xf32, #tpu.memory_space<hbm>>
          tpu.enqueue_indirect_dma source(%dma_start3A_651 : memref<1000001x32xf32, #tpu.memory_space<hbm>>) target(%arg6 : memref<512x32xf32, #tpu.memory_space<vmem>>) offsets(%dma_start3A_648 : memref<512xi32, #tpu.memory_space<vmem>>) semaphore(%arg10 : memref<!tpu.dma_semaphore, #tpu.memory_space<semaphore_mem>>)
        } else {
        }
        %gt3A_589 = arith.constant 0 : i32
        %gt3A_590 = arith.cmpi sgt, %scan3A_505, %gt3A_589 : i32
        %convert_element_type3A_591 = arith.extui %gt3A_590 : i1 to i32
        %cond3A_592 = arith.constant 0 : i32
        %cond3A_593 = arith.cmpi ne, %convert_element_type3A_591, %cond3A_592 : i32
        scf.if %cond3A_593 {
          %dma_wait3A_644 = arith.constant 0 : i32
          %dma_wait3A_645 = tpu.memref_slice %arg9[%dma_wait3A_644] : memref<16384xf32, #tpu.memory_space<vmem>> -> memref<4096xf32, #tpu.memory_space<vmem>>
          %dma_wait3A_646 = arith.constant 0 : i32
          %dma_wait3A_647 = tpu.memref_slice %arg4[%dma_wait3A_646] : memref<104857600xf32, #tpu.memory_space<hbm>> -> memref<4096xf32, #tpu.memory_space<hbm>>
          %dma_wait3A_648 = arith.constant 0 : i32
          %dma_wait3A_649 = tpu.memref_slice %arg4[%dma_wait3A_648] : memref<104857600xf32, #tpu.memory_space<hbm>> -> memref<4096xf32, #tpu.memory_space<hbm>>
          %dma_wait3A_650 = arith.constant 0 : i32
          %dma_wait3A_651 = tpu.memref_slice %arg9[%dma_wait3A_650] : memref<16384xf32, #tpu.memory_space<vmem>> -> memref<4096xf32, #tpu.memory_space<vmem>>
          tpu.wait_dma2 semaphore(%arg13 : memref<!tpu.dma_semaphore, #tpu.memory_space<semaphore_mem>>) src(%dma_wait3A_651 : memref<4096xf32, #tpu.memory_space<vmem>>) dst(%dma_wait3A_649 : memref<4096xf32, #tpu.memory_space<hbm>>)
          %dma_wait3A_652 = arith.constant 4096 : i32
          %dma_wait3A_653 = tpu.memref_slice %arg9[%dma_wait3A_652] : memref<16384xf32, #tpu.memory_space<vmem>> -> memref<4096xf32, #tpu.memory_space<vmem>>
          %dma_wait3A_654 = arith.constant 4096 : i32
          %dma_wait3A_655 = tpu.memref_slice %arg4[%dma_wait3A_654] : memref<104857600xf32, #tpu.memory_space<hbm>> -> memref<4096xf32, #tpu.memory_space<hbm>>
          %dma_wait3A_656 = arith.constant 4096 : i32
          %dma_wait3A_657 = tpu.memref_slice %arg4[%dma_wait3A_656] : memref<104857600xf32, #tpu.memory_space<hbm>> -> memref<4096xf32, #tpu.memory_space<hbm>>
          %dma_wait3A_658 = arith.constant 4096 : i32
          %dma_wait3A_659 = tpu.memref_slice %arg9[%dma_wait3A_658] : memref<16384xf32, #tpu.memory_space<vmem>> -> memref<4096xf32, #tpu.memory_space<vmem>>
          tpu.wait_dma2 semaphore(%arg13 : memref<!tpu.dma_semaphore, #tpu.memory_space<semaphore_mem>>) src(%dma_wait3A_659 : memref<4096xf32, #tpu.memory_space<vmem>>) dst(%dma_wait3A_657 : memref<4096xf32, #tpu.memory_space<hbm>>)
          %dma_wait3A_660 = arith.constant 8192 : i32
          %dma_wait3A_661 = tpu.memref_slice %arg9[%dma_wait3A_660] : memref<16384xf32, #tpu.memory_space<vmem>> -> memref<4096xf32, #tpu.memory_space<vmem>>
          %dma_wait3A_662 = arith.constant 8192 : i32
          %dma_wait3A_663 = tpu.memref_slice %arg4[%dma_wait3A_662] : memref<104857600xf32, #tpu.memory_space<hbm>> -> memref<4096xf32, #tpu.memory_space<hbm>>
          %dma_wait3A_664 = arith.constant 8192 : i32
          %dma_wait3A_665 = tpu.memref_slice %arg4[%dma_wait3A_664] : memref<104857600xf32, #tpu.memory_space<hbm>> -> memref<4096xf32, #tpu.memory_space<hbm>>
          %dma_wait3A_666 = arith.constant 8192 : i32
          %dma_wait3A_667 = tpu.memref_slice %arg9[%dma_wait3A_666] : memref<16384xf32, #tpu.memory_space<vmem>> -> memref<4096xf32, #tpu.memory_space<vmem>>
          tpu.wait_dma2 semaphore(%arg13 : memref<!tpu.dma_semaphore, #tpu.memory_space<semaphore_mem>>) src(%dma_wait3A_667 : memref<4096xf32, #tpu.memory_space<vmem>>) dst(%dma_wait3A_665 : memref<4096xf32, #tpu.memory_space<hbm>>)
          %dma_wait3A_668 = arith.constant 12288 : i32
          %dma_wait3A_669 = tpu.memref_slice %arg9[%dma_wait3A_668] : memref<16384xf32, #tpu.memory_space<vmem>> -> memref<4096xf32, #tpu.memory_space<vmem>>
          %dma_wait3A_670 = arith.constant 12288 : i32
          %dma_wait3A_671 = tpu.memref_slice %arg4[%dma_wait3A_670] : memref<104857600xf32, #tpu.memory_space<hbm>> -> memref<4096xf32, #tpu.memory_space<hbm>>
          %dma_wait3A_672 = arith.constant 12288 : i32
          %dma_wait3A_673 = tpu.memref_slice %arg4[%dma_wait3A_672] : memref<104857600xf32, #tpu.memory_space<hbm>> -> memref<4096xf32, #tpu.memory_space<hbm>>
          %dma_wait3A_674 = arith.constant 12288 : i32
          %dma_wait3A_675 = tpu.memref_slice %arg9[%dma_wait3A_674] : memref<16384xf32, #tpu.memory_space<vmem>> -> memref<4096xf32, #tpu.memory_space<vmem>>
          tpu.wait_dma2 semaphore(%arg13 : memref<!tpu.dma_semaphore, #tpu.memory_space<semaphore_mem>>) src(%dma_wait3A_675 : memref<4096xf32, #tpu.memory_space<vmem>>) dst(%dma_wait3A_673 : memref<4096xf32, #tpu.memory_space<hbm>>)
        } else {
        }
        %scan3A_594 = arith.constant 0 : i32
        %scan3A_595 = arith.constant 0 : i32
        %scan3A_596 = arith.constant 32 : i32
        %scan3A_597 = arith.addi %scan3A_595, %scan3A_596 : i32
        %scan3A_598 = arith.constant 1 : i32
        scf.for %scan3A_644 = %scan3A_595 to %scan3A_597 step %scan3A_598  : i32 {
          %mul3A_645 = arith.constant 16 : i32
          %mul3A_646 = arith.muli %scan3A_644, %mul3A_645 : i32
          %add3A_647 = vector.broadcast %mul3A_646 : i32 to vector<16xi32>
          %add3A_648 = arith.addi %add3A_647, %iota3A : vector<16xi32>
          %jit3A_649 = arith.constant 8 : i32
          %div3A = arith.divsi %scan3A_644, %jit3A_649 : i32
          %sign3A = arith.constant 0 : i32
          %sign3A_650 = arith.cmpi sgt, %scan3A_644, %sign3A : i32
          %sign3A_651 = arith.extui %sign3A_650 : i1 to i32
          %sign3A_652 = arith.constant 0 : i32
          %sign3A_653 = arith.cmpi slt, %scan3A_644, %sign3A_652 : i32
          %sign3A_654 = arith.extui %sign3A_653 : i1 to i32
          %sign3A_655 = arith.subi %sign3A_651, %sign3A_654 : i32
          %sign3A_656 = arith.constant 0 : i32
          %sign3A_657 = arith.cmpi sgt, %jit3A_649, %sign3A_656 : i32
          %sign3A_658 = arith.extui %sign3A_657 : i1 to i32
          %sign3A_659 = arith.constant 0 : i32
          %sign3A_660 = arith.cmpi slt, %jit3A_649, %sign3A_659 : i32
          %sign3A_661 = arith.extui %sign3A_660 : i1 to i32
          %sign3A_662 = arith.subi %sign3A_658, %sign3A_661 : i32
          %ne3A = arith.cmpi ne, %sign3A_655, %sign3A_662 : i32
          %rem3A = arith.remsi %scan3A_644, %jit3A_649 : i32
          %ne3A_663 = arith.constant 0 : i32
          %ne3A_664 = arith.cmpi ne, %rem3A, %ne3A_663 : i32
          %and3A_665 = arith.andi %ne3A, %ne3A_664 : i1
          %sub3A = arith.constant 1 : i32
          %sub3A_666 = arith.subi %div3A, %sub3A : i32
          %select_n3A_667 = arith.select %and3A_665, %sub3A_666, %div3A : i32
          %mul3A_668 = arith.constant 1024 : i32
          %mul3A_669 = arith.muli %select_n3A_667, %mul3A_668 : i32
          %jit3A_670 = arith.constant 8 : i32
          %eq3A = arith.constant 0 : i32
          %eq3A_671 = arith.cmpi eq, %jit3A_670, %eq3A : i32
          %jit3A_672 = arith.constant 1 : i32
          %select_n3A_673 = arith.select %eq3A_671, %jit3A_672, %jit3A_670 : i32
          %rem3A_674 = arith.remsi %scan3A_644, %select_n3A_673 : i32
          %ne3A_675 = arith.constant 0 : i32
          %ne3A_676 = arith.cmpi ne, %rem3A_674, %ne3A_675 : i32
          %lt3A_677 = arith.constant 0 : i32
          %lt3A_678 = arith.cmpi slt, %rem3A_674, %lt3A_677 : i32
          %lt3A_679 = arith.constant 0 : i32
          %lt3A_680 = arith.cmpi slt, %select_n3A_673, %lt3A_679 : i32
          %ne3A_681 = arith.xori %lt3A_678, %lt3A_680 : i1
          %and3A_682 = arith.andi %ne3A_681, %ne3A_676 : i1
          %add3A_683 = arith.addi %rem3A_674, %select_n3A_673 : i32
          %select_n3A_684 = arith.select %and3A_682, %add3A_683, %rem3A_674 : i32
          %mul3A_685 = arith.constant 16 : i32
          %mul3A_686 = arith.muli %select_n3A_684, %mul3A_685 : i32
          %add3A_687 = arith.addi %mul3A_669, %mul3A_686 : i32
          %add3A_688 = arith.constant 0 : i32
          %add3A_689 = arith.addi %add3A_687, %add3A_688 : i32
          %broadcast_in_dim3A = vector.broadcast %add3A_689 : i32 to vector<16xi32>
          %gather3A = tpu.vector_load_idx %arg7[%add3A_648, %add3A_100] : memref<512x32xf32, #tpu.memory_space<vmem>>[vector<16xi32>, vector<16xi32>], vector<16xf32>,
          %gather3A_690 = tpu.vector_load_idx %arg7[%add3A_648, %add3A_103] : memref<512x32xf32, #tpu.memory_space<vmem>>[vector<16xi32>, vector<16xi32>], vector<16xf32>,
          %gather3A_691 = tpu.vector_load_idx %arg7[%add3A_648, %add3A_106] : memref<512x32xf32, #tpu.memory_space<vmem>>[vector<16xi32>, vector<16xi32>], vector<16xf32>,
          %gather3A_692 = tpu.vector_load_idx %arg7[%add3A_648, %add3A_109] : memref<512x32xf32, #tpu.memory_space<vmem>>[vector<16xi32>, vector<16xi32>], vector<16xf32>,
          %gather3A_693 = tpu.vector_load_idx %arg7[%add3A_648, %add3A_112] : memref<512x32xf32, #tpu.memory_space<vmem>>[vector<16xi32>, vector<16xi32>], vector<16xf32>,
          %gather3A_694 = tpu.vector_load_idx %arg7[%add3A_648, %add3A_115] : memref<512x32xf32, #tpu.memory_space<vmem>>[vector<16xi32>, vector<16xi32>], vector<16xf32>,
          %gather3A_695 = tpu.vector_load_idx %arg7[%add3A_648, %add3A_118] : memref<512x32xf32, #tpu.memory_space<vmem>>[vector<16xi32>, vector<16xi32>], vector<16xf32>,
          %gather3A_696 = tpu.vector_load_idx %arg7[%add3A_648, %add3A_121] : memref<512x32xf32, #tpu.memory_space<vmem>>[vector<16xi32>, vector<16xi32>], vector<16xf32>,
          %gather3A_697 = tpu.vector_load_idx %arg7[%add3A_648, %add3A_124] : memref<512x32xf32, #tpu.memory_space<vmem>>[vector<16xi32>, vector<16xi32>], vector<16xf32>,
          %gather3A_698 = tpu.vector_load_idx %arg7[%add3A_648, %add3A_127] : memref<512x32xf32, #tpu.memory_space<vmem>>[vector<16xi32>, vector<16xi32>], vector<16xf32>,
          %gather3A_699 = tpu.vector_load_idx %arg7[%add3A_648, %add3A_130] : memref<512x32xf32, #tpu.memory_space<vmem>>[vector<16xi32>, vector<16xi32>], vector<16xf32>,
          %gather3A_700 = tpu.vector_load_idx %arg7[%add3A_648, %add3A_133] : memref<512x32xf32, #tpu.memory_space<vmem>>[vector<16xi32>, vector<16xi32>], vector<16xf32>,
          %gather3A_701 = tpu.vector_load_idx %arg7[%add3A_648, %add3A_136] : memref<512x32xf32, #tpu.memory_space<vmem>>[vector<16xi32>, vector<16xi32>], vector<16xf32>,
          %gather3A_702 = tpu.vector_load_idx %arg7[%add3A_648, %add3A_139] : memref<512x32xf32, #tpu.memory_space<vmem>>[vector<16xi32>, vector<16xi32>], vector<16xf32>,
          %gather3A_703 = tpu.vector_load_idx %arg7[%add3A_648, %add3A_142] : memref<512x32xf32, #tpu.memory_space<vmem>>[vector<16xi32>, vector<16xi32>], vector<16xf32>,
          %gather3A_704 = tpu.vector_load_idx %arg7[%add3A_648, %add3A_145] : memref<512x32xf32, #tpu.memory_space<vmem>>[vector<16xi32>, vector<16xi32>], vector<16xf32>,
          %add3A_705 = arith.addi %broadcast_in_dim3A, %add3A_205 : vector<16xi32>
          tpu.vector_store_idx %arg9[%add3A_705], %gather3A : memref<16384xf32, #tpu.memory_space<vmem>>[vector<16xi32>], vector<16xf32>,
          %add3A_706 = arith.addi %broadcast_in_dim3A, %add3A_219 : vector<16xi32>
          tpu.vector_store_idx %arg9[%add3A_706], %gather3A_690 : memref<16384xf32, #tpu.memory_space<vmem>>[vector<16xi32>], vector<16xf32>,
          %add3A_707 = arith.addi %broadcast_in_dim3A, %add3A_233 : vector<16xi32>
          tpu.vector_store_idx %arg9[%add3A_707], %gather3A_691 : memref<16384xf32, #tpu.memory_space<vmem>>[vector<16xi32>], vector<16xf32>,
          %add3A_708 = arith.addi %broadcast_in_dim3A, %add3A_247 : vector<16xi32>
          tpu.vector_store_idx %arg9[%add3A_708], %gather3A_692 : memref<16384xf32, #tpu.memory_space<vmem>>[vector<16xi32>], vector<16xf32>,
          %add3A_709 = arith.addi %broadcast_in_dim3A, %add3A_261 : vector<16xi32>
          tpu.vector_store_idx %arg9[%add3A_709], %gather3A_693 : memref<16384xf32, #tpu.memory_space<vmem>>[vector<16xi32>], vector<16xf32>,
          %add3A_710 = arith.addi %broadcast_in_dim3A, %add3A_275 : vector<16xi32>
          tpu.vector_store_idx %arg9[%add3A_710], %gather3A_694 : memref<16384xf32, #tpu.memory_space<vmem>>[vector<16xi32>], vector<16xf32>,
          %add3A_711 = arith.addi %broadcast_in_dim3A, %add3A_289 : vector<16xi32>
          tpu.vector_store_idx %arg9[%add3A_711], %gather3A_695 : memref<16384xf32, #tpu.memory_space<vmem>>[vector<16xi32>], vector<16xf32>,
          %add3A_712 = arith.addi %broadcast_in_dim3A, %add3A_303 : vector<16xi32>
          tpu.vector_store_idx %arg9[%add3A_712], %gather3A_696 : memref<16384xf32, #tpu.memory_space<vmem>>[vector<16xi32>], vector<16xf32>,
          %add3A_713 = arith.addi %broadcast_in_dim3A, %add3A_317 : vector<16xi32>
          tpu.vector_store_idx %arg9[%add3A_713], %gather3A_697 : memref<16384xf32, #tpu.memory_space<vmem>>[vector<16xi32>], vector<16xf32>,
          %add3A_714 = arith.addi %broadcast_in_dim3A, %add3A_331 : vector<16xi32>
          tpu.vector_store_idx %arg9[%add3A_714], %gather3A_698 : memref<16384xf32, #tpu.memory_space<vmem>>[vector<16xi32>], vector<16xf32>,
          %add3A_715 = arith.addi %broadcast_in_dim3A, %add3A_345 : vector<16xi32>
          tpu.vector_store_idx %arg9[%add3A_715], %gather3A_699 : memref<16384xf32, #tpu.memory_space<vmem>>[vector<16xi32>], vector<16xf32>,
          %add3A_716 = arith.addi %broadcast_in_dim3A, %add3A_359 : vector<16xi32>
          tpu.vector_store_idx %arg9[%add3A_716], %gather3A_700 : memref<16384xf32, #tpu.memory_space<vmem>>[vector<16xi32>], vector<16xf32>,
          %add3A_717 = arith.addi %broadcast_in_dim3A, %add3A_373 : vector<16xi32>
          tpu.vector_store_idx %arg9[%add3A_717], %gather3A_701 : memref<16384xf32, #tpu.memory_space<vmem>>[vector<16xi32>], vector<16xf32>,
          %add3A_718 = arith.addi %broadcast_in_dim3A, %add3A_387 : vector<16xi32>
          tpu.vector_store_idx %arg9[%add3A_718], %gather3A_702 : memref<16384xf32, #tpu.memory_space<vmem>>[vector<16xi32>], vector<16xf32>,
          %add3A_719 = arith.addi %broadcast_in_dim3A, %add3A_401 : vector<16xi32>
          tpu.vector_store_idx %arg9[%add3A_719], %gather3A_703 : memref<16384xf32, #tpu.memory_space<vmem>>[vector<16xi32>], vector<16xf32>,
          %add3A_720 = arith.addi %broadcast_in_dim3A, %add3A_415 : vector<16xi32>
          tpu.vector_store_idx %arg9[%add3A_720], %gather3A_704 : memref<16384xf32, #tpu.memory_space<vmem>>[vector<16xi32>], vector<16xf32>,
          %add3A_721 = arith.constant 8192 : i32
          %add3A_722 = arith.addi %add3A_687, %add3A_721 : i32
          %broadcast_in_dim3A_723 = vector.broadcast %add3A_722 : i32 to vector<16xi32>
          %gather3A_724 = tpu.vector_load_idx %arg7[%add3A_648, %add3A_148] : memref<512x32xf32, #tpu.memory_space<vmem>>[vector<16xi32>, vector<16xi32>], vector<16xf32>,
          %gather3A_725 = tpu.vector_load_idx %arg7[%add3A_648, %add3A_151] : memref<512x32xf32, #tpu.memory_space<vmem>>[vector<16xi32>, vector<16xi32>], vector<16xf32>,
          %gather3A_726 = tpu.vector_load_idx %arg7[%add3A_648, %add3A_154] : memref<512x32xf32, #tpu.memory_space<vmem>>[vector<16xi32>, vector<16xi32>], vector<16xf32>,
          %gather3A_727 = tpu.vector_load_idx %arg7[%add3A_648, %add3A_157] : memref<512x32xf32, #tpu.memory_space<vmem>>[vector<16xi32>, vector<16xi32>], vector<16xf32>,
          %gather3A_728 = tpu.vector_load_idx %arg7[%add3A_648, %add3A_160] : memref<512x32xf32, #tpu.memory_space<vmem>>[vector<16xi32>, vector<16xi32>], vector<16xf32>,
          %gather3A_729 = tpu.vector_load_idx %arg7[%add3A_648, %add3A_163] : memref<512x32xf32, #tpu.memory_space<vmem>>[vector<16xi32>, vector<16xi32>], vector<16xf32>,
          %gather3A_730 = tpu.vector_load_idx %arg7[%add3A_648, %add3A_166] : memref<512x32xf32, #tpu.memory_space<vmem>>[vector<16xi32>, vector<16xi32>], vector<16xf32>,
          %gather3A_731 = tpu.vector_load_idx %arg7[%add3A_648, %add3A_169] : memref<512x32xf32, #tpu.memory_space<vmem>>[vector<16xi32>, vector<16xi32>], vector<16xf32>,
          %gather3A_732 = tpu.vector_load_idx %arg7[%add3A_648, %add3A_172] : memref<512x32xf32, #tpu.memory_space<vmem>>[vector<16xi32>, vector<16xi32>], vector<16xf32>,
          %gather3A_733 = tpu.vector_load_idx %arg7[%add3A_648, %add3A_175] : memref<512x32xf32, #tpu.memory_space<vmem>>[vector<16xi32>, vector<16xi32>], vector<16xf32>,
          %gather3A_734 = tpu.vector_load_idx %arg7[%add3A_648, %add3A_178] : memref<512x32xf32, #tpu.memory_space<vmem>>[vector<16xi32>, vector<16xi32>], vector<16xf32>,
          %gather3A_735 = tpu.vector_load_idx %arg7[%add3A_648, %add3A_181] : memref<512x32xf32, #tpu.memory_space<vmem>>[vector<16xi32>, vector<16xi32>], vector<16xf32>,
          %gather3A_736 = tpu.vector_load_idx %arg7[%add3A_648, %add3A_184] : memref<512x32xf32, #tpu.memory_space<vmem>>[vector<16xi32>, vector<16xi32>], vector<16xf32>,
          %gather3A_737 = tpu.vector_load_idx %arg7[%add3A_648, %add3A_187] : memref<512x32xf32, #tpu.memory_space<vmem>>[vector<16xi32>, vector<16xi32>], vector<16xf32>,
          %gather3A_738 = tpu.vector_load_idx %arg7[%add3A_648, %add3A_190] : memref<512x32xf32, #tpu.memory_space<vmem>>[vector<16xi32>, vector<16xi32>], vector<16xf32>,
          %gather3A_739 = tpu.vector_load_idx %arg7[%add3A_648, %add3A_193] : memref<512x32xf32, #tpu.memory_space<vmem>>[vector<16xi32>, vector<16xi32>], vector<16xf32>,
          %add3A_740 = arith.addi %broadcast_in_dim3A_723, %add3A_205 : vector<16xi32>
          tpu.vector_store_idx %arg9[%add3A_740], %gather3A_724 : memref<16384xf32, #tpu.memory_space<vmem>>[vector<16xi32>], vector<16xf32>,
          %add3A_741 = arith.addi %broadcast_in_dim3A_723, %add3A_219 : vector<16xi32>
          tpu.vector_store_idx %arg9[%add3A_741], %gather3A_725 : memref<16384xf32, #tpu.memory_space<vmem>>[vector<16xi32>], vector<16xf32>,
          %add3A_742 = arith.addi %broadcast_in_dim3A_723, %add3A_233 : vector<16xi32>
          tpu.vector_store_idx %arg9[%add3A_742], %gather3A_726 : memref<16384xf32, #tpu.memory_space<vmem>>[vector<16xi32>], vector<16xf32>,
          %add3A_743 = arith.addi %broadcast_in_dim3A_723, %add3A_247 : vector<16xi32>
          tpu.vector_store_idx %arg9[%add3A_743], %gather3A_727 : memref<16384xf32, #tpu.memory_space<vmem>>[vector<16xi32>], vector<16xf32>,
          %add3A_744 = arith.addi %broadcast_in_dim3A_723, %add3A_261 : vector<16xi32>
          tpu.vector_store_idx %arg9[%add3A_744], %gather3A_728 : memref<16384xf32, #tpu.memory_space<vmem>>[vector<16xi32>], vector<16xf32>,
          %add3A_745 = arith.addi %broadcast_in_dim3A_723, %add3A_275 : vector<16xi32>
          tpu.vector_store_idx %arg9[%add3A_745], %gather3A_729 : memref<16384xf32, #tpu.memory_space<vmem>>[vector<16xi32>], vector<16xf32>,
          %add3A_746 = arith.addi %broadcast_in_dim3A_723, %add3A_289 : vector<16xi32>
          tpu.vector_store_idx %arg9[%add3A_746], %gather3A_730 : memref<16384xf32, #tpu.memory_space<vmem>>[vector<16xi32>], vector<16xf32>,
          %add3A_747 = arith.addi %broadcast_in_dim3A_723, %add3A_303 : vector<16xi32>
          tpu.vector_store_idx %arg9[%add3A_747], %gather3A_731 : memref<16384xf32, #tpu.memory_space<vmem>>[vector<16xi32>], vector<16xf32>,
          %add3A_748 = arith.addi %broadcast_in_dim3A_723, %add3A_317 : vector<16xi32>
          tpu.vector_store_idx %arg9[%add3A_748], %gather3A_732 : memref<16384xf32, #tpu.memory_space<vmem>>[vector<16xi32>], vector<16xf32>,
          %add3A_749 = arith.addi %broadcast_in_dim3A_723, %add3A_331 : vector<16xi32>
          tpu.vector_store_idx %arg9[%add3A_749], %gather3A_733 : memref<16384xf32, #tpu.memory_space<vmem>>[vector<16xi32>], vector<16xf32>,
          %add3A_750 = arith.addi %broadcast_in_dim3A_723, %add3A_345 : vector<16xi32>
          tpu.vector_store_idx %arg9[%add3A_750], %gather3A_734 : memref<16384xf32, #tpu.memory_space<vmem>>[vector<16xi32>], vector<16xf32>,
          %add3A_751 = arith.addi %broadcast_in_dim3A_723, %add3A_359 : vector<16xi32>
          tpu.vector_store_idx %arg9[%add3A_751], %gather3A_735 : memref<16384xf32, #tpu.memory_space<vmem>>[vector<16xi32>], vector<16xf32>,
          %add3A_752 = arith.addi %broadcast_in_dim3A_723, %add3A_373 : vector<16xi32>
          tpu.vector_store_idx %arg9[%add3A_752], %gather3A_736 : memref<16384xf32, #tpu.memory_space<vmem>>[vector<16xi32>], vector<16xf32>,
          %add3A_753 = arith.addi %broadcast_in_dim3A_723, %add3A_387 : vector<16xi32>
          tpu.vector_store_idx %arg9[%add3A_753], %gather3A_737 : memref<16384xf32, #tpu.memory_space<vmem>>[vector<16xi32>], vector<16xf32>,
          %add3A_754 = arith.addi %broadcast_in_dim3A_723, %add3A_401 : vector<16xi32>
          tpu.vector_store_idx %arg9[%add3A_754], %gather3A_738 : memref<16384xf32, #tpu.memory_space<vmem>>[vector<16xi32>], vector<16xf32>,
          %add3A_755 = arith.addi %broadcast_in_dim3A_723, %add3A_415 : vector<16xi32>
          tpu.vector_store_idx %arg9[%add3A_755], %gather3A_739 : memref<16384xf32, #tpu.memory_space<vmem>>[vector<16xi32>], vector<16xf32>,
        }
        %scan3A_599 = arith.constant 32 : i32
        %add3A_600 = arith.constant 0 : i32
        %add3A_601 = arith.addi %mul3A_432, %add3A_600 : i32
        %mul3A_602 = arith.constant 4096 : i32
        %mul3A_603 = arith.muli %add3A_576, %mul3A_602 : i32
        %add3A_604 = arith.addi %add3A_601, %mul3A_603 : i32
        %dma_start3A_605 = arith.constant 0 : i32
        %dma_start3A_606 = tpu.memref_slice %arg9[%dma_start3A_605] : memref<16384xf32, #tpu.memory_space<vmem>> -> memref<4096xf32, #tpu.memory_space<vmem>>
        %dma_start3A_607 = tpu.memref_slice %arg4[%add3A_604] : memref<104857600xf32, #tpu.memory_space<hbm>> -> memref<4096xf32, #tpu.memory_space<hbm>>
        %dma_start3A_608 = tpu.memref_slice %arg4[%add3A_604] : memref<104857600xf32, #tpu.memory_space<hbm>> -> memref<4096xf32, #tpu.memory_space<hbm>>
        %dma_start3A_609 = arith.constant 0 : i32
        %dma_start3A_610 = tpu.memref_slice %arg9[%dma_start3A_609] : memref<16384xf32, #tpu.memory_space<vmem>> -> memref<4096xf32, #tpu.memory_space<vmem>>
        tpu.enqueue_dma source(%dma_start3A_610 : memref<4096xf32, #tpu.memory_space<vmem>>) target(%dma_start3A_608 : memref<4096xf32, #tpu.memory_space<hbm>>) target_semaphore(%arg13 : memref<!tpu.dma_semaphore, #tpu.memory_space<semaphore_mem>>)
        %add3A_611 = arith.constant 131072 : i32
        %add3A_612 = arith.addi %mul3A_432, %add3A_611 : i32
        %mul3A_613 = arith.constant 4096 : i32
        %mul3A_614 = arith.muli %add3A_576, %mul3A_613 : i32
        %add3A_615 = arith.addi %add3A_612, %mul3A_614 : i32
        %dma_start3A_616 = arith.constant 4096 : i32
        %dma_start3A_617 = tpu.memref_slice %arg9[%dma_start3A_616] : memref<16384xf32, #tpu.memory_space<vmem>> -> memref<4096xf32, #tpu.memory_space<vmem>>
        %dma_start3A_618 = tpu.memref_slice %arg4[%add3A_615] : memref<104857600xf32, #tpu.memory_space<hbm>> -> memref<4096xf32, #tpu.memory_space<hbm>>
        %dma_start3A_619 = tpu.memref_slice %arg4[%add3A_615] : memref<104857600xf32, #tpu.memory_space<hbm>> -> memref<4096xf32, #tpu.memory_space<hbm>>
        %dma_start3A_620 = arith.constant 4096 : i32
        %dma_start3A_621 = tpu.memref_slice %arg9[%dma_start3A_620] : memref<16384xf32, #tpu.memory_space<vmem>> -> memref<4096xf32, #tpu.memory_space<vmem>>
        tpu.enqueue_dma source(%dma_start3A_621 : memref<4096xf32, #tpu.memory_space<vmem>>) target(%dma_start3A_619 : memref<4096xf32, #tpu.memory_space<hbm>>) target_semaphore(%arg13 : memref<!tpu.dma_semaphore, #tpu.memory_space<semaphore_mem>>)
        %add3A_622 = arith.constant 262144 : i32
        %add3A_623 = arith.addi %mul3A_432, %add3A_622 : i32
        %mul3A_624 = arith.constant 4096 : i32
        %mul3A_625 = arith.muli %add3A_576, %mul3A_624 : i32
        %add3A_626 = arith.addi %add3A_623, %mul3A_625 : i32
        %dma_start3A_627 = arith.constant 8192 : i32
        %dma_start3A_628 = tpu.memref_slice %arg9[%dma_start3A_627] : memref<16384xf32, #tpu.memory_space<vmem>> -> memref<4096xf32, #tpu.memory_space<vmem>>
        %dma_start3A_629 = tpu.memref_slice %arg4[%add3A_626] : memref<104857600xf32, #tpu.memory_space<hbm>> -> memref<4096xf32, #tpu.memory_space<hbm>>
        %dma_start3A_630 = tpu.memref_slice %arg4[%add3A_626] : memref<104857600xf32, #tpu.memory_space<hbm>> -> memref<4096xf32, #tpu.memory_space<hbm>>
        %dma_start3A_631 = arith.constant 8192 : i32
        %dma_start3A_632 = tpu.memref_slice %arg9[%dma_start3A_631] : memref<16384xf32, #tpu.memory_space<vmem>> -> memref<4096xf32, #tpu.memory_space<vmem>>
        tpu.enqueue_dma source(%dma_start3A_632 : memref<4096xf32, #tpu.memory_space<vmem>>) target(%dma_start3A_630 : memref<4096xf32, #tpu.memory_space<hbm>>) target_semaphore(%arg13 : memref<!tpu.dma_semaphore, #tpu.memory_space<semaphore_mem>>)
        %add3A_633 = arith.constant 393216 : i32
        %add3A_634 = arith.addi %mul3A_432, %add3A_633 : i32
        %mul3A_635 = arith.constant 4096 : i32
        %mul3A_636 = arith.muli %add3A_576, %mul3A_635 : i32
        %add3A_637 = arith.addi %add3A_634, %mul3A_636 : i32
        %dma_start3A_638 = arith.constant 12288 : i32
        %dma_start3A_639 = tpu.memref_slice %arg9[%dma_start3A_638] : memref<16384xf32, #tpu.memory_space<vmem>> -> memref<4096xf32, #tpu.memory_space<vmem>>
        %dma_start3A_640 = tpu.memref_slice %arg4[%add3A_637] : memref<104857600xf32, #tpu.memory_space<hbm>> -> memref<4096xf32, #tpu.memory_space<hbm>>
        %dma_start3A_641 = tpu.memref_slice %arg4[%add3A_637] : memref<104857600xf32, #tpu.memory_space<hbm>> -> memref<4096xf32, #tpu.memory_space<hbm>>
        %dma_start3A_642 = arith.constant 12288 : i32
        %dma_start3A_643 = tpu.memref_slice %arg9[%dma_start3A_642] : memref<16384xf32, #tpu.memory_space<vmem>> -> memref<4096xf32, #tpu.memory_space<vmem>>
        tpu.enqueue_dma source(%dma_start3A_643 : memref<4096xf32, #tpu.memory_space<vmem>>) target(%dma_start3A_641 : memref<4096xf32, #tpu.memory_space<hbm>>) target_semaphore(%arg13 : memref<!tpu.dma_semaphore, #tpu.memory_space<semaphore_mem>>)
      }
      %scan3A_441 = arith.constant 16 : i32
      %dma_wait3A = arith.constant 0 : i32
      %dma_wait3A_442 = tpu.memref_slice %arg8[%dma_wait3A] : memref<16384xf32, #tpu.memory_space<vmem>> -> memref<4096xf32, #tpu.memory_space<vmem>>
      %dma_wait3A_443 = arith.constant 0 : i32
      %dma_wait3A_444 = tpu.memref_slice %arg4[%dma_wait3A_443] : memref<104857600xf32, #tpu.memory_space<hbm>> -> memref<4096xf32, #tpu.memory_space<hbm>>
      %dma_wait3A_445 = arith.constant 0 : i32
      %dma_wait3A_446 = tpu.memref_slice %arg4[%dma_wait3A_445] : memref<104857600xf32, #tpu.memory_space<hbm>> -> memref<4096xf32, #tpu.memory_space<hbm>>
      %dma_wait3A_447 = arith.constant 0 : i32
      %dma_wait3A_448 = tpu.memref_slice %arg8[%dma_wait3A_447] : memref<16384xf32, #tpu.memory_space<vmem>> -> memref<4096xf32, #tpu.memory_space<vmem>>
      tpu.wait_dma2 semaphore(%arg12 : memref<!tpu.dma_semaphore, #tpu.memory_space<semaphore_mem>>) src(%dma_wait3A_448 : memref<4096xf32, #tpu.memory_space<vmem>>) dst(%dma_wait3A_446 : memref<4096xf32, #tpu.memory_space<hbm>>)
      %dma_wait3A_449 = arith.constant 4096 : i32
      %dma_wait3A_450 = tpu.memref_slice %arg8[%dma_wait3A_449] : memref<16384xf32, #tpu.memory_space<vmem>> -> memref<4096xf32, #tpu.memory_space<vmem>>
      %dma_wait3A_451 = arith.constant 4096 : i32
      %dma_wait3A_452 = tpu.memref_slice %arg4[%dma_wait3A_451] : memref<104857600xf32, #tpu.memory_space<hbm>> -> memref<4096xf32, #tpu.memory_space<hbm>>
      %dma_wait3A_453 = arith.constant 4096 : i32
      %dma_wait3A_454 = tpu.memref_slice %arg4[%dma_wait3A_453] : memref<104857600xf32, #tpu.memory_space<hbm>> -> memref<4096xf32, #tpu.memory_space<hbm>>
      %dma_wait3A_455 = arith.constant 4096 : i32
      %dma_wait3A_456 = tpu.memref_slice %arg8[%dma_wait3A_455] : memref<16384xf32, #tpu.memory_space<vmem>> -> memref<4096xf32, #tpu.memory_space<vmem>>
      tpu.wait_dma2 semaphore(%arg12 : memref<!tpu.dma_semaphore, #tpu.memory_space<semaphore_mem>>) src(%dma_wait3A_456 : memref<4096xf32, #tpu.memory_space<vmem>>) dst(%dma_wait3A_454 : memref<4096xf32, #tpu.memory_space<hbm>>)
      %dma_wait3A_457 = arith.constant 8192 : i32
      %dma_wait3A_458 = tpu.memref_slice %arg8[%dma_wait3A_457] : memref<16384xf32, #tpu.memory_space<vmem>> -> memref<4096xf32, #tpu.memory_space<vmem>>
      %dma_wait3A_459 = arith.constant 8192 : i32
      %dma_wait3A_460 = tpu.memref_slice %arg4[%dma_wait3A_459] : memref<104857600xf32, #tpu.memory_space<hbm>> -> memref<4096xf32, #tpu.memory_space<hbm>>
      %dma_wait3A_461 = arith.constant 8192 : i32
      %dma_wait3A_462 = tpu.memref_slice %arg4[%dma_wait3A_461] : memref<104857600xf32, #tpu.memory_space<hbm>> -> memref<4096xf32, #tpu.memory_space<hbm>>
      %dma_wait3A_463 = arith.constant 8192 : i32
      %dma_wait3A_464 = tpu.memref_slice %arg8[%dma_wait3A_463] : memref<16384xf32, #tpu.memory_space<vmem>> -> memref<4096xf32, #tpu.memory_space<vmem>>
      tpu.wait_dma2 semaphore(%arg12 : memref<!tpu.dma_semaphore, #tpu.memory_space<semaphore_mem>>) src(%dma_wait3A_464 : memref<4096xf32, #tpu.memory_space<vmem>>) dst(%dma_wait3A_462 : memref<4096xf32, #tpu.memory_space<hbm>>)
      %dma_wait3A_465 = arith.constant 12288 : i32
      %dma_wait3A_466 = tpu.memref_slice %arg8[%dma_wait3A_465] : memref<16384xf32, #tpu.memory_space<vmem>> -> memref<4096xf32, #tpu.memory_space<vmem>>
      %dma_wait3A_467 = arith.constant 12288 : i32
      %dma_wait3A_468 = tpu.memref_slice %arg4[%dma_wait3A_467] : memref<104857600xf32, #tpu.memory_space<hbm>> -> memref<4096xf32, #tpu.memory_space<hbm>>
      %dma_wait3A_469 = arith.constant 12288 : i32
      %dma_wait3A_470 = tpu.memref_slice %arg4[%dma_wait3A_469] : memref<104857600xf32, #tpu.memory_space<hbm>> -> memref<4096xf32, #tpu.memory_space<hbm>>
      %dma_wait3A_471 = arith.constant 12288 : i32
      %dma_wait3A_472 = tpu.memref_slice %arg8[%dma_wait3A_471] : memref<16384xf32, #tpu.memory_space<vmem>> -> memref<4096xf32, #tpu.memory_space<vmem>>
      tpu.wait_dma2 semaphore(%arg12 : memref<!tpu.dma_semaphore, #tpu.memory_space<semaphore_mem>>) src(%dma_wait3A_472 : memref<4096xf32, #tpu.memory_space<vmem>>) dst(%dma_wait3A_470 : memref<4096xf32, #tpu.memory_space<hbm>>)
      %dma_wait3A_473 = arith.constant 0 : i32
      %dma_wait3A_474 = tpu.memref_slice %arg9[%dma_wait3A_473] : memref<16384xf32, #tpu.memory_space<vmem>> -> memref<4096xf32, #tpu.memory_space<vmem>>
      %dma_wait3A_475 = arith.constant 0 : i32
      %dma_wait3A_476 = tpu.memref_slice %arg4[%dma_wait3A_475] : memref<104857600xf32, #tpu.memory_space<hbm>> -> memref<4096xf32, #tpu.memory_space<hbm>>
      %dma_wait3A_477 = arith.constant 0 : i32
      %dma_wait3A_478 = tpu.memref_slice %arg4[%dma_wait3A_477] : memref<104857600xf32, #tpu.memory_space<hbm>> -> memref<4096xf32, #tpu.memory_space<hbm>>
      %dma_wait3A_479 = arith.constant 0 : i32
      %dma_wait3A_480 = tpu.memref_slice %arg9[%dma_wait3A_479] : memref<16384xf32, #tpu.memory_space<vmem>> -> memref<4096xf32, #tpu.memory_space<vmem>>
      tpu.wait_dma2 semaphore(%arg13 : memref<!tpu.dma_semaphore, #tpu.memory_space<semaphore_mem>>) src(%dma_wait3A_480 : memref<4096xf32, #tpu.memory_space<vmem>>) dst(%dma_wait3A_478 : memref<4096xf32, #tpu.memory_space<hbm>>)
      %dma_wait3A_481 = arith.constant 4096 : i32
      %dma_wait3A_482 = tpu.memref_slice %arg9[%dma_wait3A_481] : memref<16384xf32, #tpu.memory_space<vmem>> -> memref<4096xf32, #tpu.memory_space<vmem>>
      %dma_wait3A_483 = arith.constant 4096 : i32
      %dma_wait3A_484 = tpu.memref_slice %arg4[%dma_wait3A_483] : memref<104857600xf32, #tpu.memory_space<hbm>> -> memref<4096xf32, #tpu.memory_space<hbm>>
      %dma_wait3A_485 = arith.constant 4096 : i32
      %dma_wait3A_486 = tpu.memref_slice %arg4[%dma_wait3A_485] : memref<104857600xf32, #tpu.memory_space<hbm>> -> memref<4096xf32, #tpu.memory_space<hbm>>
      %dma_wait3A_487 = arith.constant 4096 : i32
      %dma_wait3A_488 = tpu.memref_slice %arg9[%dma_wait3A_487] : memref<16384xf32, #tpu.memory_space<vmem>> -> memref<4096xf32, #tpu.memory_space<vmem>>
      tpu.wait_dma2 semaphore(%arg13 : memref<!tpu.dma_semaphore, #tpu.memory_space<semaphore_mem>>) src(%dma_wait3A_488 : memref<4096xf32, #tpu.memory_space<vmem>>) dst(%dma_wait3A_486 : memref<4096xf32, #tpu.memory_space<hbm>>)
      %dma_wait3A_489 = arith.constant 8192 : i32
      %dma_wait3A_490 = tpu.memref_slice %arg9[%dma_wait3A_489] : memref<16384xf32, #tpu.memory_space<vmem>> -> memref<4096xf32, #tpu.memory_space<vmem>>
      %dma_wait3A_491 = arith.constant 8192 : i32
      %dma_wait3A_492 = tpu.memref_slice %arg4[%dma_wait3A_491] : memref<104857600xf32, #tpu.memory_space<hbm>> -> memref<4096xf32, #tpu.memory_space<hbm>>
      %dma_wait3A_493 = arith.constant 8192 : i32
      %dma_wait3A_494 = tpu.memref_slice %arg4[%dma_wait3A_493] : memref<104857600xf32, #tpu.memory_space<hbm>> -> memref<4096xf32, #tpu.memory_space<hbm>>
      %dma_wait3A_495 = arith.constant 8192 : i32
      %dma_wait3A_496 = tpu.memref_slice %arg9[%dma_wait3A_495] : memref<16384xf32, #tpu.memory_space<vmem>> -> memref<4096xf32, #tpu.memory_space<vmem>>
      tpu.wait_dma2 semaphore(%arg13 : memref<!tpu.dma_semaphore, #tpu.memory_space<semaphore_mem>>) src(%dma_wait3A_496 : memref<4096xf32, #tpu.memory_space<vmem>>) dst(%dma_wait3A_494 : memref<4096xf32, #tpu.memory_space<hbm>>)
      %dma_wait3A_497 = arith.constant 12288 : i32
      %dma_wait3A_498 = tpu.memref_slice %arg9[%dma_wait3A_497] : memref<16384xf32, #tpu.memory_space<vmem>> -> memref<4096xf32, #tpu.memory_space<vmem>>
      %dma_wait3A_499 = arith.constant 12288 : i32
      %dma_wait3A_500 = tpu.memref_slice %arg4[%dma_wait3A_499] : memref<104857600xf32, #tpu.memory_space<hbm>> -> memref<4096xf32, #tpu.memory_space<hbm>>
      %dma_wait3A_501 = arith.constant 12288 : i32
      %dma_wait3A_502 = tpu.memref_slice %arg4[%dma_wait3A_501] : memref<104857600xf32, #tpu.memory_space<hbm>> -> memref<4096xf32, #tpu.memory_space<hbm>>
      %dma_wait3A_503 = arith.constant 12288 : i32
      %dma_wait3A_504 = tpu.memref_slice %arg9[%dma_wait3A_503] : memref<16384xf32, #tpu.memory_space<vmem>> -> memref<4096xf32, #tpu.memory_space<vmem>>
      tpu.wait_dma2 semaphore(%arg13 : memref<!tpu.dma_semaphore, #tpu.memory_space<semaphore_mem>>) src(%dma_wait3A_504 : memref<4096xf32, #tpu.memory_space<vmem>>) dst(%dma_wait3A_502 : memref<4096xf32, #tpu.memory_space<hbm>>)
    }
    return
  }
}

</mosaic_0001>

<sc_bundles>
// kernel: kernel.3.cloned.1.call-start
scs
__scs_entry_jumppad:
0x0: {  	(pc) =	sbr.rel $0x88, $3  }
0x1: {  	(tag) =	ssettag $0x0;
	lr =	simm.s32 $0x1  }
0x2: {  	[smem:$0x3F9F] =	sst lr;
	_ =	strace $0xD0000000  }
0x3: {  	_ = 	snop  }
0x4: {  	_ = 	snop  }
0x5: {  	_ = 	snop  }
0x6: {  	_ = 	snop  }
0x7: {  	_ = 	snop  }
__scs_overlays_trampoline_lowered:
0x8: {  	[smem:$0x3FAE] =	sst s0  }
0x9: {  	[smem:$0x3FAF] =	sst s1  }
0xa: {  	[smem:$0x3FB0] =	sst s2  }
0xb: {  	[smem:$0x3FB1] =	sst s3  }
0xc: {  	[smem:$0x3FB2] =	sst s4  }
0xd: {  	[smem:$0x3FB3] =	sst s5  }
0xe: {  	[smem:$0x3FB4] =	sst s6  }
0xf: {  	[smem:$0x3FB5] =	sst s7  }
0x10: {  	[smem:$0x3FB6] =	sst s8  }
0x11: {  	[smem:$0x3FB7] =	sst s9;
	s0 =	simm.s32 @!p0 $0x0  }
0x12: {  	s1 =	sld [smem:$0x3F9D];
	s0 =	simm.s32 @p0 $0x1  }
0x13: {  	[smem:$0x3FB8] =	sst s0;
	s0 =	simm.s32 @!p1 $0x0  }
0x14: {  	s2 =	sld [smem:$0x3F9C];
	s0 =	simm.s32 @p1 $0x1  }
0x15: {  	[smem:$0x3FB9] =	sst s0;
	s0 =	simm.s32 @!p2 $0x0  }
0x16: {  	s3 =	sld [smem:$0x3FDB];
	s0 =	simm.s32 @p2 $0x1  }
0x17: {  	s4 =	simm.s32 $0x1BF5;
	[smem:$0x3FBB] =	sst s0  }
0x18: {  	s0 =	sld [smem:$0x3F9E];
	_ =	swait.ge [sflag:s4], $0x0  }
0x19: {  	s7 =	sld [smem:$0x3F9F]  }
0x1a: {  	s8 =	sadd.s32 $0xFFFFE003, lr  }
0x1b: {  	s9 =	sadd.s32 $0xFFFFFEF7, lr;
	s5 =	simm.s32 $0xFFFFFFFF;
	p2 =	slt.u32 s8, $0xFFFFF086  }
0x1c: {  	p1 =	slt.u32 s9, $0xF7A;
	s5 =	simm.s32 @!p2 $0x0  }
0x1d: {  	s5 =	simm.s32 @p1 $0x1;
	p0 =	seq.s32 s7, s2  }
0x1e: {  	s7 =	smul.u32 @!p0 $0xF7A, s2;
	p2 =	seq.s32 @!p0 s5, $0x0  }
0x1f: {  	s9 =	smul.u32 $0xF7A, s1;
	s8 =	simm.s32 @!p0 $0x1BF5;
	p2 =	por !p2, p0  }
0x20: {  	[sflag:s8] =	ssyncset.s32 @!p0 $0xFFFFF086;
	s6 =	sadd.s32 @!p0 s3, s7;
	s7 =	simm.s32 @!p0 $0x108  }
0x21: {  	s3 =	sadd.s32 s3, s9;
	s6 =	sadd.s32 @!p0 $0x88, s6;
	s7 =	simm.s32 @p2 $0x1082  }
0x22: {  	[simem:s7], [sflag:s8] =	dma.local @!p0 [hbm:s6], $0xF7A  }
0x23: {  	s9 =	sor.u32 $0xD0000000, s2;
	s6 =	simm.s32 $0x108;
	_ =	swait.ge @!p0 [sflag:s8], $0x0  }
0x24: {  	s3 =	sadd.s32 $0x88, s3;
	s6 =	simm.s32 @!p1 $0x1082;
	[sflag:s4] =	ssyncset.s32 $0xFFFFF086  }
0x25: {  	[simem:s6], [sflag:s4] =	dma.local [hbm:s3], $0xF7A  }
0x26: {  	[smem:$0x3F9F] =	sst s1;
	(tag) =	ssettag s2;
	_ =	strace s9  }
0x27: {  	s1 =	sld [smem:$0x3FAF]  }
0x28: {  	s2 =	sld [smem:$0x3FB0]  }
0x29: {  	s4 =	sld [smem:$0x3FB2]  }
0x2a: {  	p0 =	seq.s32 s5, $0x0;
	s5 =	sld [smem:$0x3FB3]  }
0x2b: {  	s6 =	sld [smem:$0x3FB4]  }
0x2c: {  	s7 =	sld [smem:$0x3FB5]  }
0x2d: {  	s3 =	simm.s32 $0x108;
	s8 =	sld [smem:$0x3FB6]  }
0x2e: {  	s3 =	simm.s32 @!p0 $0x1082;
	s9 =	sld [smem:$0x3FB7]  }
0x2f: {  	lr =	sadd.s32 s0, s3;
	s0 =	sld [smem:$0x3FAE]  }
0x30: {  	s3 =	sld [smem:$0x3FB1]  }
0x31: {  	[smem:$0x3FBA] =	sst s10  }
0x32: {  	s10 =	sld [smem:$0x3FB8];
	_ =	sdelay $0x3  }
0x33: {  	p0 =	seq.s32 s10, $0x1;
	s10 =	sld [smem:$0x3FBA];
	_ =	sdelay $0x3  }
0x34: {  	[smem:$0x3FBA] =	sst s10  }
0x35: {  	s10 =	sld [smem:$0x3FB9];
	_ =	sdelay $0x3  }
0x36: {  	p1 =	seq.s32 s10, $0x1;
	s10 =	sld [smem:$0x3FBA];
	_ =	sdelay $0x3  }
0x37: {  	[smem:$0x3FBA] =	sst s10  }
0x38: {  	s10 =	sld [smem:$0x3FBB]  }
0x39: {  	_ = 	snop;
	(pc) =	sbr.ind lr, $3  }
0x3a: {  	_ = 	snop  }
0x3b: {  	_ = 	snop  }
0x3c: {  	p2 =	seq.s32 s10, $0x1;
	s10 =	sld [smem:$0x3FBA]  }
0x3d: {  	_ =	shalt  }
0x3e: {  	_ =	shalt  }
0x3f: {  	_ =	shalt  }
0x40: {  	_ =	shalt  }
0x41: {  	_ =	shalt  }
0x42: {  	_ =	shalt  }
0x43: {  	_ =	shalt  }
0x44: {  	_ =	shalt  }
0x45: {  	_ =	shalt  }
0x46: {  	_ =	shalt  }
0x47: {  	_ =	shalt  }
0x48: {  	_ =	shalt  }
0x49: {  	_ =	shalt  }
0x4a: {  	_ =	shalt  }
0x4b: {  	_ =	shalt  }
0x4c: {  	_ =	shalt  }
0x4d: {  	_ =	shalt  }
0x4e: {  	_ =	shalt  }
0x4f: {  	_ =	shalt  }
0x50: {  	_ =	shalt  }
0x51: {  	_ =	shalt  }
0x52: {  	_ =	shalt  }
0x53: {  	_ =	shalt  }
0x54: {  	_ =	shalt  }
0x55: {  	_ =	shalt  }
0x56: {  	_ =	shalt  }
0x57: {  	_ =	shalt  }
0x58: {  	_ =	shalt  }
0x59: {  	_ =	shalt  }
0x5a: {  	_ =	shalt  }
0x5b: {  	_ =	shalt  }
0x5c: {  	_ =	shalt  }
0x5d: {  	_ =	shalt  }
0x5e: {  	_ =	shalt  }
0x5f: {  	_ =	shalt  }
0x60: {  	_ =	shalt  }
0x61: {  	_ =	shalt  }
0x62: {  	_ =	shalt  }
0x63: {  	_ =	shalt  }
0x64: {  	_ =	shalt  }
0x65: {  	_ =	shalt  }
0x66: {  	_ =	shalt  }
0x67: {  	_ =	shalt  }
0x68: {  	_ =	shalt  }
0x69: {  	_ =	shalt  }
0x6a: {  	_ =	shalt  }
0x6b: {  	_ =	shalt  }
0x6c: {  	_ =	shalt  }
0x6d: {  	_ =	shalt  }
0x6e: {  	_ =	shalt  }
0x6f: {  	_ =	shalt  }
0x70: {  	_ =	shalt  }
0x71: {  	_ =	shalt  }
0x72: {  	_ =	shalt  }
0x73: {  	_ =	shalt  }
0x74: {  	_ =	shalt  }
0x75: {  	_ =	shalt  }
0x76: {  	_ =	shalt  }
0x77: {  	_ =	shalt  }
0x78: {  	_ =	shalt  }
0x79: {  	_ =	shalt  }
0x7a: {  	_ =	shalt  }
0x7b: {  	_ =	shalt  }
0x7c: {  	_ =	shalt  }
0x7d: {  	_ =	shalt  }
0x7e: {  	_ =	shalt  }
0x7f: {  	_ =	shalt  }
0x80: {  	_ =	shalt  }
0x81: {  	_ =	shalt  }
0x82: {  	_ =	shalt  }
0x83: {  	_ =	shalt  }
0x84: {  	_ =	shalt  }
0x85: {  	_ =	shalt  }
0x86: {  	_ =	shalt  }
0x87: {  	_ =	shalt  }
.Lfunc_end0:
.L_simem_size_0:
called_computation_lowered:
.L_overlay_start_0:
0x88: {  	s2 =	sld [smem:$0x3FD9]  }
0x89: {  	s3 =	sld [smem:$0x3FFE];
	_ =	sdelay $0x1  }
0x8a: {  	s1 =	srdreg.scid  }
0x8b: {  	s0 =	sand.u32 $0x1, s1  }
0x8c: {  	s17 =	sshll.u32 s0, $0xA;
	s2 =	sadd.s32 s3, s2  }
0x8d: {  	s2 =	sadd.s32 s2, s17  }
0x8e: {  	[smem:$0x3FC6] =	sst s2  }
0x8f: {  	_ = 	snop  }
0x90: {  	s2 =	sld [smem:$0x3FD0];
	(tm) =	ssettm $0x1  }
0x91: {  	s18 =	sld [smem:$0x3FFB];
	_ =	sdelay $0x3  }
0x92: {  	_ =	strace s18  }
0x93: {  	s3 =	sld [smem:$0x3FFC];
	_ =	sdelay $0x3  }
0x94: {  	_ =	strace s3  }
0x95: {  	s3 =	sld [smem:$0x3FFD];
	_ =	sdelay $0x3  }
0x96: {  	_ =	strace s3  }
0x97: {  	_ =	strace $0x8FFFFFFF  }
0x98: {  	s19 =	sld [smem:$0x3FDB];
	_ =	sdelay $0x1  }
0x99: {  	s4 =	simm.s32 $_scs_section_size  }
0x9a: {  	s5 =	simm.s32 $_size__tile_overlayer_lowered;
	s6 =	simm.s32 $_tile_overlayer_lowered  }
0x9b: {  	s22 =	simm.s32 $0x1BFF;
	s21 =	sshll.u32 s6, $0x1;
	s3 =	sadd.s32 s4, s19  }
0x9c: {  	s7 =	simm.s32 $0x0;
	s20 =	sshll.u32 s5, $0x1;
	s5 =	sadd.s32 s21, s3  }
0x9d: {  	[timem:s7], [sflag:s22] =	dma.local [hbm:s5], s20  }
0x9e: {  	_ =	swait.ge [sflag:s22], s20  }
0x9f: {  	s4 =	ssub.s32 $0x0, s20;
	[sflag:s22] =	ssyncset.done $0x0  }
0xa0: {  	[sflag:s22] =	ssyncadd.s32 s4;
	_ =	sdelay $0x1  }
0xa1: {  	s23 =	simm.s32 $0x1B8B  }
0xa2: {  	_ =	swait.ge [sflag:s23], $0x1  }
0xa3: {  	[sflag:s23] =	ssyncset.done $0x0  }
0xa4: {  	s25 =	simm.s32 $0x1B8E;
	s24 =	sld [smem:$0x3FFE];
	[sflag:s23] =	ssyncadd.s32 $0xFFFFFFFF  }
0xa5: {  	s26 =	simm.s32 $execute0_lowered;
	[smem:$0x3FD2] =	sst s25  }
0xa6: {  	s5 =	sshll.u32 s26, $0x1;
	_ =	strace $0x80000046;
	[dreg:$0x1] =	wrdreg $0xFFFFFFFF  }
0xa7: {  	s28 =	simm.s32 $_size_execute0_lowered;
	s3 =	sadd.s32 s3, s5;
	[dreg:$0x0] =	wrdreg $0x0  }
0xa8: {  	s5 =	sshll.u32 s28, $0x1;
	[dreg:$0x2] =	wrdreg s3  }
0xa9: {  	[dreg:$0x3] =	wrdreg s5  }
0xaa: {  	[dreg:$0x4] =	wrdreg $0xC0  }
0xab: {  	_ =	task [dreg:s7], $0x5FFFF  }
0xac: {  	[dreg:$0x1] =	wrdreg $0xFFFFFFFF  }
0xad: {  	[dreg:$0x0] =	wrdreg $0x60  }
0xae: {  	[dreg:$0x2] =	wrdreg s24  }
0xaf: {  	[dreg:$0x3] =	wrdreg s2  }
0xb0: {  	[dreg:$0x4] =	wrdreg $0x9  }
0xb1: {  	_ =	task.clear_ibuf [dreg:s7], $0x5FFFF;
	_ =	strace $0x90000046  }
0xb2: {  	s29 =	simm.s32 $0x9;
	_ =	strace $0x80000048  }
0xb3: {  	_ =	swait.ge [sflag:s29], $0x1  }
0xb4: {  	[sflag:s29] =	ssyncadd.s32 $0xFFFFFFFF  }
0xb5: {  	_ =	strace $0x90000048  }
0xb6: {  	_ =	sfence  }
0xb7: {  	s30 =	sld [smem:$0x0];
	_ =	sdelay $0x2  }
0xb8: {  	s31 =	sshll.u32 s1, $0xD;
	s1 =	sshrl.u32 s1, $0x2  }
0xb9: {  	s3 =	sand.u32 $0x4000, s31;
	s1 =	sadd.s32 s1, s30  }
0xba: {  	s0 =	sor.u32 s3, s0;
	s1 =	sshll.u32 s1, $0x11  }
0xbb: {  	s0 =	sor.u32 s1, s0  }
0xbc: {  	s0 =	sadd.s32 $0x8F2B, s0  }
0xbd: {  	[sflag:s0] =	ssyncadd.remote.s32 $0x1  }
0xbe: {  	_ =	sfence.sel $0xFFFF  }
0xbf: {  	[dreg:$0x0] =	wrdreg $0xFFFFFFFF;
	(pc) =	sbr.abs _section_cstart, $3  }
0xc0: {  	[dreg:$0x1] =	wrdreg $0xFFFFFFFF  }
0xc1: {  	_ =	task.clear_ibuf [dreg:s7], $0x2FFFF;
	_ =	strace $0x9FFFFFFF  }
0xc2: {  	(tm) =	ssettm $0x7FFFFFFF  }
0xc3: {  	_ =	shalt  }
tec
execute0_lowered:
.L_overlay_start_1:
0x0: {  	(tag) =	ssettag $0x1  }
0x1: {  	v0 =	vimm.s32 $0xFEDCBA9  }
0x2: {  	v1 =	vimm.s32 $0x10FEDCBA;
	v2 =	vimm.s32 $0x98765432;
	v3 =	vimm.s32 $0x210FEDCB  }
0x3: {  	v43 =	vlaneseq.u32;
	v6 =	vimm.s32 $0x43210FED;
	v7 =	vimm.s32 $0xCBA98765  }
0x4: {  	v8 =	vimm.s32 $0x543210FE;
	v9 =	vimm.s32 $0xDCBA9876;
	v18 =	vimm.s32 $0x6543210F  }
0x5: {  	v19 =	vimm.s32 $0xEDCBA987;
	vm3 =	vcmask $0x300;
	vm4 =	vcmask $0x704  }
0x6: {  	vm5 =	vcmask $0xB08;
	vm6 =	vcmask $0xF0C;
	vm7 =	vcmask $0x1310  }
0x7: {  	vm8 =	vcmask $0x1714;
	vm9 =	vcmask $0x1B18;
	vm10 =	vcmask $0x1F1C  }
0x8: {  	vm11 =	vcmask $0x2320;
	vm12 =	vcmask $0x2724;
	vm13 =	vcmask $0x2B28  }
0x9: {  	vm14 =	vcmask $0x2F2C;
	vm0 =	vcmask $0x3330;
	vm2 =	vcmask $0x3734  }
0xa: {  	vm1 =	vcmask $0x3B38;
	v27 =	vimm.s32 $0x108F;
	v28 =	vimm.s32 $0x110F  }
0xb: {  	v29 =	vimm.s32 $0x118F;
	v30 =	vimm.s32 $0x120F;
	v31 =	vimm.s32 $0x128F  }
0xc: {  	v32 =	vimm.s32 $0x130F;
	v34 =	vimm.s32 $0x101F1E1D;
	v40 =	vimm.s32 $0x18171615  }
0xd: {  	v35 =	vimm.s32 $0x1D1C1B1A;
	v44 =	vimm.s32 $0x11101F1E;
	v48 =	vimm.s32 $0x15141312  }
0xe: {  	v49 =	vimm.s32 $0x19181716;
	v54 =	vimm.s32 $0x1E1D1C1B;
	v55 =	vimm.s32 $0x1211101F  }
0xf: {  	v58 =	vimm.s32 $0x1A191817;
	v59 =	vimm.s32 $0x1F1E1D1C;
	v62 =	vimm.s32 $0x17161514  }
0x10: {  	v63 =	vimm.s32 $0x1B1A1918;
	v0 =	vunpack.c.l.s4.s8 v0;
	v1 =	vunpack.c.l.s4.s8 v1  }
0x11: {  	v2 =	vunpack.c.l.s4.s8 v2;
	v6 =	vunpack.c.l.s4.s8 v6;
	v7 =	vunpack.c.l.s4.s8 v7  }
0x12: {  	v8 =	vunpack.c.l.s4.s8 v8;
	v9 =	vunpack.c.l.s4.s8 v9;
	v27 =	vsel vm3, $0x1100, v27  }
0x13: {  	v28 =	vsel vm3, $0x1180, v28;
	v29 =	vsel vm3, $0x1200, v29;
	v30 =	vsel vm3, $0x1280, v30  }
0x14: {  	v31 =	vsel vm3, $0x1300, v31;
	v32 =	vsel vm3, $0x1380, v32;
	v50 =	vunpack.c.0.s8.s32 v48  }
0x15: {  	v52 =	vunpack.c.0.s8.s32 v49;
	v27 =	vsel vm4, $0x1181, v27;
	v28 =	vsel vm4, $0x1201, v28  }
0x16: {  	v29 =	vsel vm4, $0x1281, v29;
	v30 =	vsel vm4, $0x1301, v30;
	v31 =	vsel vm4, $0x1381, v31  }
0x17: {  	v32 =	vsel vm4, $0x1, v32;
	v10 =	vunpack.c.0.s8.s32 v0;
	v0 =	vimm.s32 $0x87654321  }
0x18: {  	v12 =	vunpack.c.0.s8.s32 v1;
	v13 =	vunpack.c.0.s8.s32 v2;
	v2 =	vimm.s32 $0xBA987654  }
0x19: {  	v20 =	vunpack.c.0.s8.s32 v6;
	v6 =	vunpack.c.l.s4.s8 v18;
	v18 =	vunpack.c.l.s4.s8 v19  }
0x1a: {  	v19 =	vunpack.c.0.s8.s32 v7;
	v21 =	vunpack.c.0.s8.s32 v8;
	v22 =	vunpack.c.0.s8.s32 v9  }
0x1b: {  	v8 =	vimm.s32 $0x76543210;
	v27 =	vsel vm5, $0x1202, v27;
	v28 =	vsel vm5, $0x1282, v28  }
0x1c: {  	v29 =	vsel vm5, $0x1302, v29;
	v30 =	vsel vm5, $0x1382, v30;
	v31 =	vsel vm5, $0x2, v31  }
0x1d: {  	v32 =	vsel vm5, $0x82, v32;
	v0 =	vunpack.c.l.s4.s8 v0;
	v2 =	vunpack.c.l.s4.s8 v2  }
0x1e: {  	v26 =	vunpack.c.l.s4.s8 v8;
	v27 =	vsel vm6, $0x1283, v27;
	v28 =	vsel vm6, $0x1303, v28  }
0x1f: {  	v29 =	vsel vm6, $0x1383, v29;
	v30 =	vsel vm6, $0x3, v30;
	v31 =	vsel vm6, $0x83, v31  }
0x20: {  	v32 =	vsel vm6, $0x103, v32;
	v8 =	vunpack.c.0.s8.s32 v35;
	v4 =	vcombine.low v13, v12  }
0x21: {  	v23 =	vunpack.c.0.s8.s32 v6;
	v18 =	vunpack.c.0.s8.s32 v18;
	v7 =	vcombine.low v19, v20  }
0x22: {  	v6 =	vimm.s32 $0xFEDCBA98;
	v24 =	vcombine.low v22, v21;
	v12 =	vcombine.low v12, v13  }
0x23: {  	v27 =	vsel vm7, $0x1304, v27;
	v28 =	vsel vm7, $0x1384, v28;
	v29 =	vsel vm7, $0x4, v29  }
0x24: {  	v30 =	vsel vm7, $0x84, v30;
	v31 =	vsel vm7, $0x104, v31;
	v32 =	vsel vm7, $0x184, v32  }
0x25: {  	v11 =	vunpack.c.0.s8.s32 v0;
	v0 =	vunpack.c.l.s4.s8 v3;
	v3 =	vimm.s32 $0xA9876543  }
0x26: {  	v17 =	vunpack.c.0.s8.s32 v2;
	v38 =	vunpack.c.l.s4.s8 v6;
	v27 =	vsel vm8, $0x1385, v27  }
0x27: {  	v28 =	vsel vm8, $0x5, v28;
	v29 =	vsel vm8, $0x85, v29;
	v30 =	vsel vm8, $0x105, v30  }
0x28: {  	v31 =	vsel vm8, $0x185, v31;
	v32 =	vsel vm8, $0x205, v32;
	v1 =	vunpack.c.l.s4.s8 v3  }
0x29: {  	v33 =	vand.u32 $0xF, v4;
	v25 =	vcombine.low v18, v23;
	v47 =	vand.u32 $0xF, v7  }
0x2a: {  	v53 =	vand.u32 $0xF, v24;
	v24 =	vunpack.c.0.s8.s32 v26;
	v42 =	vand.u32 $0xF, v12  }
0x2b: {  	v26 =	vimm.s32 $0x100F;
	v27 =	vsel vm9, $0x6, v27;
	v28 =	vsel vm9, $0x86, v28  }
0x2c: {  	v29 =	vsel vm9, $0x106, v29;
	v30 =	vsel vm9, $0x186, v30;
	v31 =	vsel vm9, $0x206, v31  }
0x2d: {  	v32 =	vsel vm9, $0x286, v32;
	v4 =	vunpack.c.0.s8.s32 v34;
	v7 =	vunpack.c.0.s8.s32 v40  }
0x2e: {  	v14 =	vunpack.c.0.s8.s32 v0;
	v0 =	vimm.s32 $0x3210FEDC;
	v3 =	vcombine.low v11, v10  }
0x2f: {  	v9 =	vunpack.c.0.s8.s32 v38;
	v10 =	vcombine.low v10, v11;
	v26 =	vsel vm3, $0x1080, v26  }
0x30: {  	v27 =	vsel vm10, $0x87, v27;
	v28 =	vsel vm10, $0x107, v28;
	v29 =	vsel vm10, $0x187, v29  }
0x31: {  	v30 =	vsel vm10, $0x207, v30;
	v31 =	vsel vm10, $0x287, v31;
	v32 =	vsel vm10, $0x307, v32  }
0x32: {  	v15 =	vunpack.c.0.s8.s32 v1;
	v1 =	vunpack.c.l.s4.s8 v0;
	v0 =	vmul.u32 $0x20, v43  }
0x33: {  	v51 =	vand.u32 $0xF, v25;
	v25 =	vimm.s32 $0x138F;
	v26 =	vsel vm4, $0x1101, v26  }
0x34: {  	v27 =	vsel vm11, $0x108, v27;
	v28 =	vsel vm11, $0x188, v28;
	v29 =	vsel vm11, $0x208, v29  }
0x35: {  	v30 =	vsel vm11, $0x288, v30;
	v31 =	vsel vm11, $0x308, v31;
	v32 =	vsel vm11, $0x388, v32  }
0x36: {  	v41 =	vand.u32 $0xF, v3;
	v9 =	vand.u32 $0xF, v9;
	v45 =	vand.u32 $0xF, v10  }
0x37: {  	v26 =	vsel vm5, $0x1182, v26;
	v27 =	vsel vm12, $0x189, v27;
	v28 =	vsel vm12, $0x209, v28  }
0x38: {  	v29 =	vsel vm12, $0x289, v29;
	v30 =	vsel vm12, $0x309, v30;
	v31 =	vsel vm12, $0x389, v31  }
0x39: {  	v32 =	vsel vm12, $0x1009, v32;
	v3 =	vimm.s32 $0x1C1B1A19;
	v5 =	vcombine.low v15, v14  }
0x3a: {  	v16 =	vunpack.c.0.s8.s32 v1;
	v38 =	vcombine.low v9, v24;
	v24 =	vsel vm3, $0x0, v25  }
0x3b: {  	v25 =	vimm.s32 $0x38F;
	v26 =	vsel vm6, $0x1203, v26;
	v27 =	vsel vm13, $0x20A, v27  }
0x3c: {  	v28 =	vsel vm13, $0x28A, v28;
	v29 =	vsel vm13, $0x30A, v29;
	v30 =	vsel vm13, $0x38A, v30  }
0x3d: {  	v31 =	vsel vm13, $0x100A, v31;
	v32 =	vsel vm13, $0x108A, v32;
	v3 =	vunpack.c.0.s8.s32 v3  }
0x3e: {  	v9 =	vunpack.c.0.s8.s32 v44;
	v39 =	vsel vm4, $0x81, v24;
	v24 =	vimm.s32 $0x30F  }
0x3f: {  	v25 =	vsel vm3, $0x1000, v25;
	v26 =	vsel vm7, $0x1284, v26;
	v27 =	vsel vm14, $0x28B, v27  }
0x40: {  	v28 =	vsel vm14, $0x30B, v28;
	v29 =	vsel vm14, $0x38B, v29;
	v30 =	vsel vm14, $0x100B, v30  }
0x41: {  	v31 =	vsel vm14, $0x108B, v31;
	v32 =	vsel vm14, $0x110B, v32;
	v56 =	vand.u32 $0xF, v5  }
0x42: {  	v5 =	vcombine.low v17, v16;
	v11 =	vsel vm5, $0x102, v39;
	v24 =	vsel vm3, $0x380, v24  }
0x43: {  	v25 =	vsel vm4, $0x1081, v25;
	v26 =	vsel vm8, $0x1305, v26;
	v27 =	vsel vm0, $0x30C, v27  }
0x44: {  	v28 =	vsel vm0, $0x38C, v28;
	v29 =	vsel vm0, $0x100C, v29;
	v30 =	vsel vm0, $0x108C, v30  }
0x45: {  	v31 =	vsel vm0, $0x110C, v31;
	v32 =	vsel vm0, $0x118C, v32;
	v13 =	vsel vm6, $0x183, v11  }
0x46: {  	v24 =	vsel vm4, $0x1001, v24;
	v25 =	vsel vm5, $0x1102, v25;
	v26 =	vsel vm9, $0x1386, v26  }
0x47: {  	v27 =	vsel vm2, $0x38D, v27;
	v28 =	vsel vm2, $0x100D, v28;
	v29 =	vsel vm2, $0x108D, v29  }
0x48: {  	v30 =	vsel vm2, $0x110D, v30;
	v31 =	vsel vm2, $0x118D, v31;
	v46 =	vand.u32 $0xF, v5  }
0x49: {  	v12 =	vsel vm7, $0x204, v13;
	v13 =	vcombine.low v14, v15;
	v14 =	vcombine.low v16, v17  }
0x4a: {  	v16 =	vcombine.low v21, v22;
	v17 =	vcombine.low v23, v18;
	v21 =	vimm.s32 $0x18F  }
0x4b: {  	v22 =	vimm.s32 $0x20F;
	v23 =	vimm.s32 $0x28F;
	v24 =	vsel vm5, $0x1082, v24  }
0x4c: {  	v25 =	vsel vm6, $0x1183, v25;
	v26 =	vsel vm10, $0x7, v26;
	v5 =	vimm.s32 $0x14131211  }
0x4d: {  	v12 =	vsel vm8, $0x285, v12;
	v21 =	vsel vm3, $0x200, v21;
	v22 =	vsel vm3, $0x280, v22  }
0x4e: {  	v23 =	vsel vm3, $0x300, v23;
	v24 =	vsel vm6, $0x1103, v24;
	v25 =	vsel vm7, $0x1204, v25  }
0x4f: {  	v26 =	vsel vm11, $0x88, v26;
	v5 =	vunpack.c.0.s8.s32 v5;
	v15 =	vsel vm9, $0x306, v12  }
0x50: {  	v1 =	vand.u32 $0xF, v13;
	v57 =	vand.u32 $0xF, v14;
	v6 =	vand.u32 $0xF, v16  }
0x51: {  	v21 =	vsel vm4, $0x281, v21;
	v22 =	vsel vm4, $0x301, v22;
	v23 =	vsel vm4, $0x381, v23  }
0x52: {  	v24 =	vsel vm7, $0x1184, v24;
	v25 =	vsel vm8, $0x1285, v25;
	v26 =	vsel vm12, $0x109, v26  }
0x53: {  	v15 =	vsel vm10, $0x387, v15;
	v21 =	vsel vm5, $0x302, v21;
	v22 =	vsel vm5, $0x382, v22  }
0x54: {  	v23 =	vsel vm5, $0x1002, v23;
	v24 =	vsel vm8, $0x1205, v24;
	v25 =	vsel vm9, $0x1306, v25  }
0x55: {  	[tilespmem:$0x1FDC0] =	vst v1;
	v26 =	vsel vm13, $0x18A, v26;
	v1 =	vunpack.c.0.s8.s32 v62;
	v14 =	vsel vm11, $0x1008, v15  }
0x56: {  	v15 =	vcombine.low v20, v19;
	v19 =	vimm.s32 $0x8F;
	v20 =	vimm.s32 $0x10F  }
0x57: {  	v21 =	vsel vm6, $0x383, v21;
	v22 =	vsel vm6, $0x1003, v22;
	v23 =	vsel vm6, $0x1083, v23  }
0x58: {  	v24 =	vsel vm9, $0x1286, v24;
	v25 =	vsel vm10, $0x1387, v25;
	v26 =	vsel vm14, $0x20B, v26  }
0x59: {  	v14 =	vsel vm12, $0x1089, v14;
	v19 =	vsel vm3, $0x100, v19;
	v20 =	vsel vm3, $0x180, v20  }
0x5a: {  	v21 =	vsel vm7, $0x1004, v21;
	v22 =	vsel vm7, $0x1084, v22;
	v23 =	vsel vm7, $0x1104, v23  }
0x5b: {  	v24 =	vsel vm10, $0x1307, v24;
	v25 =	vsel vm11, $0x8, v25;
	v26 =	vsel vm0, $0x28C, v26  }
0x5c: {  	v14 =	vsel vm13, $0x110A, v14;
	v2 =	vand.u32 $0xF, v15;
	v19 =	vsel vm4, $0x181, v19  }
0x5d: {  	v20 =	vsel vm4, $0x201, v20;
	v21 =	vsel vm8, $0x1085, v21;
	v22 =	vsel vm8, $0x1105, v22  }
0x5e: {  	v23 =	vsel vm8, $0x1185, v23;
	v24 =	vsel vm11, $0x1388, v24;
	v25 =	vsel vm12, $0x89, v25  }
0x5f: {  	v18 =	vsel vm14, $0x118B, v14;
	[tilespmem:$0x1FDD0] =	vst v2;
	v2 =	vand.u32 $0xF, v17;
	v19 =	vsel vm5, $0x202, v19  }
0x60: {  	s2 =	rddreg [dreg:$0x0];
	s1 =	simm.s32 $0x0;
	v20 =	vsel vm5, $0x282, v20;
	v21 =	vsel vm9, $0x1106, v21;
	v22 =	vsel vm9, $0x1186, v22  }
0x61: {  	[smem:$0x7FF] =	sst s1;
	v23 =	vsel vm9, $0x1206, v23;
	v24 =	vsel vm12, $0x9, v24;
	v25 =	vsel vm13, $0x10A, v25  }
0x62: {  	s0 =	rddreg [dreg:$0x1];
	v18 =	vsel vm0, $0x120C, v18;
	v19 =	vsel vm6, $0x283, v19;
	v20 =	vsel vm6, $0x303, v20;
	_ =	strace $0x80000047;
	[tilespmem:$0x1FDE0] =	vst v3  }
0x63: {  	v21 =	vsel vm10, $0x1187, v21;
	v22 =	vsel vm10, $0x1207, v22;
	v23 =	vsel vm10, $0x1287, v23;
	[tilespmem:$0x1FDF0] =	vst v4  }
0x64: {  	v24 =	vsel vm13, $0x8A, v24;
	v25 =	vsel vm14, $0x18B, v25;
	[tilespmem:$0x1FE00] =	vst v5;
	v17 =	vsel vm2, $0x128D, v18  }
0x65: {  	[tilespmem:$0x1FE10] =	vst v7;
	v18 =	vimm.s32 $0xF;
	v19 =	vsel vm7, $0x304, v19;
	v20 =	vsel vm7, $0x384, v20  }
0x66: {  	[tilespmem:$0x1FE20] =	vst v8;
	v21 =	vsel vm11, $0x1208, v21;
	v22 =	vsel vm11, $0x1288, v22;
	v23 =	vsel vm11, $0x1308, v23  }
0x67: {  	[tilespmem:$0x1FE30] =	vst v9;
	v24 =	vsel vm14, $0x10B, v24;
	v25 =	vsel vm0, $0x20C, v25;
	v18 =	vsel vm3, $0x80, v18  }
0x68: {  	[tilespmem:$0x1FE40] =	vst v50;
	v19 =	vsel vm8, $0x385, v19;
	v20 =	vsel vm8, $0x1005, v20;
	v21 =	vsel vm12, $0x1289, v21  }
0x69: {  	[tilespmem:$0x1FE50] =	vst v52;
	v22 =	vsel vm12, $0x1309, v22;
	v23 =	vsel vm12, $0x1389, v23;
	v24 =	vsel vm0, $0x18C, v24  }
0x6a: {  	[tilespmem:$0x1FF00] =	vst v1;
	v18 =	vsel vm4, $0x101, v18;
	v19 =	vsel vm9, $0x1006, v19;
	v20 =	vsel vm9, $0x1086, v20  }
0x6b: {  	[tilespmem:$0x1FF20] =	vst v57;
	v21 =	vsel vm13, $0x130A, v21;
	v22 =	vsel vm13, $0x138A, v22;
	v18 =	vsel vm5, $0x182, v18  }
0x6c: {  	[tilespmem:$0x1FF30] =	vst v6;
	v23 =	vsel vm13, $0xA, v23;
	v19 =	vsel vm10, $0x1087, v19;
	v18 =	vsel vm6, $0x203, v18  }
0x6d: {  	[tilespmem:$0x1FF40] =	vst v53;
	v20 =	vsel vm10, $0x1107, v20;
	v21 =	vsel vm14, $0x138B, v21;
	v18 =	vsel vm7, $0x284, v18  }
0x6e: {  	[tilespmem:$0x1FF50] =	vst v45;
	v22 =	vsel vm14, $0xB, v22;
	v23 =	vsel vm14, $0x8B, v23;
	v18 =	vsel vm8, $0x305, v18  }
0x6f: {  	[tilespmem:$0x1FF60] =	vst v0;
	v19 =	vsel vm11, $0x1108, v19;
	v20 =	vsel vm11, $0x1188, v20;
	v18 =	vsel vm9, $0x386, v18  }
0x70: {  	[tilespmem:$0x1FF70] =	vst v47;
	v21 =	vsel vm0, $0xC, v21;
	v22 =	vsel vm0, $0x8C, v22;
	v18 =	vsel vm10, $0x1007, v18  }
0x71: {  	[tilespmem:$0x1FF80] =	vst v41;
	v23 =	vsel vm0, $0x10C, v23;
	v19 =	vsel vm12, $0x1189, v19;
	v18 =	vsel vm11, $0x1088, v18  }
0x72: {  	[tilespmem:$0x1FF90] =	vst v2;
	v20 =	vsel vm12, $0x1209, v20;
	v19 =	vsel vm13, $0x120A, v19;
	v18 =	vsel vm12, $0x1109, v18  }
0x73: {  	[tilespmem:$0x1FFA0] =	vst v46;
	v20 =	vsel vm13, $0x128A, v20;
	v19 =	vsel vm14, $0x128B, v19;
	v18 =	vsel vm13, $0x118A, v18  }
0x74: {  	[tilespmem:$0x1FFB0] =	vst v56;
	v20 =	vsel vm14, $0x130B, v20;
	v19 =	vsel vm0, $0x130C, v19;
	v18 =	vsel vm14, $0x120B, v18  }
0x75: {  	[tilespmem:$0x1FFC0] =	vst v33;
	v20 =	vsel vm0, $0x138C, v20;
	v18 =	vsel vm0, $0x128C, v18;
	vm0 =	vcmask $0x1F10  }
0x76: {  	v32 =	vsel vm2, $0x120D, v32;
	[tilespmem:$0x1FFD0] =	vst v51;
	v3 =	vsel vm0, v4, v3;
	v4 =	vsel vm0, v7, v5  }
0x77: {  	v27 =	vsel vm1, $0x100E, v27;
	[tilespmem:$0x1FE60] =	vst v3;
	v15 =	vcombine.low v4, v3;
	v3 =	vunpack.c.0.s8.s32 v54  }
0x78: {  	s28 =	srdreg.scid;
	s4 =	stileid.u32;
	s5 =	simm.s32 $0x6;
	v28 =	vsel vm1, $0x108E, v28;
	v29 =	vsel vm1, $0x110E, v29;
	v30 =	vsel vm1, $0x118E, v30;
	[tilespmem:$0x1FFE0] =	vst v38  }
0x79: {  	s10 =	simm.s32 $0x200;
	s11 =	simm.s32 $0x4000;
	s13 =	simm.s32 $0x8000;
	v31 =	vsel vm1, $0x120E, v31;
	v26 =	vsel vm2, $0x30D, v26;
	[tilespmem:$0x1FEA0] =	vst v3;
	v3 =	vunpack.c.0.s8.s32 v55  }
0x7a: {  	s12 =	simm.s32 $0x5;
	s14 =	simm.s32 $0xC000;
	s15 =	simm.s32 $0x1;
	v40 =	vsel vm1, $0x128E, v32;
	v26 =	vsel vm1, $0x38E, v26;
	[tilespmem:$0x1FE70] =	vst v4;
	v4 =	vimm.s32 $0x16151413  }
0x7b: {  	s16 =	simm.s32 $0xD000;
	s17 =	simm.s32 $0xE000;
	s18 =	simm.s32 $0xF000;
	v14 =	vor.u32 $0x10, v43;
	v1 =	vunpack.c.0.s8.s32 v63;
	[tilespmem:$0x1FEB0] =	vst v3;
	v3 =	vunpack.c.0.s8.s32 v4  }
0x7c: {  	s19 =	simm.s32 $0x2;
	s20 =	simm.s32 $0x10000;
	s21 =	simm.s32 $0x11000;
	[tilespmem:$0x1FFF0] =	vst v42;
	v60 =	vsel vm1, $0x130E, v17;
	v25 =	vsel vm2, $0x28D, v25;
	v24 =	vsel vm2, $0x20D, v24  }
0x7d: {  	s22 =	simm.s32 $0x12000;
	s23 =	simm.s32 $0x13000;
	s3 =	sadd.s32 $0x600, s2;
	v25 =	vsel vm1, $0x30E, v25;
	v24 =	vsel vm1, $0x28E, v24;
	[tilespmem:$0x1FEC0] =	vst v3;
	v3 =	vunpack.c.0.s8.s32 v58  }
0x7e: {  	s24 =	simm.s32 $0x3;
	[dreg:$0x3] =	wrdreg s3;
	s3 =	sand.u32 $0x1, s28;
	[tilespmem:$0x1FF10] =	vst v1;
	v21 =	vsel vm2, $0x8D, v21;
	v22 =	vsel vm2, $0x10D, v22;
	v23 =	vsel vm2, $0x18D, v23  }
0x7f: {  	s6 =	sadd.s32 $0xF42C00, s2;
	p0 =	sgt.u32 s4, $0x3;
	s30 =	ssub.s32 $0x2, s3;
	v23 =	vsel vm1, $0x20E, v23;
	v5 =	vsel vm0, v9, v8;
	[tilespmem:$0x1FED0] =	vst v3;
	v3 =	vunpack.c.0.s8.s32 v59  }
0x80: {  	s31 =	sshll.u32 s4, $0x1;
	[dreg:$0x4] =	wrdreg s3;
	s3 =	sshrl.u32 s30, $0x1;
	v19 =	vsel vm2, $0x138D, v19;
	v20 =	vsel vm2, $0xD, v20;
	[tilespmem:$0x1FE80] =	vst v5;
	v4 =	vimm.s32 $0x13121110  }
0x81: {  	s5 =	simm.s32 @!p0 $0x7;
	[dreg:$0x6] =	wrdreg s31;
	s2 =	ssub.s32 s30, s3;
	v18 =	vsel vm2, $0x130D, v18;
	v7 =	vsel vm0, v52, v50;
	[tilespmem:$0x1FEE0] =	vst v3;
	v3 =	vunpack.c.0.s8.s32 v4  }
0x82: {  	s25 =	simm.s32 $0x4;
	[dreg:$0x5] =	wrdreg s5;
	s2 =	smax.u32 s2, $0x1;
	v19 =	vsel vm1, $0xE, v19;
	v20 =	vsel vm1, $0x8E, v20;
	v61 =	vsel vm1, $0x138E, v18;
	[tilespmem:$0x1FE90] =	vst v7  }
0x83: {  	s29 =	simm.s32 $0x0;
	s3 =	simm.s32 $0x0;
	[dreg:$0x7] =	wrdreg s2;
	v18 =	vsel vm1, $0x10E, v21;
	v21 =	vsel vm1, $0x18E, v22;
	v16 =	vcombine.low v7, v5;
	[tilespmem:$0x1FEF0] =	vst v3  }
.LBB2_1:
0x84: {  	[dreg:$0x8] =	wrdreg s3;
	s28 =	simm.s32 $0x0  }
.LBB2_2:
0x85: {  	s2 =	sshll.u32 s28, $0x5;
	s3 =	rddreg [dreg:$0x6]  }
0x86: {  	s26 =	rddreg [dreg:$0x4];
	s2 =	sor.u32 s2, s3  }
0x87: {  	s2 =	sor.u32 s26, s2  }
0x88: {  	s4 =	rddreg [dreg:$0x3];
	s3 =	sshll.u32 s2, $0xB  }
0x89: {  	s3 =	sadd.s32 s4, s3  }
0x8a: {  	[tilespmem:s29], [sflag:$0x5] =	stream.linear.gather [hbm4b:s3+s29], $0x4000, $0x38;
	[tilespmem:$0x14000] =	vst v63  }
0x8b: {  	s30 =	sshll.u32 s2, $0x13;
	_ =	swait.ge [sflag:s12], $0x4000  }
0x8c: {  	s9 =	simm.s32 $0x0;
	s31 =	sor.u32 $0x20000, s30;
	[sflag:s12] =	ssyncset.done $0x0  }
0x8d: {  	s2 =	sor.u32 $0x40000, s30;
	s5 =	sor.u32 $0x60000, s30;
	[sflag:s12] =	ssyncadd.s32 $0xFFFFC000  }
0x8e: {  	[tilespmem:s11], [sflag:$0x1] =	stream.indirect.gather [hbm4b:s6+s10], $0x20, s29, s10, $0xb8;
	[tilespmem:$0x14000] =	vst v63  }
.LBB2_3:
0x8f: {  	_ =	swait.ge [sflag:s15], $0x4000;
	s26 =	sshllo.u32 s9, $0x1  }
0x90: {  	[sflag:s15] =	ssyncset.done $0x0;
	s3 =	sshll.u32 s26, $0x9  }
0x91: {  	p0 =	seq.s32 s9, $0x0;
	[sflag:s15] =	ssyncadd.s32 $0xFFFFC000;
	s3 =	sand.u32 $0x3FFFFE00, s3  }
0x92: {  	[tilespmem:s13], [sflag:$0x2] =	stream.indirect.gather [hbm4b:s6+s10], $0x20, s3, s10, $0xb8;
	[tilespmem:$0x14000] =	vst v63  }
0x93: {  	s3 =	simm.s32 @!p0 $0x3  }
0x94: {  	_ =	swait.ge @!p0 [sflag:s3], $0x1000  }
0x95: {  	[sflag:s3] =	ssyncset.done @!p0 $0x0  }
0x96: {  	[sflag:s3] =	ssyncadd.s32 @!p0 $0xFFFFF000  }
0x97: {  	_ =	swait.ge @!p0 [sflag:s3], $0x1000  }
0x98: {  	[sflag:s3] =	ssyncset.done @!p0 $0x0  }
0x99: {  	[sflag:s3] =	ssyncadd.s32 @!p0 $0xFFFFF000  }
0x9a: {  	_ =	swait.ge @!p0 [sflag:s3], $0x1000  }
0x9b: {  	[sflag:s3] =	ssyncset.done @!p0 $0x0  }
0x9c: {  	[sflag:s3] =	ssyncadd.s32 @!p0 $0xFFFFF000  }
0x9d: {  	v32 =	vmov s29;
	_ =	swait.ge @!p0 [sflag:s3], $0x1000  }
0x9e: {  	v32 =	vshll.u32 v32, $0x5;
	v3 =	vld [tilespmem:$0x1FDC0]  }
0x9f: {  	v37 =	vor.u32 v0, v32;
	v54 =	vld [tilespmem:$0x1FDD0]  }
0xa0: {  	v32 =	vor.u32 v2, v37;
	v7 =	vld [tilespmem:$0x1FE80]  }
0xa1: {  	v1 =	vor.u32 v41, v37;
	v8 =	vld [tilespmem:$0x1FE90]  }
0xa2: {  	v49 =	vor.u32 v46, v37;
	v12 =	vld [tilespmem:$0x1FEE0]  }
0xa3: {  	v35 =	vor.u32 v57, v37;
	[sflag:s3] =	ssyncset.done @!p0 $0x0;
	v17 =	vld [tilespmem:$0x1FF10]  }
0xa4: {  	v36 =	vor.u32 v38, v37;
	v13 =	vld [tilespmem:$0x1FF00];
	[sflag:s3] =	ssyncadd.s32 @!p0 $0xFFFFF000  }
0xa5: {  	v50 =	vor.u32 v56, v37;
	v57 =	vld.idx.msk [tilespmem:v32+s11+$0x0], $0xffff  }
0xa6: {  	v42 =	vor.u32 v42, v37;
	v4 =	vld.idx.msk [tilespmem:v1+s11+$0x0], $0xffff  }
0xa7: {  	v5 =	vld.idx.msk [tilespmem:v49+s11+$0x0], $0xffff  }
0xa8: {  	v44 =	vld.idx.msk [tilespmem:v35+s11+$0x0], $0xffff  }
0xa9: {  	v55 =	vor.u32 v45, v37;
	v58 =	vor.u32 v43, v37;
	v45 =	vld.idx.msk [tilespmem:v36+s11+$0x0], $0xffff  }
0xaa: {  	v48 =	vor.u32 v33, v37;
	v38 =	vld.idx.msk [tilespmem:v50+s11+$0x0], $0xffff;
	v7 =	vcombine.low v7, v8  }
0xab: {  	v59 =	vor.u32 v51, v37;
	v51 =	vld.idx.msk [tilespmem:v42+s11+$0x0], $0xffff  }
0xac: {  	v62 =	vor.u32 v6, v37;
	v8 =	vld [tilespmem:$0x1FE70];
	[tilespmem:$0x1FD50] =	vst v7;
	v42 =	vor.u32 v7, v37;
	v7 =	vsel vm0, v12, v17  }
0xad: {  	v63 =	vor.u32 v53, v37;
	[tilespmem:$0x1FD60] =	vst v7;
	v7 =	vld [tilespmem:$0x1FE60]  }
0xae: {  	v36 =	vld.idx.msk [tilespmem:v58+s11+$0x0], $0xffff  }
0xaf: {  	v48 =	vld.idx.msk [tilespmem:v48+s11+$0x0], $0xffff  }
0xb0: {  	s8 =	sand.u32 $0xC00, s29;
	s4 =	sand.u32 $0x70, s29;
	v49 =	vor.u32 v47, v37;
	v58 =	vld.idx.msk [tilespmem:v59+s11+$0x0], $0xffff  }
0xb1: {  	s7 =	sor.u32 s4, s8;
	v2 =	vld.idx.msk [tilespmem:v62+s11+$0x0], $0xffff;
	v52 =	vor.u32 v3, v37  }
0xb2: {  	v34 =	vmov v60;
	v47 =	vor.u32 s7, v60;
	v60 =	vld.idx.msk [tilespmem:v63+s11+$0x0], $0xffff;
	v7 =	vcombine.low v7, v8  }
0xb3: {  	v39 =	vor.u32 v54, v37;
	v8 =	vld [tilespmem:$0x1FE50]  }
0xb4: {  	v54 =	vor.u32 s7, v61;
	[tilespmem:$0x1FD70] =	vst v7;
	v7 =	vld [tilespmem:$0x1FE20]  }
0xb5: {  	v49 =	vld.idx.msk [tilespmem:v49+s11+$0x0], $0xffff  }
0xb6: {  	v3 =	vld.idx.msk [tilespmem:v52+s11+$0x0], $0xffff  }
0xb7: {  	v52 =	vld.idx.msk [tilespmem:v55+s11+$0x0], $0xffff;
	v55 =	vor.u32 s7, v19  }
0xb8: {  	v59 =	vor.u32 s7, v20;
	v50 =	vld.idx.msk [tilespmem:v39+s11+$0x0], $0xffff;
	[tilespmem:v47+s14+$0x0] =	vst.idx.msk $0xffff, v36  }
0xb9: {  	v62 =	vor.u32 s7, v18;
	[tilespmem:v54+s14+$0x0] =	vst.idx.msk $0xffff, v4;
	v54 =	vsel vm0, v7, v8;
	v7 =	vld [tilespmem:$0x1FEF0];
	_ =	sdelay $0x1  }
0xba: {  	v63 =	vor.u32 s7, v21  }
0xbb: {  	v9 =	vld [tilespmem:$0x1FEB0];
	v4 =	vor.u32 s7, v23;
	[tilespmem:v55+s14+$0x0] =	vst.idx.msk $0xffff, v48  }
0xbc: {  	v10 =	vld [tilespmem:$0x1FEC0];
	v32 =	vor.u32 s7, v24;
	[tilespmem:v59+s14+$0x0] =	vst.idx.msk $0xffff, v38  }
0xbd: {  	v11 =	vld [tilespmem:$0x1FED0];
	v38 =	vor.u32 s7, v25;
	[tilespmem:v62+s14+$0x0] =	vst.idx.msk $0xffff, v5;
	v8 =	vsel vm0, v13, v7  }
0xbe: {  	v5 =	vor.u32 s7, v26;
	[tilespmem:$0x1FD80] =	vst v8;
	v8 =	vld [tilespmem:$0x1FEA0]  }
0xbf: {  	[tilespmem:v63+s14+$0x0] =	vst.idx.msk $0xffff, v49  }
0xc0: {  	v39 =	vor.u32 s7, v27;
	[tilespmem:v4+s14+$0x0] =	vst.idx.msk $0xffff, v60  }
0xc1: {  	v43 =	vor.u32 s7, v28;
	[tilespmem:v32+s14+$0x0] =	vst.idx.msk $0xffff, v58  }
0xc2: {  	v58 =	vor.u32 s7, v29;
	[tilespmem:v38+s14+$0x0] =	vst.idx.msk $0xffff, v45  }
0xc3: {  	v59 =	vor.u32 s7, v30;
	v4 =	vsel vm0, v11, v10;
	[tilespmem:v5+s14+$0x0] =	vst.idx.msk $0xffff, v52;
	v5 =	vld [tilespmem:$0x1FE10];
	v22 =	vsel vm0, v9, v8  }
0xc4: {  	v55 =	vsel vm0, v17, v13;
	[tilespmem:$0x1FD90] =	vst v4;
	v13 =	vcombine.low v22, v4;
	v4 =	vld [tilespmem:$0x1FDE0]  }
0xc5: {  	[tilespmem:v39+s14+$0x0] =	vst.idx.msk $0xffff, v51  }
0xc6: {  	[tilespmem:v43+s14+$0x0] =	vst.idx.msk $0xffff, v3;
	v53 =	vsel vm0, v7, v12;
	v7 =	vld [tilespmem:$0x1FE40]  }
0xc7: {  	v32 =	vor.u32 s7, v31;
	[tilespmem:v58+s14+$0x0] =	vst.idx.msk $0xffff, v44;
	v58 =	vld [tilespmem:$0x1FDF0]  }
0xc8: {  	v43 =	vor.u32 s7, v40;
	[tilespmem:v59+s14+$0x0] =	vst.idx.msk $0xffff, v50;
	v59 =	vld [tilespmem:$0x1FE00]  }
0xc9: {  	v4 =	vsel vm0, v4, v5;
	v5 =	vld [tilespmem:$0x1FE30];
	_ =	sdelay $0x1  }
0xca: {  	v62 =	vcombine.low v53, v55  }
0xcb: {  	v47 =	vsel vm0, v10, v9;
	v63 =	vcombine.low v55, v53;
	[tilespmem:v32+s14+$0x0] =	vst.idx.msk $0xffff, v2  }
0xcc: {  	v39 =	vmov v21;
	v48 =	vor.u32 v62, v37;
	[tilespmem:v43+s14+$0x0] =	vst.idx.msk $0xffff, v57;
	v49 =	vsel vm0, v8, v11  }
0xcd: {  	[tilespmem:$0x1FDB0] =	vst v63;
	v1 =	vsel vm0, v59, v58;
	v60 =	vcombine.low v47, v49;
	v35 =	vsel vm0, v7, v5  }
0xce: {  	v57 =	vmovc v46;
	v46 =	vmovc v0;
	v58 =	vmov v41;
	v38 =	vcombine.low v1, v4;
	v36 =	vcombine.low v35, v54  }
0xcf: {  	[tilespmem:$0x1FDA0] =	vst v22;
	v50 =	vor.u32 v13, v37;
	v8 =	vcombine.low v54, v35;
	v35 =	vcombine.low v4, v1  }
0xd0: {  	v55 =	vmovc v13;
	v45 =	vor.u32 v38, v37;
	v7 =	vcombine.low v49, v47;
	v49 =	vor.u32 v60, v37  }
0xd1: {  	s4 =	simm.s32 $0x0;
	s3 =	simm.s32 $0x80;
	v22 =	vmovc v18;
	v47 =	vmovc v33;
	v33 =	vmov v6;
	v44 =	vor.u32 v36, v37;
	v43 =	vor.u32 v35, v37  }
.LBB2_4:
0xd2: {  	v0 =	vld [tilespmem:$0x1FD90]  }
0xd3: {  	v1 =	vld [tilespmem:$0x1FDA0]  }
0xd4: {  	v54 =	vld [tilespmem:$0x1FD60]  }
0xd5: {  	v59 =	vld [tilespmem:$0x1FD80]  }
0xd6: {  	v49 =	vld.idx.msk [tilespmem:v49+s11+$0x0], $0xffff  }
0xd7: {  	v63 =	vld [tilespmem:$0x1FD70]  }
0xd8: {  	v44 =	vld.idx.msk [tilespmem:v44+s11+$0x0], $0xffff  }
0xd9: {  	v45 =	vld.idx.msk [tilespmem:v45+s11+$0x0], $0xffff;
	v32 =	vor.u32 v15, v37  }
0xda: {  	v2 =	vor.u32 v16, v37;
	v3 =	vld [tilespmem:$0x1FDB0]  }
0xdb: {  	v48 =	vld.idx.msk [tilespmem:v48+s11+$0x0], $0xffff  }
0xdc: {  	v50 =	vld.idx.msk [tilespmem:v50+s11+$0x0], $0xffff;
	v53 =	vor.u32 v63, v37  }
0xdd: {  	s4 =	sadd.s32 $0x10, s4;
	v51 =	vcombine.low v0, v1;
	v0 =	vor.u32 v14, v37;
	v1 =	vld.idx.msk [tilespmem:v42+s11+$0x0], $0xffff  }
0xde: {  	v5 =	vmov s4;
	v52 =	vcombine.low v54, v59;
	v54 =	vor.u32 v7, v37;
	v42 =	vld.idx.msk [tilespmem:v32+s11+$0x0], $0xffff  }
0xdf: {  	v5 =	vshll.u32 v5, $0x5;
	v63 =	vmovc v55;
	v55 =	vor.u32 v8, v37;
	v59 =	vor.u32 v3, v37;
	v2 =	vld.idx.msk [tilespmem:v2+s11+$0x0], $0xffff  }
0xe0: {  	v52 =	vor.u32 v52, v37;
	v51 =	vor.u32 v51, v37;
	v37 =	vor.u32 v46, v5;
	v5 =	vld.idx.msk [tilespmem:v43+s11+$0x0], $0xffff  }
0xe1: {  	s7 =	sor.u32 $0x2000, s7;
	v53 =	vld.idx.msk [tilespmem:v53+s11+$0x0], $0xffff  }
0xe2: {  	v3 =	vor.u32 s7, v34;
	v0 =	vld.idx.msk [tilespmem:v0+s11+$0x0], $0xffff  }
0xe3: {  	v4 =	vor.u32 s7, v61;
	v54 =	vld.idx.msk [tilespmem:v54+s11+$0x0], $0xffff  }
0xe4: {  	v6 =	vor.u32 s7, v19;
	v55 =	vld.idx.msk [tilespmem:v55+s11+$0x0], $0xffff  }
0xe5: {  	v21 =	vmov v8;
	v8 =	vor.u32 s7, v20;
	v51 =	vld.idx.msk [tilespmem:v51+s11+$0x0], $0xffff  }
0xe6: {  	v32 =	vmov v7;
	v7 =	vld.idx.msk [tilespmem:v59+s11+$0x0], $0xffff;
	v59 =	vor.u32 s7, v22  }
0xe7: {  	v52 =	vld.idx.msk [tilespmem:v52+s11+$0x0], $0xffff;
	[tilespmem:v3+s14+$0x0] =	vst.idx.msk $0xffff, v0;
	v0 =	vor.u32 s7, v39  }
0xe8: {  	[tilespmem:v4+s14+$0x0] =	vst.idx.msk $0xffff, v42;
	v4 =	vor.u32 s7, v23  }
0xe9: {  	[tilespmem:v6+s14+$0x0] =	vst.idx.msk $0xffff, v2;
	v2 =	vor.u32 s7, v24  }
0xea: {  	[tilespmem:v8+s14+$0x0] =	vst.idx.msk $0xffff, v51;
	v8 =	vor.u32 s7, v25  }
0xeb: {  	[tilespmem:v59+s14+$0x0] =	vst.idx.msk $0xffff, v7;
	v7 =	vor.u32 s7, v26  }
0xec: {  	[tilespmem:v0+s14+$0x0] =	vst.idx.msk $0xffff, v5;
	v0 =	vor.u32 s7, v27  }
0xed: {  	v41 =	vld [tilespmem:$0x1FF90];
	[tilespmem:v4+s14+$0x0] =	vst.idx.msk $0xffff, v55;
	v4 =	vor.u32 s7, v28  }
0xee: {  	[tilespmem:v2+s14+$0x0] =	vst.idx.msk $0xffff, v54;
	v54 =	vor.u32 s7, v29  }
0xef: {  	v12 =	vld [tilespmem:$0x1FF40];
	[tilespmem:v8+s14+$0x0] =	vst.idx.msk $0xffff, v52;
	v8 =	vor.u32 s7, v30  }
0xf0: {  	v18 =	vld [tilespmem:$0x1FF20];
	[tilespmem:v7+s14+$0x0] =	vst.idx.msk $0xffff, v53;
	v7 =	vor.u32 s7, v31  }
0xf1: {  	v59 =	vmov v16;
	v16 =	vld [tilespmem:$0x1FFE0];
	v52 =	vor.u32 s7, v40;
	[tilespmem:v0+s14+$0x0] =	vst.idx.msk $0xffff, v1  }
0xf2: {  	v13 =	vld [tilespmem:$0x1FFD0];
	v41 =	vor.u32 v41, v37;
	[tilespmem:v4+s14+$0x0] =	vst.idx.msk $0xffff, v50  }
0xf3: {  	v17 =	vmov v14;
	v14 =	vld [tilespmem:$0x1FFF0];
	v10 =	vor.u32 v58, v37;
	[tilespmem:v54+s14+$0x0] =	vst.idx.msk $0xffff, v48  }
0xf4: {  	v11 =	vor.u32 v57, v37;
	v5 =	vld [tilespmem:$0x1FDC0];
	[tilespmem:v8+s14+$0x0] =	vst.idx.msk $0xffff, v45  }
0xf5: {  	v51 =	vor.u32 v18, v37;
	v18 =	vmov v15;
	v15 =	vld [tilespmem:$0x1FDD0];
	[tilespmem:v7+s14+$0x0] =	vst.idx.msk $0xffff, v44  }
0xf6: {  	v6 =	vld [tilespmem:$0x1FF50];
	v16 =	vor.u32 v16, v37;
	[tilespmem:v52+s14+$0x0] =	vst.idx.msk $0xffff, v49  }
0xf7: {  	v3 =	vor.u32 v56, v37;
	v0 =	vld.idx.msk [tilespmem:v41+s11+$0x0], $0xffff  }
0xf8: {  	v2 =	vld.idx.msk [tilespmem:v10+s11+$0x0], $0xffff  }
0xf9: {  	v5 =	vor.u32 v5, v37;
	v4 =	vld.idx.msk [tilespmem:v11+s11+$0x0], $0xffff  }
0xfa: {  	v15 =	vor.u32 v15, v37;
	v7 =	vld.idx.msk [tilespmem:v51+s11+$0x0], $0xffff  }
0xfb: {  	v14 =	vor.u32 v14, v37;
	v8 =	vld.idx.msk [tilespmem:v16+s11+$0x0], $0xffff  }
0xfc: {  	v9 =	vlaneseq.u32;
	v6 =	vor.u32 v6, v37;
	v3 =	vld.idx.msk [tilespmem:v3+s11+$0x0], $0xffff  }
0xfd: {  	v9 =	vor.u32 v9, v37;
	v10 =	vld [tilespmem:$0x1FF70]  }
0xfe: {  	v43 =	vor.u32 v47, v37;
	v5 =	vld.idx.msk [tilespmem:v5+s11+$0x0], $0xffff  }
0xff: {  	s8 =	smov.u32 s3;
	v13 =	vor.u32 v13, v37;
	v11 =	vld.idx.msk [tilespmem:v15+s11+$0x0], $0xffff  }
0x100: {  	v53 =	vor.u32 v33, v37;
	s7 =	sand.u32 $0xC00, s8;
	s8 =	sand.u32 $0x70, s4;
	v14 =	vld.idx.msk [tilespmem:v14+s11+$0x0], $0xffff  }
0x101: {  	v12 =	vor.u32 v12, v37;
	s7 =	sor.u32 s8, s7;
	v6 =	vld.idx.msk [tilespmem:v6+s11+$0x0], $0xffff  }
0x102: {  	v9 =	vld.idx.msk [tilespmem:v9+s11+$0x0], $0xffff;
	v16 =	vor.u32 s7, v34;
	v10 =	vor.u32 v10, v37  }
0x103: {  	v54 =	vor.u32 s7, v61;
	v15 =	vld.idx.msk [tilespmem:v43+s11+$0x0], $0xffff  }
0x104: {  	v48 =	vor.u32 s7, v19;
	v13 =	vld.idx.msk [tilespmem:v13+s11+$0x0], $0xffff  }
0x105: {  	v49 =	vor.u32 s7, v20;
	v1 =	vld.idx.msk [tilespmem:v53+s11+$0x0], $0xffff  }
0x106: {  	v50 =	vor.u32 s7, v22;
	v12 =	vld.idx.msk [tilespmem:v12+s11+$0x0], $0xffff  }
0x107: {  	v10 =	vld.idx.msk [tilespmem:v10+s11+$0x0], $0xffff;
	[tilespmem:v16+s14+$0x0] =	vst.idx.msk $0xffff, v9;
	v9 =	vor.u32 s7, v39  }
0x108: {  	v51 =	vor.u32 s7, v23;
	[tilespmem:v54+s14+$0x0] =	vst.idx.msk $0xffff, v2  }
0x109: {  	[tilespmem:v48+s14+$0x0] =	vst.idx.msk $0xffff, v15;
	v15 =	vor.u32 s7, v24  }
0x10a: {  	v52 =	vor.u32 s7, v25;
	[tilespmem:v49+s14+$0x0] =	vst.idx.msk $0xffff, v3  }
0x10b: {  	[tilespmem:v50+s14+$0x0] =	vst.idx.msk $0xffff, v4;
	v4 =	vor.u32 s7, v26  }
0x10c: {  	[tilespmem:v9+s14+$0x0] =	vst.idx.msk $0xffff, v10;
	v9 =	vor.u32 s7, v27  }
0x10d: {  	v42 =	vld [tilespmem:$0x1FD50];
	v53 =	vor.u32 s7, v28;
	[tilespmem:v51+s14+$0x0] =	vst.idx.msk $0xffff, v12  }
0x10e: {  	v10 =	vor.u32 s7, v29;
	[tilespmem:v15+s14+$0x0] =	vst.idx.msk $0xffff, v13  }
0x10f: {  	v54 =	vor.u32 s7, v30;
	[tilespmem:v52+s14+$0x0] =	vst.idx.msk $0xffff, v8  }
0x110: {  	[tilespmem:v4+s14+$0x0] =	vst.idx.msk $0xffff, v6;
	v4 =	vor.u32 s7, v31  }
0x111: {  	p0 =	sne.s32 s3, $0xF80;
	v6 =	vor.u32 s7, v40;
	[tilespmem:v9+s14+$0x0] =	vst.idx.msk $0xffff, v14  }
.Ltmp0:
0x112: {  	v42 =	vor.u32 v42, v37;
	[tilespmem:v53+s14+$0x0] =	vst.idx.msk $0xffff, v5;
	(pc) =	sbr.rel @p0 .LBB2_4-.Ltmp0, $4  }
0x113: {  	v45 =	vor.u32 v38, v37;
	v44 =	vor.u32 v36, v37;
	[tilespmem:v10+s14+$0x0] =	vst.idx.msk $0xffff, v7  }
0x114: {  	v43 =	vor.u32 v35, v37;
	v48 =	vor.u32 v62, v37;
	[tilespmem:v54+s14+$0x0] =	vst.idx.msk $0xffff, v11  }
0x115: {  	v55 =	vmov v63;
	v49 =	vor.u32 v60, v37;
	v50 =	vor.u32 v63, v37;
	[tilespmem:v4+s14+$0x0] =	vst.idx.msk $0xffff, v1  }
0x116: {  	s3 =	sadd.s32 $0x80, s3;
	v16 =	vmovc v59;
	v15 =	vmovc v18;
	v8 =	vmov v21;
	v14 =	vmov v17;
	v7 =	vmov v32;
	[tilespmem:v6+s14+$0x0] =	vst.idx.msk $0xffff, v0  }
0x117: {  	_ = 	snop  }
0x118: {  	v0 =	vld [tilespmem:$0x1FD60]  }
0x119: {  	v1 =	vld [tilespmem:$0x1FD80]  }
0x11a: {  	[tilespmem:$0x1FD10] =	vst v38;
	v38 =	vld [tilespmem:$0x1FD70]  }
0x11b: {  	v2 =	vld.idx.msk [tilespmem:v44+s11+$0x0], $0xffff  }
0x11c: {  	v4 =	vld.idx.msk [tilespmem:v45+s11+$0x0], $0xffff  }
0x11d: {  	v6 =	vld.idx.msk [tilespmem:v48+s11+$0x0], $0xffff  }
0x11e: {  	v11 =	vld [tilespmem:$0x1FD90]  }
0x11f: {  	v12 =	vld [tilespmem:$0x1FDA0]  }
0x120: {  	v5 =	vor.u32 v7, v37;
	v41 =	vor.u32 v8, v37;
	v8 =	vld.idx.msk [tilespmem:v50+s11+$0x0], $0xffff  }
0x121: {  	v10 =	vld.idx.msk [tilespmem:v42+s11+$0x0], $0xffff  }
0x122: {  	v9 =	vor.u32 v14, v37;
	v45 =	vld [tilespmem:$0x1FDB0]  }
0x123: {  	v53 =	vmov v56;
	v42 =	vor.u32 v15, v37;
	v54 =	vld.idx.msk [tilespmem:v43+s11+$0x0], $0xffff  }
0x124: {  	v44 =	vor.u32 v16, v37;
	v56 =	vcombine.low v0, v1;
	v0 =	vld.idx.msk [tilespmem:v49+s11+$0x0], $0xffff;
	v49 =	vcombine.low v11, v12  }
0x125: {  	v1 =	vor.u32 v38, v37;
	v5 =	vld.idx.msk [tilespmem:v5+s11+$0x0], $0xffff  }
0x126: {  	v7 =	vld.idx.msk [tilespmem:v41+s11+$0x0], $0xffff;
	v13 =	vor.u32 v49, v37  }
0x127: {  	s3 =	sor.u32 $0x2000, s7;
	v14 =	vor.u32 v45, v37;
	v9 =	vld.idx.msk [tilespmem:v9+s11+$0x0], $0xffff  }
0x128: {  	v15 =	vor.u32 s3, v34;
	v11 =	vld.idx.msk [tilespmem:v42+s11+$0x0], $0xffff;
	v3 =	vor.u32 v56, v37  }
0x129: {  	v16 =	vor.u32 s3, v61;
	v12 =	vld.idx.msk [tilespmem:v44+s11+$0x0], $0xffff  }
0x12a: {  	v48 =	vor.u32 s3, v19;
	v1 =	vld.idx.msk [tilespmem:v1+s11+$0x0], $0xffff  }
0x12b: {  	v50 =	vor.u32 s3, v20;
	v13 =	vld.idx.msk [tilespmem:v13+s11+$0x0], $0xffff  }
0x12c: {  	[tilespmem:$0x1FD40] =	vst v62;
	v41 =	vor.u32 s3, v22;
	v14 =	vld.idx.msk [tilespmem:v14+s11+$0x0], $0xffff  }
0x12d: {  	v62 =	vor.u32 s3, v39;
	v3 =	vld.idx.msk [tilespmem:v3+s11+$0x0], $0xffff;
	[tilespmem:v15+s14+$0x0] =	vst.idx.msk $0xffff, v9  }
0x12e: {  	v42 =	vor.u32 s3, v23;
	[tilespmem:v16+s14+$0x0] =	vst.idx.msk $0xffff, v11  }
0x12f: {  	v43 =	vor.u32 s3, v24;
	[tilespmem:v48+s14+$0x0] =	vst.idx.msk $0xffff, v12  }
0x130: {  	v44 =	vor.u32 s3, v25;
	[tilespmem:v50+s14+$0x0] =	vst.idx.msk $0xffff, v13  }
0x131: {  	v45 =	vor.u32 s3, v26;
	[tilespmem:v41+s14+$0x0] =	vst.idx.msk $0xffff, v14  }
0x132: {  	v48 =	vor.u32 s3, v27;
	[tilespmem:v62+s14+$0x0] =	vst.idx.msk $0xffff, v54  }
0x133: {  	v50 =	vor.u32 s3, v28;
	[tilespmem:v42+s14+$0x0] =	vst.idx.msk $0xffff, v7  }
0x134: {  	v54 =	vor.u32 s3, v29;
	[tilespmem:v43+s14+$0x0] =	vst.idx.msk $0xffff, v5  }
0x135: {  	v62 =	vor.u32 s3, v30;
	[tilespmem:v44+s14+$0x0] =	vst.idx.msk $0xffff, v3  }
0x136: {  	v12 =	vor.u32 s3, v31;
	[tilespmem:v45+s14+$0x0] =	vst.idx.msk $0xffff, v1  }
0x137: {  	v13 =	vor.u32 s3, v40;
	[tilespmem:v48+s14+$0x0] =	vst.idx.msk $0xffff, v10  }
0x138: {  	[tilespmem:v50+s14+$0x0] =	vst.idx.msk $0xffff, v8  }
0x139: {  	s3 =	sshll.u32 s9, $0xD;
	[tilespmem:v54+s14+$0x0] =	vst.idx.msk $0xffff, v6  }
0x13a: {  	s4 =	sor.u32 s30, s3;
	[tilespmem:v62+s14+$0x0] =	vst.idx.msk $0xffff, v4  }
0x13b: {  	s4 =	sshrl.u32 s4, $0x3;
	[tilespmem:v12+s14+$0x0] =	vst.idx.msk $0xffff, v2  }
0x13c: {  	s7 =	sor.u32 s31, s3;
	s4 =	sadd.s32 s0, s4;
	[tilespmem:v13+s14+$0x0] =	vst.idx.msk $0xffff, v0  }
0x13d: {  	[hbm4b:s4+s1] =	stream.linear.scatter [tilespmem:s14], [sflag:$0x3], $0x1000, $0x38;
	[tilespmem:$0x14000] =	vst v63  }
0x13e: {  	s4 =	sshrl.u32 s7, $0x3  }
0x13f: {  	s8 =	sor.u32 s2, s3;
	s4 =	sadd.s32 s0, s4  }
0x140: {  	[hbm4b:s4+s1] =	stream.linear.scatter [tilespmem:s16], [sflag:$0x3], $0x1000, $0x38;
	[tilespmem:$0x14000] =	vst v63  }
0x141: {  	[tilespmem:$0x1FD00] =	vst v35;
	s3 =	sor.u32 s5, s3;
	s4 =	sshrl.u32 s8, $0x3  }
0x142: {  	[tilespmem:$0x1FD20] =	vst v36;
	v52 =	vld [tilespmem:$0x1FF90];
	s3 =	sshrl.u32 s3, $0x3;
	s4 =	sadd.s32 s0, s4  }
0x143: {  	v55 =	vld [tilespmem:$0x1FFF0];
	[hbm4b:s4+s1] =	stream.linear.scatter [tilespmem:s17], [sflag:$0x3], $0x1000, $0x38  }
0x144: {  	[tilespmem:$0x1FD30] =	vst v60;
	v33 =	vld [tilespmem:$0x1FFE0];
	p0 =	seq.s32 s9, $0xF;
	s3 =	sadd.s32 s0, s3  }
0x145: {  	v51 =	vld [tilespmem:$0x1FFD0];
	[hbm4b:s3+s1] =	stream.linear.scatter [tilespmem:s18], [sflag:$0x3], $0x1000, $0x38  }
0x146: {  	v60 =	vld [tilespmem:$0x1FF70];
	p1 =	seq.s32 @!p0 s9, $0x0;
	s3 =	sshll.u32 @!p0 s9, $0xA;
	_ =	swait.ge [sflag:s19], $0x4000  }
0x147: {  	s7 =	simm.s32 @!p0 $0x4000;
	s3 =	sand.u32 @!p0 $0x3FFFFC00, s3;
	[sflag:s19] =	ssyncset.done $0x0  }
0x148: {  	s4 =	simm.s32 @!p0 $0x200;
	s3 =	sadd.s32 @!p0 $0x400, s3;
	[sflag:s19] =	ssyncadd.s32 $0xFFFFC000  }
0x149: {  	[tilespmem:s7], [sflag:$0x1] =	stream.indirect.gather @!p0 [hbm4b:s6+s4], $0x20, s3, s4, $0xb8;
	[tilespmem:$0x14000] =	vst v63  }
0x14a: {  	p0 =	por p0, !p1  }
0x14b: {  	_ =	swait.ge @p0 [sflag:s25], $0x1000  }
0x14c: {  	[sflag:s25] =	ssyncset.done @p0 $0x0  }
0x14d: {  	[sflag:s25] =	ssyncadd.s32 @p0 $0xFFFFF000  }
0x14e: {  	_ =	swait.ge @p0 [sflag:s25], $0x1000  }
0x14f: {  	[sflag:s25] =	ssyncset.done @p0 $0x0  }
0x150: {  	s3 =	simm.s32 $0x0;
	[sflag:s25] =	ssyncadd.s32 @p0 $0xFFFFF000  }
0x151: {  	v14 =	vmov s3;
	_ =	swait.ge @p0 [sflag:s25], $0x1000  }
0x152: {  	v0 =	vshll.u32 v14, $0x5;
	[sflag:s25] =	ssyncset.done @p0 $0x0  }
0x153: {  	v37 =	vor.u32 v46, v0;
	[sflag:s25] =	ssyncadd.s32 @p0 $0xFFFFF000  }
0x154: {  	v0 =	vor.u32 v51, v37;
	_ =	swait.ge @p0 [sflag:s25], $0x1000  }
0x155: {  	v50 =	vmov v34;
	v33 =	vor.u32 v33, v37;
	v34 =	vor.u32 v58, v37;
	v58 =	vld [tilespmem:$0x1FDC0]  }
0x156: {  	v46 =	vld [tilespmem:$0x1FF50]  }
0x157: {  	v35 =	vor.u32 v52, v37;
	[sflag:s25] =	ssyncset.done @p0 $0x0;
	v16 =	vld [tilespmem:$0x1FF40]  }
0x158: {  	v62 =	vmov v39;
	v38 =	vor.u32 v60, v37;
	v39 =	vor.u32 v57, v37;
	v57 =	vld [tilespmem:$0x1FF20];
	[sflag:s25] =	ssyncadd.s32 @p0 $0xFFFFF000  }
0x159: {  	v0 =	vld.idx.msk [tilespmem:v0+s13+$0x0], $0xffff  }
0x15a: {  	v1 =	vld.idx.msk [tilespmem:v33+s13+$0x0], $0xffff  }
0x15b: {  	v2 =	vld.idx.msk [tilespmem:v34+s13+$0x0], $0xffff  }
0x15c: {  	v41 =	vor.u32 v53, v37;
	v3 =	vld.idx.msk [tilespmem:v35+s13+$0x0], $0xffff  }
0x15d: {  	v48 =	vlaneseq.u32;
	v43 =	vor.u32 v55, v37;
	v4 =	vld.idx.msk [tilespmem:v38+s13+$0x0], $0xffff  }
0x15e: {  	v10 =	vor.u32 v48, v37;
	v5 =	vld.idx.msk [tilespmem:v39+s13+$0x0], $0xffff  }
0x15f: {  	v51 =	vor.u32 v47, v37;
	v34 =	vld [tilespmem:$0x1FDD0]  }
0x160: {  	v42 =	vor.u32 v58, v37;
	v9 =	vor.u32 v46, v37;
	v46 =	vld [tilespmem:$0x1FF30]  }
0x161: {  	v6 =	vld.idx.msk [tilespmem:v41+s13+$0x0], $0xffff  }
0x162: {  	v8 =	vld.idx.msk [tilespmem:v43+s13+$0x0], $0xffff;
	v52 =	vor.u32 v16, v37  }
0x163: {  	s7 =	sand.u32 $0xC00, s3;
	s8 =	sand.u32 $0x70, s3;
	v10 =	vld.idx.msk [tilespmem:v10+s13+$0x0], $0xffff;
	v54 =	vor.u32 v57, v37  }
0x164: {  	s7 =	sor.u32 s8, s7;
	v11 =	vld.idx.msk [tilespmem:v51+s13+$0x0], $0xffff;
	v15 =	vor.u32 v34, v37  }
0x165: {  	v36 =	vmovc v22;
	v22 =	vmov v16;
	v16 =	vor.u32 s7, v50;
	v7 =	vld.idx.msk [tilespmem:v42+s13+$0x0], $0xffff;
	v53 =	vor.u32 v46, v37  }
0x166: {  	v55 =	vor.u32 s7, v61;
	v9 =	vld.idx.msk [tilespmem:v9+s13+$0x0], $0xffff  }
0x167: {  	v60 =	vor.u32 s7, v19;
	v12 =	vld.idx.msk [tilespmem:v52+s13+$0x0], $0xffff  }
0x168: {  	v33 =	vor.u32 s7, v20;
	v14 =	vld.idx.msk [tilespmem:v54+s13+$0x0], $0xffff  }
0x169: {  	v35 =	vor.u32 s7, v36;
	v15 =	vld.idx.msk [tilespmem:v15+s13+$0x0], $0xffff  }
0x16a: {  	v44 =	vor.u32 s7, v62;
	v13 =	vld.idx.msk [tilespmem:v53+s13+$0x0], $0xffff;
	[tilespmem:v16+s20+$0x0] =	vst.idx.msk $0xffff, v10  }
0x16b: {  	v45 =	vor.u32 s7, v23;
	[tilespmem:v55+s20+$0x0] =	vst.idx.msk $0xffff, v2  }
0x16c: {  	v47 =	vor.u32 s7, v24;
	[tilespmem:v60+s20+$0x0] =	vst.idx.msk $0xffff, v11  }
0x16d: {  	v48 =	vor.u32 s7, v25;
	[tilespmem:v33+s20+$0x0] =	vst.idx.msk $0xffff, v6  }
0x16e: {  	v51 =	vor.u32 s7, v26;
	[tilespmem:v35+s20+$0x0] =	vst.idx.msk $0xffff, v5  }
0x16f: {  	v52 =	vor.u32 s7, v27;
	[tilespmem:v44+s20+$0x0] =	vst.idx.msk $0xffff, v4  }
0x170: {  	v53 =	vor.u32 s7, v28;
	[tilespmem:v45+s20+$0x0] =	vst.idx.msk $0xffff, v12  }
0x171: {  	v54 =	vor.u32 s7, v29;
	[tilespmem:v47+s20+$0x0] =	vst.idx.msk $0xffff, v0  }
0x172: {  	v55 =	vor.u32 s7, v30;
	[tilespmem:v48+s20+$0x0] =	vst.idx.msk $0xffff, v1  }
0x173: {  	v60 =	vor.u32 s7, v31;
	v12 =	vld [tilespmem:$0x1FD00];
	[tilespmem:v51+s20+$0x0] =	vst.idx.msk $0xffff, v9  }
0x174: {  	v33 =	vld [tilespmem:$0x1FDB0];
	[tilespmem:v52+s20+$0x0] =	vst.idx.msk $0xffff, v8;
	v8 =	vor.u32 s7, v40  }
0x175: {  	v47 =	vld [tilespmem:$0x1FD70];
	v9 =	vor.u32 v56, v37;
	[tilespmem:v53+s20+$0x0] =	vst.idx.msk $0xffff, v7  }
0x176: {  	v10 =	vor.u32 v59, v37;
	v53 =	vld [tilespmem:$0x1FD30];
	[tilespmem:v54+s20+$0x0] =	vst.idx.msk $0xffff, v14  }
0x177: {  	v11 =	vor.u32 v49, v37;
	v54 =	vld [tilespmem:$0x1FD20];
	[tilespmem:v55+s20+$0x0] =	vst.idx.msk $0xffff, v15  }
0x178: {  	v5 =	vor.u32 v12, v37;
	v55 =	vld [tilespmem:$0x1FD10];
	[tilespmem:v60+s20+$0x0] =	vst.idx.msk $0xffff, v13  }
0x179: {  	v14 =	vor.u32 v32, v37;
	v60 =	vld [tilespmem:$0x1FD40];
	[tilespmem:v8+s20+$0x0] =	vst.idx.msk $0xffff, v3  }
0x17a: {  	v42 =	vld.idx.msk [tilespmem:v9+s13+$0x0], $0xffff  }
0x17b: {  	v13 =	vor.u32 v21, v37;
	v48 =	vld.idx.msk [tilespmem:v10+s13+$0x0], $0xffff  }
0x17c: {  	v35 =	vmov v49;
	v0 =	vor.u32 v53, v37;
	v49 =	vld.idx.msk [tilespmem:v11+s13+$0x0], $0xffff  }
0x17d: {  	v45 =	vld.idx.msk [tilespmem:v5+s13+$0x0], $0xffff  }
0x17e: {  	v44 =	vld.idx.msk [tilespmem:v14+s13+$0x0], $0xffff  }
0x17f: {  	v52 =	vor.u32 v55, v37;
	v55 =	vmov v56;
	v56 =	vld [tilespmem:$0x1FD50]  }
0x180: {  	v38 =	vor.u32 v63, v37;
	v51 =	vor.u32 v17, v37;
	v54 =	vor.u32 v54, v37;
	v43 =	vld.idx.msk [tilespmem:v13+s13+$0x0], $0xffff  }
0x181: {  	s4 =	simm.s32 $0x80;
	v53 =	vor.u32 v60, v37;
	v60 =	vmov v50;
	v50 =	vor.u32 v18, v37;
	v39 =	vld.idx.msk [tilespmem:v0+s13+$0x0], $0xffff  }
.LBB2_6:
0x182: {  	_ =	sdelay $0x2  }
0x183: {  	v0 =	vld.idx.msk [tilespmem:v54+s13+$0x0], $0xffff  }
0x184: {  	v1 =	vor.u32 v56, v37;
	v2 =	vld.idx.msk [tilespmem:v52+s13+$0x0], $0xffff  }
0x185: {  	v3 =	vor.u32 v33, v37;
	v4 =	vld.idx.msk [tilespmem:v53+s13+$0x0], $0xffff;
	s7 =	sor.u32 $0x2000, s7  }
0x186: {  	v5 =	vld.idx.msk [tilespmem:v51+s13+$0x0], $0xffff;
	v6 =	vor.u32 v47, v37;
	v8 =	vor.u32 s7, v60  }
0x187: {  	v7 =	vld.idx.msk [tilespmem:v50+s13+$0x0], $0xffff;
	v10 =	vor.u32 s7, v61  }
0x188: {  	v9 =	vld.idx.msk [tilespmem:v38+s13+$0x0], $0xffff;
	v11 =	vor.u32 s7, v19  }
0x189: {  	v12 =	vor.u32 s7, v20;
	v1 =	vld.idx.msk [tilespmem:v1+s13+$0x0], $0xffff  }
0x18a: {  	v13 =	vor.u32 s7, v36;
	v3 =	vld.idx.msk [tilespmem:v3+s13+$0x0], $0xffff  }
0x18b: {  	v52 =	vor.u32 s7, v62;
	v6 =	vld.idx.msk [tilespmem:v6+s13+$0x0], $0xffff;
	[tilespmem:v8+s20+$0x0] =	vst.idx.msk $0xffff, v5  }
0x18c: {  	v53 =	vor.u32 s7, v23;
	[tilespmem:v10+s20+$0x0] =	vst.idx.msk $0xffff, v7  }
0x18d: {  	v54 =	vor.u32 s7, v24;
	[tilespmem:v11+s20+$0x0] =	vst.idx.msk $0xffff, v48  }
0x18e: {  	v41 =	vor.u32 s7, v25;
	[tilespmem:v12+s20+$0x0] =	vst.idx.msk $0xffff, v49  }
0x18f: {  	v51 =	vld [tilespmem:$0x1FF60];
	v49 =	vor.u32 s7, v26;
	[tilespmem:v13+s20+$0x0] =	vst.idx.msk $0xffff, v3  }
0x190: {  	v14 =	vld [tilespmem:$0x1FFA0];
	v50 =	vor.u32 s7, v27;
	[tilespmem:v52+s20+$0x0] =	vst.idx.msk $0xffff, v45  }
0x191: {  	v16 =	vld [tilespmem:$0x1FFD0];
	v7 =	vor.u32 s7, v28;
	[tilespmem:v53+s20+$0x0] =	vst.idx.msk $0xffff, v43  }
0x192: {  	s3 =	sadd.s32 $0x10, s3;
	v53 =	vld [tilespmem:$0x1FF80];
	[tilespmem:v54+s20+$0x0] =	vst.idx.msk $0xffff, v44;
	v54 =	vor.u32 s7, v29  }
0x193: {  	v10 =	vor.u32 s7, v30;
	v48 =	vmov s3;
	v43 =	vld [tilespmem:$0x1FF90];
	[tilespmem:v41+s20+$0x0] =	vst.idx.msk $0xffff, v42  }
0x194: {  	v11 =	vshll.u32 v48, $0x5;
	v48 =	vld [tilespmem:$0x1FF50];
	v45 =	vor.u32 s7, v31;
	[tilespmem:v49+s20+$0x0] =	vst.idx.msk $0xffff, v6  }
0x195: {  	v37 =	vor.u32 v51, v11;
	v44 =	vld [tilespmem:$0x1FFB0];
	[tilespmem:v50+s20+$0x0] =	vst.idx.msk $0xffff, v1;
	v50 =	vor.u32 s7, v40  }
0x196: {  	v52 =	vlaneseq.u32;
	v16 =	vor.u32 v16, v37;
	[tilespmem:v7+s20+$0x0] =	vst.idx.msk $0xffff, v9  }
0x197: {  	v11 =	vor.u32 v52, v37;
	v52 =	vld [tilespmem:$0x1FFC0];
	v12 =	vor.u32 v53, v37;
	[tilespmem:v54+s20+$0x0] =	vst.idx.msk $0xffff, v4  }
0x198: {  	v49 =	vld [tilespmem:$0x1FFF0];
	v8 =	vor.u32 v43, v37;
	[tilespmem:v10+s20+$0x0] =	vst.idx.msk $0xffff, v2  }
0x199: {  	v14 =	vor.u32 v14, v37;
	v53 =	vld [tilespmem:$0x1FFE0];
	[tilespmem:v45+s20+$0x0] =	vst.idx.msk $0xffff, v0  }
0x19a: {  	v6 =	vor.u32 v48, v37;
	v13 =	vor.u32 v44, v37;
	v44 =	vld [tilespmem:$0x1FF70];
	[tilespmem:v50+s20+$0x0] =	vst.idx.msk $0xffff, v39  }
0x19b: {  	v0 =	vld.idx.msk [tilespmem:v16+s13+$0x0], $0xffff  }
0x19c: {  	v7 =	vor.u32 v52, v37;
	v3 =	vld.idx.msk [tilespmem:v12+s13+$0x0], $0xffff  }
0x19d: {  	v15 =	vor.u32 v22, v37;
	v8 =	vld.idx.msk [tilespmem:v8+s13+$0x0], $0xffff  }
0x19e: {  	v51 =	vor.u32 v57, v37;
	v10 =	vld.idx.msk [tilespmem:v14+s13+$0x0], $0xffff  }
0x19f: {  	v42 =	vor.u32 v34, v37;
	v6 =	vld.idx.msk [tilespmem:v6+s13+$0x0], $0xffff  }
0x1a0: {  	v11 =	vld.idx.msk [tilespmem:v11+s13+$0x0], $0xffff  }
0x1a1: {  	v54 =	vor.u32 v58, v37;
	v7 =	vld.idx.msk [tilespmem:v7+s13+$0x0], $0xffff  }
0x1a2: {  	s8 =	smov.u32 s4;
	v41 =	vor.u32 v49, v37;
	v15 =	vld.idx.msk [tilespmem:v15+s13+$0x0], $0xffff  }
0x1a3: {  	s7 =	sand.u32 $0xC00, s8;
	s8 =	sand.u32 $0x70, s3;
	v9 =	vor.u32 v53, v37;
	v5 =	vld.idx.msk [tilespmem:v51+s13+$0x0], $0xffff  }
0x1a4: {  	s7 =	sor.u32 s8, s7;
	v45 =	vor.u32 v46, v37;
	v42 =	vld.idx.msk [tilespmem:v42+s13+$0x0], $0xffff  }
0x1a5: {  	v49 =	vor.u32 s7, v60;
	v2 =	vor.u32 v44, v37;
	v48 =	vld.idx.msk [tilespmem:v13+s13+$0x0], $0xffff  }
0x1a6: {  	v16 =	vor.u32 s7, v61;
	v4 =	vld.idx.msk [tilespmem:v54+s13+$0x0], $0xffff  }
0x1a7: {  	v50 =	vor.u32 s7, v19;
	v13 =	vld.idx.msk [tilespmem:v41+s13+$0x0], $0xffff  }
0x1a8: {  	v51 =	vor.u32 s7, v20;
	v1 =	vld.idx.msk [tilespmem:v9+s13+$0x0], $0xffff  }
0x1a9: {  	v52 =	vor.u32 s7, v36;
	v9 =	vld.idx.msk [tilespmem:v45+s13+$0x0], $0xffff  }
0x1aa: {  	v53 =	vor.u32 s7, v62;
	v2 =	vld.idx.msk [tilespmem:v2+s13+$0x0], $0xffff;
	[tilespmem:v49+s20+$0x0] =	vst.idx.msk $0xffff, v11  }
0x1ab: {  	v54 =	vor.u32 s7, v23;
	[tilespmem:v16+s20+$0x0] =	vst.idx.msk $0xffff, v3  }
0x1ac: {  	v44 =	vor.u32 s7, v24;
	[tilespmem:v50+s20+$0x0] =	vst.idx.msk $0xffff, v7  }
0x1ad: {  	v45 =	vor.u32 s7, v25;
	[tilespmem:v51+s20+$0x0] =	vst.idx.msk $0xffff, v48  }
0x1ae: {  	v48 =	vor.u32 s7, v26;
	[tilespmem:v52+s20+$0x0] =	vst.idx.msk $0xffff, v10  }
0x1af: {  	v49 =	vor.u32 s7, v27;
	[tilespmem:v53+s20+$0x0] =	vst.idx.msk $0xffff, v2  }
0x1b0: {  	v50 =	vor.u32 s7, v28;
	[tilespmem:v54+s20+$0x0] =	vst.idx.msk $0xffff, v15  }
0x1b1: {  	v51 =	vor.u32 s7, v29;
	[tilespmem:v44+s20+$0x0] =	vst.idx.msk $0xffff, v0  }
0x1b2: {  	v52 =	vor.u32 s7, v30;
	[tilespmem:v45+s20+$0x0] =	vst.idx.msk $0xffff, v1  }
0x1b3: {  	v53 =	vor.u32 s7, v31;
	[tilespmem:v48+s20+$0x0] =	vst.idx.msk $0xffff, v6  }
0x1b4: {  	v54 =	vor.u32 s7, v40;
	[tilespmem:v49+s20+$0x0] =	vst.idx.msk $0xffff, v13  }
0x1b5: {  	v10 =	vor.u32 v55, v37;
	v13 =	vld [tilespmem:$0x1FD00];
	[tilespmem:v50+s20+$0x0] =	vst.idx.msk $0xffff, v4  }
0x1b6: {  	v11 =	vor.u32 v59, v37;
	v50 =	vld [tilespmem:$0x1FD30];
	[tilespmem:v51+s20+$0x0] =	vst.idx.msk $0xffff, v5  }
0x1b7: {  	v12 =	vor.u32 v35, v37;
	v51 =	vld [tilespmem:$0x1FD20];
	[tilespmem:v52+s20+$0x0] =	vst.idx.msk $0xffff, v42  }
0x1b8: {  	v14 =	vor.u32 v21, v37;
	v52 =	vld [tilespmem:$0x1FD10];
	[tilespmem:v53+s20+$0x0] =	vst.idx.msk $0xffff, v9  }
0x1b9: {  	v39 =	vor.u32 v32, v37;
	v53 =	vld [tilespmem:$0x1FD40];
	[tilespmem:v54+s20+$0x0] =	vst.idx.msk $0xffff, v8  }
0x1ba: {  	v4 =	vor.u32 v13, v37;
	v42 =	vld.idx.msk [tilespmem:v10+s13+$0x0], $0xffff  }
0x1bb: {  	p0 =	sne.s32 s4, $0xF80;
	v48 =	vld.idx.msk [tilespmem:v11+s13+$0x0], $0xffff;
	v0 =	vor.u32 v50, v37  }
.Ltmp1:
0x1bc: {  	v49 =	vld.idx.msk [tilespmem:v12+s13+$0x0], $0xffff;
	(pc) =	sbr.rel @p0 .LBB2_6-.Ltmp1, $4  }
0x1bd: {  	v43 =	vld.idx.msk [tilespmem:v14+s13+$0x0], $0xffff  }
0x1be: {  	v44 =	vld.idx.msk [tilespmem:v39+s13+$0x0], $0xffff  }
0x1bf: {  	v38 =	vor.u32 v63, v37;
	v50 =	vor.u32 v18, v37;
	v54 =	vor.u32 v51, v37;
	v45 =	vld.idx.msk [tilespmem:v4+s13+$0x0], $0xffff  }
0x1c0: {  	s4 =	sadd.s32 $0x80, s4;
	v51 =	vor.u32 v17, v37;
	v52 =	vor.u32 v52, v37;
	v53 =	vor.u32 v53, v37;
	v39 =	vld.idx.msk [tilespmem:v0+s13+$0x0], $0xffff  }
0x1c1: {  	_ =	sdelay $0x3  }
0x1c2: {  	v0 =	vld.idx.msk [tilespmem:v54+s13+$0x0], $0xffff  }
0x1c3: {  	v1 =	vor.u32 v56, v37;
	v2 =	vld.idx.msk [tilespmem:v52+s13+$0x0], $0xffff  }
0x1c4: {  	v3 =	vor.u32 v33, v37;
	v4 =	vld.idx.msk [tilespmem:v53+s13+$0x0], $0xffff;
	s3 =	sor.u32 $0x2000, s7  }
0x1c5: {  	v5 =	vld.idx.msk [tilespmem:v51+s13+$0x0], $0xffff;
	v6 =	vor.u32 v47, v37;
	v8 =	vor.u32 s3, v60  }
0x1c6: {  	v7 =	vld.idx.msk [tilespmem:v50+s13+$0x0], $0xffff;
	v10 =	vor.u32 s3, v61  }
0x1c7: {  	v9 =	vld.idx.msk [tilespmem:v38+s13+$0x0], $0xffff;
	v11 =	vor.u32 s3, v19  }
0x1c8: {  	v12 =	vor.u32 s3, v20;
	v1 =	vld.idx.msk [tilespmem:v1+s13+$0x0], $0xffff  }
0x1c9: {  	v13 =	vor.u32 s3, v36;
	v3 =	vld.idx.msk [tilespmem:v3+s13+$0x0], $0xffff  }
0x1ca: {  	v6 =	vld.idx.msk [tilespmem:v6+s13+$0x0], $0xffff;
	[tilespmem:v8+s20+$0x0] =	vst.idx.msk $0xffff, v5;
	v5 =	vor.u32 s3, v62  }
0x1cb: {  	[tilespmem:v10+s20+$0x0] =	vst.idx.msk $0xffff, v7;
	v7 =	vor.u32 s3, v23  }
0x1cc: {  	v8 =	vor.u32 s3, v24;
	[tilespmem:v11+s20+$0x0] =	vst.idx.msk $0xffff, v48  }
0x1cd: {  	v16 =	vmov v59;
	v59 =	vor.u32 s3, v25;
	[tilespmem:v12+s20+$0x0] =	vst.idx.msk $0xffff, v49  }
0x1ce: {  	[tilespmem:v13+s20+$0x0] =	vst.idx.msk $0xffff, v3;
	v3 =	vor.u32 s3, v26  }
0x1cf: {  	[tilespmem:v5+s20+$0x0] =	vst.idx.msk $0xffff, v45;
	v5 =	vor.u32 s3, v27  }
0x1d0: {  	[tilespmem:v7+s20+$0x0] =	vst.idx.msk $0xffff, v43;
	v7 =	vor.u32 s3, v28  }
0x1d1: {  	[tilespmem:v8+s20+$0x0] =	vst.idx.msk $0xffff, v44;
	v8 =	vor.u32 s3, v29  }
0x1d2: {  	v63 =	vor.u32 s3, v30;
	[tilespmem:v59+s20+$0x0] =	vst.idx.msk $0xffff, v42  }
0x1d3: {  	[tilespmem:v3+s20+$0x0] =	vst.idx.msk $0xffff, v6;
	v3 =	vor.u32 s3, v31  }
0x1d4: {  	[tilespmem:v5+s20+$0x0] =	vst.idx.msk $0xffff, v1;
	v1 =	vor.u32 s3, v40  }
0x1d5: {  	[tilespmem:v7+s20+$0x0] =	vst.idx.msk $0xffff, v9  }
0x1d6: {  	s7 =	sshll.u32 s26, $0xC;
	[tilespmem:v8+s20+$0x0] =	vst.idx.msk $0xffff, v4  }
0x1d7: {  	s4 =	sor.u32 s30, s7;
	[tilespmem:v63+s20+$0x0] =	vst.idx.msk $0xffff, v2  }
0x1d8: {  	v41 =	vld [tilespmem:$0x1FF80];
	s4 =	sshrl.u32 s4, $0x3;
	[tilespmem:v3+s20+$0x0] =	vst.idx.msk $0xffff, v0  }
0x1d9: {  	v56 =	vld [tilespmem:$0x1FFB0];
	s8 =	sor.u32 s31, s7;
	s4 =	sadd.s32 s0, s4;
	[tilespmem:v1+s20+$0x0] =	vst.idx.msk $0xffff, v39  }
0x1da: {  	v33 =	vld [tilespmem:$0x1FFC0];
	[hbm4b:s4+s1] =	stream.linear.scatter [tilespmem:s20], [sflag:$0x4], $0x1000, $0x38  }
0x1db: {  	s9 =	sadd.s32 $0x1, s9;
	v47 =	vld [tilespmem:$0x1FF70];
	s4 =	sshrl.u32 s8, $0x3  }
0x1dc: {  	v51 =	vld [tilespmem:$0x1FFD0];
	s26 =	sor.u32 s2, s7;
	p0 =	sne.s32 s9, $0x10;
	s4 =	sadd.s32 s0, s4  }
0x1dd: {  	v38 =	vld [tilespmem:$0x1FFE0];
	[hbm4b:s4+s1] =	stream.linear.scatter [tilespmem:s21], [sflag:$0x4], $0x1000, $0x38  }
.Ltmp2:
0x1de: {  	v45 =	vld [tilespmem:$0x1FF50];
	s3 =	sor.u32 s5, s7;
	s4 =	sshrl.u32 s26, $0x3;
	(pc) =	sbr.rel @p0 .LBB2_3-.Ltmp2, $4  }
0x1df: {  	v42 =	vld [tilespmem:$0x1FFF0];
	s3 =	sshrl.u32 s3, $0x3;
	s4 =	sadd.s32 s0, s4  }
0x1e0: {  	v6 =	vmov v46;
	v46 =	vld [tilespmem:$0x1FFA0];
	[hbm4b:s4+s1] =	stream.linear.scatter [tilespmem:s22], [sflag:$0x4], $0x1000, $0x38  }
0x1e1: {  	v14 =	vmov v17;
	s3 =	sadd.s32 s0, s3;
	v2 =	vld [tilespmem:$0x1FF90]  }
0x1e2: {  	v15 =	vmovc v18;
	v53 =	vmovc v22;
	v18 =	vmov v36;
	v21 =	vmov v62;
	v43 =	vlaneseq.u32;
	v0 =	vld [tilespmem:$0x1FF60];
	[hbm4b:s3+s1] =	stream.linear.scatter [tilespmem:s23], [sflag:$0x4], $0x1000, $0x38  }
0x1e3: {  	_ =	swait.ge [sflag:s24], $0x1000  }
0x1e4: {  	[sflag:s24] =	ssyncset.done $0x0  }
0x1e5: {  	[sflag:s24] =	ssyncadd.s32 $0xFFFFF000  }
0x1e6: {  	_ =	swait.ge [sflag:s24], $0x1000  }
0x1e7: {  	[sflag:s24] =	ssyncset.done $0x0  }
0x1e8: {  	[sflag:s24] =	ssyncadd.s32 $0xFFFFF000  }
0x1e9: {  	_ =	swait.ge [sflag:s24], $0x1000  }
0x1ea: {  	[sflag:s24] =	ssyncset.done $0x0  }
0x1eb: {  	[sflag:s24] =	ssyncadd.s32 $0xFFFFF000  }
0x1ec: {  	_ =	swait.ge [sflag:s24], $0x1000  }
0x1ed: {  	[sflag:s24] =	ssyncset.done $0x0  }
0x1ee: {  	[sflag:s24] =	ssyncadd.s32 $0xFFFFF000  }
0x1ef: {  	_ =	swait.ge [sflag:s25], $0x1000  }
0x1f0: {  	[sflag:s25] =	ssyncset.done $0x0  }
0x1f1: {  	[sflag:s25] =	ssyncadd.s32 $0xFFFFF000  }
0x1f2: {  	_ =	swait.ge [sflag:s25], $0x1000  }
0x1f3: {  	[sflag:s25] =	ssyncset.done $0x0  }
0x1f4: {  	[sflag:s25] =	ssyncadd.s32 $0xFFFFF000  }
0x1f5: {  	_ =	swait.ge [sflag:s25], $0x1000  }
0x1f6: {  	[sflag:s25] =	ssyncset.done $0x0  }
0x1f7: {  	[sflag:s25] =	ssyncadd.s32 $0xFFFFF000  }
0x1f8: {  	_ =	swait.ge [sflag:s25], $0x1000  }
0x1f9: {  	s28 =	sadd.s32 $0x1, s28;
	s2 =	rddreg [dreg:$0x5]  }
0x1fa: {  	p0 =	sne.s32 s28, s2  }
.Ltmp3:
0x1fb: {  	_ = 	snop;
	(pc) =	sbr.rel @p0 .LBB2_2-.Ltmp3, $3  }
0x1fc: {  	_ =	sdelay $0x1  }
0x1fd: {  	[sflag:s25] =	ssyncset.done $0x0  }
0x1fe: {  	[sflag:s25] =	ssyncadd.s32 $0xFFFFF000  }
0x1ff: {  	s3 =	rddreg [dreg:$0x8]  }
0x200: {  	s2 =	rddreg [dreg:$0x7];
	s3 =	sadd.s32 $0x1, s3  }
0x201: {  	p0 =	sne.s32 s3, s2  }
.Ltmp4:
0x202: {  	_ = 	snop;
	(pc) =	sbr.rel @p0 .LBB2_1-.Ltmp4, $1  }
0x203: {  	_ =	sdelay $0x3  }
0x204: {  	_ =	sfence.sel $0x180000  }
0x205: {  	[bflag:$0x0] =	sbarrier.arrive $0xFFFF  }
0x206: {  	_ =	strace $0x90000047  }
0x207: {  	s0 =	stileid.u32;
	[bflag:$0x2] =	sbarrier.arrive $0xFFFF  }
0x208: {  	p0 =	sne.s32 s0, $0x0;
	s0 =	rddreg [dreg:$0x2]  }
0x209: {  	s0 =	sadd.s32 @!p0 $0x100000, s0  }
0x20a: {  	[sflag:s0] =	ssyncadd.tile.s32 @!p0 $0x1;
	_ =	shalt  }
.Lfunc_end2:
_tile_overlayer_lowered:
.L_overlay_start_2:
0x20b: {  	(tag) =	ssettag $0x2  }
0x20c: {  	s0 =	rddreg [dreg:$0x0];
	s2 =	stileid.u32  }
0x20d: {  	s1 =	rddreg [dreg:$0x1];
	p0 =	sne.s32 s2, $0x0  }
0x20e: {  	s3 =	rddreg [dreg:$0x2];
	[bflag:$0x3] =	sbarrier.arrive $0xFFFF;
	s2 =	simm.s32 @!p0 $0x1C05  }
0x20f: {  	[timem:s3], [sflag:s2] =	dma.local @!p0 [hbm:s0], s1  }
0x210: {  	s0 =	simm.s32 @!p0 $0x5  }
0x211: {  	_ =	swait.ge @!p0 [sflag:s0], s1  }
0x212: {  	s1 =	ssub.s32 @!p0 $0x0, s1;
	[sflag:s0] =	ssyncset.done @!p0 $0x0  }
0x213: {  	[sflag:s0] =	ssyncadd.s32 @!p0 s1  }
0x214: {  	[bflag:$0x3] =	sbarrier.arrive $0xFFFF  }
0x215: {  	_ =	shalt  }

</sc_bundles>
